<compile_context>
chip_gen: v7x
topology: tpu7x:2x2x1
jax: 0.10.2.dev20260603
libtpu: 0.0.44.dev20260713+nightly
codegen_flags: <defaults>
</compile_context>

<pallas_src>
import functools

import jax
import jax.numpy as jnp
from jax import lax
from jax.experimental import pallas as pl
from jax.experimental.pallas import tpu as pltpu
from jax.experimental.pallas import tpu_sc as plsc

D = 128
N_MOD = 26
M_PAD = 32
V = 50
LANES = 16
N_WORKERS = 32
KK = 4
CHUNK = N_MOD * KK
KKM = KK * M_PAD

B_SC = 1024
TB = 256
NSC_BLOCKS = B_SC // TB


def _sc_body(nchunks, x_hbm, idx_hbm, types_hbm, emb_hbm, pe_hbm,
             w_hbm, out_hbm, xbuf, obuf, idxbuf, tbuf, embbuf, pebuf, wbuf,
             sem_in, sem_out):
    wid = lax.axis_index("s") * 2 + lax.axis_index("c")
    base0 = wid * nchunks * CHUNK

    pltpu.sync_copy(emb_hbm, embbuf)
    pltpu.sync_copy(pe_hbm, pebuf)
    pltpu.sync_copy(w_hbm, wbuf)

    wv = [[wbuf[k, pl.ds(16 * j, LANES)] for j in range(D // LANES)]
          for k in range(4)]
    lane = lax.iota(jnp.int32, 16)

    def _in_copies(c, s):
        base = base0 + c * CHUNK
        return [
            (x_hbm.at[pl.ds(base, CHUNK)],
             xbuf.at[pl.ds(s * CHUNK, CHUNK)]),
            (idx_hbm.at[pl.ds(base, CHUNK)],
             idxbuf.at[pl.ds(s * CHUNK, CHUNK)]),
            (types_hbm.at[pl.ds(base * 4, CHUNK * 4)],
             tbuf.at[pl.ds(s * CHUNK * 4, CHUNK * 4)]),
        ]

    def _out_copies(c, s):
        batch0 = (base0 + c * CHUNK) // N_MOD
        return [
            (obuf.at[pl.ds(s * KKM, KKM)],
             out_hbm.at[pl.ds(batch0 * M_PAD, KKM)])
        ]

    def start_in(c, s):
        for src, dst in _in_copies(c, s):
            pltpu.async_copy(src, dst, sem_in.at[s])

    def wait_in(c, s):
        for src, dst in _in_copies(c, s):
            pltpu.make_async_copy(src, dst, sem_in.at[s]).wait()

    def start_out(c, s):
        for src, dst in _out_copies(c, s):
            pltpu.async_copy(src, dst, sem_out.at[s])

    def wait_out(c, s):
        for src, dst in _out_copies(c, s):
            pltpu.make_async_copy(src, dst, sem_out.at[s]).wait()

    def compute(s):
        def m_body(m, carry_m):
            pe_v = [pebuf[m, pl.ds(16 * j, LANES)] for j in range(D // LANES)]
            for k in range(KK):
                r = m + N_MOD * k
                idxv = plsc.load_gather(
                    idxbuf, [jnp.full((LANES,), s * CHUNK + r, jnp.int32)])
                t = [plsc.load_gather(
                        tbuf, [jnp.full((LANES,), s * CHUNK * 4 + 4 * r + q,
                                        jnp.int32)])
                     for q in range(4)]
                for j in range(D // LANES):
                    g = plsc.load_gather(embbuf, [idxv, lane + 16 * j])
                    acc = g + pe_v[j]
                    acc = acc + t[0] * wv[0][j]
                    acc = acc + t[1] * wv[1][j]
                    acc = acc + t[2] * wv[2][j]
                    acc = acc + t[3] * wv[3][j]
                    acc = acc + xbuf[s * CHUNK + r, pl.ds(16 * j, LANES)]
                    obuf[s * KKM + k * M_PAD + m, pl.ds(16 * j, LANES)] = acc
            return carry_m

        lax.fori_loop(0, N_MOD, m_body, 0)

    start_in(0, 0)

    def chunk_body(c, carry):
        slot = lax.rem(c, 2)
        nxt = 1 - slot

        @pl.when(c + 1 < nchunks)
        def _prefetch():
            @pl.when(c >= 1)
            def _drain_prev_write():
                wait_out(c - 1, nxt)
            start_in(c + 1, nxt)

        wait_in(c, slot)
        compute(slot)
        start_out(c, slot)
        return carry

    lax.fori_loop(0, nchunks, chunk_body, 0)
    wait_out(nchunks - 2, lax.rem(nchunks - 2, 2))
    wait_out(nchunks - 1, lax.rem(nchunks - 1, 2))


def _sc_part(x3, idx2, types3, emb_table, pe_plus, W_type):
    batch, n_mod, d_model = x3.shape
    rows = batch * n_mod
    rows_per_worker = rows // N_WORKERS
    assert rows_per_worker * N_WORKERS == rows
    nchunks = rows_per_worker // CHUNK
    assert nchunks * CHUNK == rows_per_worker

    x2 = x3.reshape(rows, d_model)
    idx = idx2.reshape(rows)
    types_flat = types3.reshape(rows * 4)

    grid_kernel = pl.kernel(
        functools.partial(_sc_body, nchunks),
        out_type=jax.ShapeDtypeStruct((batch * M_PAD, d_model), jnp.float32),
        mesh=plsc.VectorSubcoreMesh(core_axis_name="c", subcore_axis_name="s"),
        scratch_types=[
            pltpu.VMEM((2 * CHUNK, d_model), jnp.float32),
            pltpu.VMEM((2 * KKM, d_model), jnp.float32),
            pltpu.VMEM((2 * CHUNK,), jnp.int32),
            pltpu.VMEM((2 * CHUNK * 4,), jnp.float32),
            pltpu.VMEM(emb_table.shape, jnp.float32),
            pltpu.VMEM((n_mod, d_model), jnp.float32),
            pltpu.VMEM((4, d_model), jnp.float32),
            pltpu.SemaphoreType.DMA((2,)),
            pltpu.SemaphoreType.DMA((2,)),
        ],
        compiler_params=pltpu.CompilerParams(needs_layout_passes=False),
    )
    return grid_kernel(x2, idx, types_flat, emb_table, pe_plus, W_type)


def _tc_body(x_ref, idx_ref, tp_ref, ohm_ref, bm_ref, sc_ref, o_ref):
    i = pl.program_id(0)

    @pl.when(i < NSC_BLOCKS)
    def _passthrough():
        sc = sc_ref[...].reshape(TB, M_PAD, D)
        o_ref[:, 0:24, :] = sc[:, 0:24, :]
        o_ref[:, 24, :] = sc[:, 24, :]
        o_ref[:, 25, :] = sc[:, 25, :]

    @pl.when(i >= NSC_BLOCKS)
    def _compute():
        idx2d = idx_ref[...].reshape(M_PAD, TB * M_PAD // M_PAD)
        pieces = []
        for g in range(M_PAD):
            bc = jnp.broadcast_to(idx2d[g][None, :], (56, TB))
            pieces.append((bc == lax.broadcasted_iota(
                jnp.int32, (56, TB), 0)).astype(jnp.float32))
        oh_t = jnp.concatenate(pieces, axis=1)

        a_t = jnp.concatenate([oh_t, ohm_ref[...], tp_ref[...]], axis=0)
        ad = lax.dot_general(a_t, bm_ref[...], (((0,), (0,)), ((), ())),
                             preferred_element_type=jnp.float32)
        ad3 = ad.reshape(TB, M_PAD, D)
        x3 = x_ref[...]
        o_ref[:, 0:24, :] = x3[:, 0:24, :] + ad3[:, 0:24, :]
        o_ref[:, 24, :] = x3[:, 24, :] + ad3[:, 24, :]
        o_ref[:, 25, :] = x3[:, 25, :] + ad3[:, 25, :]


def _tc_assemble(x, idx_pad, tp, ohm, bigmat, sc_out):
    batch = x.shape[0]
    grid = (batch // TB,)
    nsc = NSC_BLOCKS
    rpb = TB * M_PAD
    return pl.pallas_call(
        _tc_body,
        grid=grid,
        in_specs=[
            pl.BlockSpec((TB, N_MOD, D), lambda i: (jnp.maximum(i, nsc), 0, 0)),
            pl.BlockSpec((rpb,), lambda i: (jnp.maximum(i, nsc),)),
            pl.BlockSpec((8, rpb), lambda i: (0, jnp.maximum(i, nsc))),
            pl.BlockSpec((M_PAD, rpb), lambda i: (0, 0)),
            pl.BlockSpec((96, D), lambda i: (0, 0)),
            pl.BlockSpec((rpb, D), lambda i: (jnp.minimum(i, nsc - 1), 0)),
        ],
        out_specs=pl.BlockSpec((TB, N_MOD, D), lambda i: (i, 0, 0)),
        out_shape=jax.ShapeDtypeStruct((batch, N_MOD, D), jnp.float32),
    )(x, idx_pad, tp, ohm, bigmat, sc_out)


def _make_pe_plus(n_mod, d_model, b_type):
    position = jnp.arange(0, n_mod, dtype=jnp.float32)[:, None]
    div_term = jnp.exp(jnp.arange(0, d_model, 2, dtype=jnp.float32)
                       * (-(jnp.log(10000.0) / d_model)))
    pe = jnp.zeros((n_mod, d_model), dtype=jnp.float32)
    pe = pe.at[:, 0::2].set(jnp.sin(position * div_term))
    pe = pe.at[:, 1::2].set(jnp.cos(position * div_term))
    return pe + b_type[None, :]


def kernel(x, modality_indices, modality_types, emb_table, W_type, b_type):
    batch, n_mod, d_model = x.shape
    assert n_mod == N_MOD and d_model == D
    pe_plus = _make_pe_plus(n_mod, d_model, b_type)
    idx_all = modality_indices.astype(jnp.int32)

    idx_pad = jnp.pad(idx_all, ((0, 0), (0, M_PAD - N_MOD))).reshape(
        batch * M_PAD)
    tp = jnp.pad(jnp.transpose(modality_types, (2, 0, 1)),
                 ((0, 4), (0, 0), (0, M_PAD - N_MOD))).reshape(
        8, batch * M_PAD)
    r_mod = jnp.remainder(jnp.arange(TB * M_PAD, dtype=jnp.int32), M_PAD)
    ohm = (r_mod[None, :] == jnp.arange(M_PAD, dtype=jnp.int32)[:, None]
           ).astype(jnp.float32)
    bigmat = jnp.zeros((96, D), jnp.float32)
    bigmat = bigmat.at[0:V].set(emb_table)
    bigmat = bigmat.at[56:56 + N_MOD].set(pe_plus)
    bigmat = bigmat.at[88:92].set(W_type)

    sc_out = _sc_part(x[:B_SC], idx_all[:B_SC], modality_types[:B_SC],
                      emb_table, pe_plus, W_type)
    return _tc_assemble(x, idx_pad, tp, ohm, bigmat, sc_out)

# --- scband reference (transcript-rebuilt; emitter-appended) ---
"""Pipeline reference for scband-multi-modal-positional-encoding-83872121356768 (READ-ONLY COPY).

The authoritative reference and input builder live on the scoring server;
editing this copy changes nothing except your own understanding.
"""

import jax, jax.numpy as jnp
import numpy as np

D_MODEL = 128
MAX_MODALITIES = 50
BATCH = 16384
N_MOD = 26

def setup_inputs(seed: int = 0) -> dict:
    key = jax.random.key(seed)
    k1, k2, k3, k4, k5, k6 = jax.random.split(key, 6)
    x = jax.random.normal(k1, (BATCH, N_MOD, D_MODEL), dtype=jnp.float32)
    modality_indices = jax.random.randint(k2, (BATCH, N_MOD), 0, MAX_MODALITIES).astype(jnp.int64)
    modality_types = jax.random.normal(k3, (BATCH, N_MOD, 4), dtype=jnp.float32)
    emb_table = jax.random.normal(k4, (MAX_MODALITIES, D_MODEL), dtype=jnp.float32) * 0.02
    W_type = jax.random.normal(k5, (4, D_MODEL), dtype=jnp.float32) * 0.02
    b_type = jax.random.normal(k6, (D_MODEL,), dtype=jnp.float32) * 0.02
    return {"x": x, "modality_indices": modality_indices, "modality_types": modality_types,
            "emb_table": emb_table, "W_type": W_type, "b_type": b_type}

def _make_pe(max_modalities: int, d_model: int) -> jnp.ndarray:
    position = jnp.arange(0, max_modalities, dtype=jnp.float32)[:, None]
    div_term = jnp.exp(jnp.arange(0, d_model, 2, dtype=jnp.float32) * (-(np.log(10000.0) / d_model)))
    pe = jnp.zeros((max_modalities, d_model), dtype=jnp.float32)
    pe = pe.at[:, 0::2].set(jnp.sin(position * div_term))
    pe = pe.at[:, 1::2].set(jnp.cos(position * div_term))
    return pe

def reference(x, modality_indices, modality_types, emb_table, W_type, b_type):
    batch_size, n_modalities, d_model = x.shape
    # embedding lookup (gather)
    modality_emb = jnp.take(emb_table, modality_indices, axis=0)
    out = x + modality_emb
    # fixed sinusoidal positional encoding buffer
    pe = _make_pe(MAX_MODALITIES, d_model)
    out = out + pe[:n_modalities][None, :, :]
    # modality type projection (Linear(4, d_model))
    type_emb = modality_types @ W_type + b_type
    out = out + type_emb
    return out

if __name__ == "__main__":
    import jax
    _d = setup_inputs()
    print(jax.jit(kernel)(*tuple(_d.values())))

</pallas_src>

<mosaic_0001>
#map = affine_map<(d0, d1) -> (0, 0)>
#map1 = affine_map<(d0, d1) -> (0)>
module attributes {stable_mosaic.version = 14 : i64} {
  func.func @_sc_body(%arg0: i32, %arg1: i32, %arg2: memref<26624x128xf32, #tpu.memory_space<hbm>>, %arg3: memref<26624xi32, #tpu.memory_space<hbm>>, %arg4: memref<106496xf32, #tpu.memory_space<hbm>>, %arg5: memref<50x128xf32, #tpu.memory_space<hbm>>, %arg6: memref<26x128xf32, #tpu.memory_space<hbm>>, %arg7: memref<4x128xf32, #tpu.memory_space<hbm>>, %arg8: memref<32768x128xf32, #tpu.memory_space<hbm>>, %arg9: memref<208x128xf32, #tpu.memory_space<vmem>>, %arg10: memref<256x128xf32, #tpu.memory_space<vmem>>, %arg11: memref<208xi32, #tpu.memory_space<vmem>>, %arg12: memref<832xf32, #tpu.memory_space<vmem>>, %arg13: memref<50x128xf32, #tpu.memory_space<vmem>>, %arg14: memref<26x128xf32, #tpu.memory_space<vmem>>, %arg15: memref<4x128xf32, #tpu.memory_space<vmem>>, %arg16: memref<2x!tpu.dma_semaphore, #tpu.memory_space<semaphore_mem>>, %arg17: memref<2x!tpu.dma_semaphore, #tpu.memory_space<semaphore_mem>>) attributes {dimension_semantics = [#tpu.dimension_semantics<core_parallel>, #tpu.dimension_semantics<subcore_parallel>], iteration_bounds = array<i64: 2, 16>, scalar_prefetch = 0 : i64, scratch_operands = 9 : i64, tpu.core_type = #tpu.core_type<sc_vector_subcore>, window_params = [{transform_indices = #map}, {transform_indices = #map1}, {transform_indices = #map1}, {transform_indices = #map}, {transform_indices = #map}, {transform_indices = #map}, {transform_indices = #map}]} {
    %mul3A = arith.constant 2 : i32
    %mul3A_0 = arith.muli %arg1, %mul3A : i32
    %add3A = arith.addi %mul3A_0, %arg0 : i32
    %mul3A_1 = arith.constant 8 : i32
    %mul3A_2 = arith.muli %add3A, %mul3A_1 : i32
    %mul3A_3 = arith.constant 104 : i32
    %mul3A_4 = arith.muli %mul3A_2, %mul3A_3 : i32
    "tpu.region"() ({
      %run_scoped3A = tpu.sem_alloc : memref<!tpu.dma_semaphore, #tpu.memory_space<semaphore_mem>>
      tpu.enqueue_dma source(%arg5 : memref<50x128xf32, #tpu.memory_space<hbm>>) target(%arg13 : memref<50x128xf32, #tpu.memory_space<vmem>>) target_semaphore(%run_scoped3A : memref<!tpu.dma_semaphore, #tpu.memory_space<semaphore_mem>>)
      tpu.wait_dma2 semaphore(%run_scoped3A : memref<!tpu.dma_semaphore, #tpu.memory_space<semaphore_mem>>) src(%arg5 : memref<50x128xf32, #tpu.memory_space<hbm>>) dst(%arg13 : memref<50x128xf32, #tpu.memory_space<vmem>>)
      tpu.yield
    }) : () -> ()
    "tpu.region"() ({
      %run_scoped3A = tpu.sem_alloc : memref<!tpu.dma_semaphore, #tpu.memory_space<semaphore_mem>>
      tpu.enqueue_dma source(%arg6 : memref<26x128xf32, #tpu.memory_space<hbm>>) target(%arg14 : memref<26x128xf32, #tpu.memory_space<vmem>>) target_semaphore(%run_scoped3A : memref<!tpu.dma_semaphore, #tpu.memory_space<semaphore_mem>>)
      tpu.wait_dma2 semaphore(%run_scoped3A : memref<!tpu.dma_semaphore, #tpu.memory_space<semaphore_mem>>) src(%arg6 : memref<26x128xf32, #tpu.memory_space<hbm>>) dst(%arg14 : memref<26x128xf32, #tpu.memory_space<vmem>>)
      tpu.yield
    }) : () -> ()
    "tpu.region"() ({
      %run_scoped3A = tpu.sem_alloc : memref<!tpu.dma_semaphore, #tpu.memory_space<semaphore_mem>>
      tpu.enqueue_dma source(%arg7 : memref<4x128xf32, #tpu.memory_space<hbm>>) target(%arg15 : memref<4x128xf32, #tpu.memory_space<vmem>>) target_semaphore(%run_scoped3A : memref<!tpu.dma_semaphore, #tpu.memory_space<semaphore_mem>>)
      tpu.wait_dma2 semaphore(%run_scoped3A : memref<!tpu.dma_semaphore, #tpu.memory_space<semaphore_mem>>) src(%arg7 : memref<4x128xf32, #tpu.memory_space<hbm>>) dst(%arg15 : memref<4x128xf32, #tpu.memory_space<vmem>>)
      tpu.yield
    }) : () -> ()
    %get3A = arith.constant 0 : i32
    %get3A_5 = arith.index_cast %get3A : i32 to index
    %get3A_6 = arith.constant 0 : index
    %get3A_7 = tpu.vector_load %arg15[%get3A_5, %get3A_6] {strides = array<i32>} : memref<4x128xf32, #tpu.memory_space<vmem>>, vector<16xf32>,
    %get3A_8 = arith.constant 0 : i32
    %get3A_9 = arith.index_cast %get3A_8 : i32 to index
    %get3A_10 = arith.constant 16 : index
    %get3A_11 = tpu.vector_load %arg15[%get3A_9, %get3A_10] {strides = array<i32>} : memref<4x128xf32, #tpu.memory_space<vmem>>, vector<16xf32>,
    %get3A_12 = arith.constant 0 : i32
    %get3A_13 = arith.index_cast %get3A_12 : i32 to index
    %get3A_14 = arith.constant 32 : index
    %get3A_15 = tpu.vector_load %arg15[%get3A_13, %get3A_14] {strides = array<i32>} : memref<4x128xf32, #tpu.memory_space<vmem>>, vector<16xf32>,
    %get3A_16 = arith.constant 0 : i32
    %get3A_17 = arith.index_cast %get3A_16 : i32 to index
    %get3A_18 = arith.constant 48 : index
    %get3A_19 = tpu.vector_load %arg15[%get3A_17, %get3A_18] {strides = array<i32>} : memref<4x128xf32, #tpu.memory_space<vmem>>, vector<16xf32>,
    %get3A_20 = arith.constant 0 : i32
    %get3A_21 = arith.index_cast %get3A_20 : i32 to index
    %get3A_22 = arith.constant 64 : index
    %get3A_23 = tpu.vector_load %arg15[%get3A_21, %get3A_22] {strides = array<i32>} : memref<4x128xf32, #tpu.memory_space<vmem>>, vector<16xf32>,
    %get3A_24 = arith.constant 0 : i32
    %get3A_25 = arith.index_cast %get3A_24 : i32 to index
    %get3A_26 = arith.constant 80 : index
    %get3A_27 = tpu.vector_load %arg15[%get3A_25, %get3A_26] {strides = array<i32>} : memref<4x128xf32, #tpu.memory_space<vmem>>, vector<16xf32>,
    %get3A_28 = arith.constant 0 : i32
    %get3A_29 = arith.index_cast %get3A_28 : i32 to index
    %get3A_30 = arith.constant 96 : index
    %get3A_31 = tpu.vector_load %arg15[%get3A_29, %get3A_30] {strides = array<i32>} : memref<4x128xf32, #tpu.memory_space<vmem>>, vector<16xf32>,
    %get3A_32 = arith.constant 0 : i32
    %get3A_33 = arith.index_cast %get3A_32 : i32 to index
    %get3A_34 = arith.constant 112 : index
    %get3A_35 = tpu.vector_load %arg15[%get3A_33, %get3A_34] {strides = array<i32>} : memref<4x128xf32, #tpu.memory_space<vmem>>, vector<16xf32>,
    %get3A_36 = arith.constant 1 : i32
    %get3A_37 = arith.index_cast %get3A_36 : i32 to index
    %get3A_38 = arith.constant 0 : index
    %get3A_39 = tpu.vector_load %arg15[%get3A_37, %get3A_38] {strides = array<i32>} : memref<4x128xf32, #tpu.memory_space<vmem>>, vector<16xf32>,
    %get3A_40 = arith.constant 1 : i32
    %get3A_41 = arith.index_cast %get3A_40 : i32 to index
    %get3A_42 = arith.constant 16 : index
    %get3A_43 = tpu.vector_load %arg15[%get3A_41, %get3A_42] {strides = array<i32>} : memref<4x128xf32, #tpu.memory_space<vmem>>, vector<16xf32>,
    %get3A_44 = arith.constant 1 : i32
    %get3A_45 = arith.index_cast %get3A_44 : i32 to index
    %get3A_46 = arith.constant 32 : index
    %get3A_47 = tpu.vector_load %arg15[%get3A_45, %get3A_46] {strides = array<i32>} : memref<4x128xf32, #tpu.memory_space<vmem>>, vector<16xf32>,
    %get3A_48 = arith.constant 1 : i32
    %get3A_49 = arith.index_cast %get3A_48 : i32 to index
    %get3A_50 = arith.constant 48 : index
    %get3A_51 = tpu.vector_load %arg15[%get3A_49, %get3A_50] {strides = array<i32>} : memref<4x128xf32, #tpu.memory_space<vmem>>, vector<16xf32>,
    %get3A_52 = arith.constant 1 : i32
    %get3A_53 = arith.index_cast %get3A_52 : i32 to index
    %get3A_54 = arith.constant 64 : index
    %get3A_55 = tpu.vector_load %arg15[%get3A_53, %get3A_54] {strides = array<i32>} : memref<4x128xf32, #tpu.memory_space<vmem>>, vector<16xf32>,
    %get3A_56 = arith.constant 1 : i32
    %get3A_57 = arith.index_cast %get3A_56 : i32 to index
    %get3A_58 = arith.constant 80 : index
    %get3A_59 = tpu.vector_load %arg15[%get3A_57, %get3A_58] {strides = array<i32>} : memref<4x128xf32, #tpu.memory_space<vmem>>, vector<16xf32>,
    %get3A_60 = arith.constant 1 : i32
    %get3A_61 = arith.index_cast %get3A_60 : i32 to index
    %get3A_62 = arith.constant 96 : index
    %get3A_63 = tpu.vector_load %arg15[%get3A_61, %get3A_62] {strides = array<i32>} : memref<4x128xf32, #tpu.memory_space<vmem>>, vector<16xf32>,
    %get3A_64 = arith.constant 1 : i32
    %get3A_65 = arith.index_cast %get3A_64 : i32 to index
    %get3A_66 = arith.constant 112 : index
    %get3A_67 = tpu.vector_load %arg15[%get3A_65, %get3A_66] {strides = array<i32>} : memref<4x128xf32, #tpu.memory_space<vmem>>, vector<16xf32>,
    %get3A_68 = arith.constant 2 : i32
    %get3A_69 = arith.index_cast %get3A_68 : i32 to index
    %get3A_70 = arith.constant 0 : index
    %get3A_71 = tpu.vector_load %arg15[%get3A_69, %get3A_70] {strides = array<i32>} : memref<4x128xf32, #tpu.memory_space<vmem>>, vector<16xf32>,
    %get3A_72 = arith.constant 2 : i32
    %get3A_73 = arith.index_cast %get3A_72 : i32 to index
    %get3A_74 = arith.constant 16 : index
    %get3A_75 = tpu.vector_load %arg15[%get3A_73, %get3A_74] {strides = array<i32>} : memref<4x128xf32, #tpu.memory_space<vmem>>, vector<16xf32>,
    %get3A_76 = arith.constant 2 : i32
    %get3A_77 = arith.index_cast %get3A_76 : i32 to index
    %get3A_78 = arith.constant 32 : index
    %get3A_79 = tpu.vector_load %arg15[%get3A_77, %get3A_78] {strides = array<i32>} : memref<4x128xf32, #tpu.memory_space<vmem>>, vector<16xf32>,
    %get3A_80 = arith.constant 2 : i32
    %get3A_81 = arith.index_cast %get3A_80 : i32 to index
    %get3A_82 = arith.constant 48 : index
    %get3A_83 = tpu.vector_load %arg15[%get3A_81, %get3A_82] {strides = array<i32>} : memref<4x128xf32, #tpu.memory_space<vmem>>, vector<16xf32>,
    %get3A_84 = arith.constant 2 : i32
    %get3A_85 = arith.index_cast %get3A_84 : i32 to index
    %get3A_86 = arith.constant 64 : index
    %get3A_87 = tpu.vector_load %arg15[%get3A_85, %get3A_86] {strides = array<i32>} : memref<4x128xf32, #tpu.memory_space<vmem>>, vector<16xf32>,
    %get3A_88 = arith.constant 2 : i32
    %get3A_89 = arith.index_cast %get3A_88 : i32 to index
    %get3A_90 = arith.constant 80 : index
    %get3A_91 = tpu.vector_load %arg15[%get3A_89, %get3A_90] {strides = array<i32>} : memref<4x128xf32, #tpu.memory_space<vmem>>, vector<16xf32>,
    %get3A_92 = arith.constant 2 : i32
    %get3A_93 = arith.index_cast %get3A_92 : i32 to index
    %get3A_94 = arith.constant 96 : index
    %get3A_95 = tpu.vector_load %arg15[%get3A_93, %get3A_94] {strides = array<i32>} : memref<4x128xf32, #tpu.memory_space<vmem>>, vector<16xf32>,
    %get3A_96 = arith.constant 2 : i32
    %get3A_97 = arith.index_cast %get3A_96 : i32 to index
    %get3A_98 = arith.constant 112 : index
    %get3A_99 = tpu.vector_load %arg15[%get3A_97, %get3A_98] {strides = array<i32>} : memref<4x128xf32, #tpu.memory_space<vmem>>, vector<16xf32>,
    %get3A_100 = arith.constant 3 : i32
    %get3A_101 = arith.index_cast %get3A_100 : i32 to index
    %get3A_102 = arith.constant 0 : index
    %get3A_103 = tpu.vector_load %arg15[%get3A_101, %get3A_102] {strides = array<i32>} : memref<4x128xf32, #tpu.memory_space<vmem>>, vector<16xf32>,
    %get3A_104 = arith.constant 3 : i32
    %get3A_105 = arith.index_cast %get3A_104 : i32 to index
    %get3A_106 = arith.constant 16 : index
    %get3A_107 = tpu.vector_load %arg15[%get3A_105, %get3A_106] {strides = array<i32>} : memref<4x128xf32, #tpu.memory_space<vmem>>, vector<16xf32>,
    %get3A_108 = arith.constant 3 : i32
    %get3A_109 = arith.index_cast %get3A_108 : i32 to index
    %get3A_110 = arith.constant 32 : index
    %get3A_111 = tpu.vector_load %arg15[%get3A_109, %get3A_110] {strides = array<i32>} : memref<4x128xf32, #tpu.memory_space<vmem>>, vector<16xf32>,
    %get3A_112 = arith.constant 3 : i32
    %get3A_113 = arith.index_cast %get3A_112 : i32 to index
    %get3A_114 = arith.constant 48 : index
    %get3A_115 = tpu.vector_load %arg15[%get3A_113, %get3A_114] {strides = array<i32>} : memref<4x128xf32, #tpu.memory_space<vmem>>, vector<16xf32>,
    %get3A_116 = arith.constant 3 : i32
    %get3A_117 = arith.index_cast %get3A_116 : i32 to index
    %get3A_118 = arith.constant 64 : index
    %get3A_119 = tpu.vector_load %arg15[%get3A_117, %get3A_118] {strides = array<i32>} : memref<4x128xf32, #tpu.memory_space<vmem>>, vector<16xf32>,
    %get3A_120 = arith.constant 3 : i32
    %get3A_121 = arith.index_cast %get3A_120 : i32 to index
    %get3A_122 = arith.constant 80 : index
    %get3A_123 = tpu.vector_load %arg15[%get3A_121, %get3A_122] {strides = array<i32>} : memref<4x128xf32, #tpu.memory_space<vmem>>, vector<16xf32>,
    %get3A_124 = arith.constant 3 : i32
    %get3A_125 = arith.index_cast %get3A_124 : i32 to index
    %get3A_126 = arith.constant 96 : index
    %get3A_127 = tpu.vector_load %arg15[%get3A_125, %get3A_126] {strides = array<i32>} : memref<4x128xf32, #tpu.memory_space<vmem>>, vector<16xf32>,
    %get3A_128 = arith.constant 3 : i32
    %get3A_129 = arith.index_cast %get3A_128 : i32 to index
    %get3A_130 = arith.constant 112 : index
    %get3A_131 = tpu.vector_load %arg15[%get3A_129, %get3A_130] {strides = array<i32>} : memref<4x128xf32, #tpu.memory_space<vmem>>, vector<16xf32>,
    %iota3A = tpu.iota {dimensions = array<i32: 0>} : vector<16xi32>
    %add3A_132 = arith.constant 0 : i32
    %add3A_133 = arith.addi %mul3A_4, %add3A_132 : i32
    %mul3A_134 = arith.constant 4 : i32
    %mul3A_135 = arith.muli %add3A_133, %mul3A_134 : i32
    %dma_start3A = arith.constant 0 : i32
    %dma_start3A_136 = arith.constant 0 : i32
    %dma_start3A_137 = arith.constant 0 : i32
    %dma_start3A_138 = tpu.memref_slice %arg9[%dma_start3A_136, %dma_start3A_137] : memref<208x128xf32, #tpu.memory_space<vmem>> -> memref<104x128xf32, #tpu.memory_space<vmem>>
    %dma_start3A_139 = arith.constant 0 : i32
    %dma_start3A_140 = tpu.memref_slice %arg2[%add3A_133, %dma_start3A_139] : memref<26624x128xf32, #tpu.memory_space<hbm>> -> memref<104x128xf32, #tpu.memory_space<hbm>>
    %dma_start3A_141 = tpu.memref_slice %arg16[%dma_start3A] : memref<2x!tpu.dma_semaphore, #tpu.memory_space<semaphore_mem>> -> memref<1x!tpu.dma_semaphore, #tpu.memory_space<semaphore_mem>>
    %dma_start3A_142 = tpu.memref_squeeze %dma_start3A_141 : memref<1x!tpu.dma_semaphore, #tpu.memory_space<semaphore_mem>> -> memref<!tpu.dma_semaphore, #tpu.memory_space<semaphore_mem>>
    %dma_start3A_143 = arith.constant 0 : i32
    %dma_start3A_144 = arith.constant 0 : i32
    %dma_start3A_145 = tpu.memref_slice %arg9[%dma_start3A_143, %dma_start3A_144] : memref<208x128xf32, #tpu.memory_space<vmem>> -> memref<104x128xf32, #tpu.memory_space<vmem>>
    %dma_start3A_146 = arith.constant 0 : i32
    %dma_start3A_147 = tpu.memref_slice %arg2[%add3A_133, %dma_start3A_146] : memref<26624x128xf32, #tpu.memory_space<hbm>> -> memref<104x128xf32, #tpu.memory_space<hbm>>
    tpu.enqueue_dma source(%dma_start3A_147 : memref<104x128xf32, #tpu.memory_space<hbm>>) target(%dma_start3A_145 : memref<104x128xf32, #tpu.memory_space<vmem>>) target_semaphore(%dma_start3A_142 : memref<!tpu.dma_semaphore, #tpu.memory_space<semaphore_mem>>)
    %dma_start3A_148 = arith.constant 0 : i32
    %dma_start3A_149 = arith.constant 0 : i32
    %dma_start3A_150 = tpu.memref_slice %arg11[%dma_start3A_149] : memref<208xi32, #tpu.memory_space<vmem>> -> memref<104xi32, #tpu.memory_space<vmem>>
    %dma_start3A_151 = tpu.memref_slice %arg3[%add3A_133] : memref<26624xi32, #tpu.memory_space<hbm>> -> memref<104xi32, #tpu.memory_space<hbm>>
    %dma_start3A_152 = tpu.memref_slice %arg16[%dma_start3A_148] : memref<2x!tpu.dma_semaphore, #tpu.memory_space<semaphore_mem>> -> memref<1x!tpu.dma_semaphore, #tpu.memory_space<semaphore_mem>>
    %dma_start3A_153 = tpu.memref_squeeze %dma_start3A_152 : memref<1x!tpu.dma_semaphore, #tpu.memory_space<semaphore_mem>> -> memref<!tpu.dma_semaphore, #tpu.memory_space<semaphore_mem>>
    %dma_start3A_154 = arith.constant 0 : i32
    %dma_start3A_155 = tpu.memref_slice %arg11[%dma_start3A_154] : memref<208xi32, #tpu.memory_space<vmem>> -> memref<104xi32, #tpu.memory_space<vmem>>
    %dma_start3A_156 = tpu.memref_slice %arg3[%add3A_133] : memref<26624xi32, #tpu.memory_space<hbm>> -> memref<104xi32, #tpu.memory_space<hbm>>
    tpu.enqueue_dma source(%dma_start3A_156 : memref<104xi32, #tpu.memory_space<hbm>>) target(%dma_start3A_155 : memref<104xi32, #tpu.memory_space<vmem>>) target_semaphore(%dma_start3A_153 : memref<!tpu.dma_semaphore, #tpu.memory_space<semaphore_mem>>)
    %dma_start3A_157 = arith.constant 0 : i32
    %dma_start3A_158 = arith.constant 0 : i32
    %dma_start3A_159 = tpu.memref_slice %arg12[%dma_start3A_158] : memref<832xf32, #tpu.memory_space<vmem>> -> memref<416xf32, #tpu.memory_space<vmem>>
    %dma_start3A_160 = tpu.memref_slice %arg4[%mul3A_135] : memref<106496xf32, #tpu.memory_space<hbm>> -> memref<416xf32, #tpu.memory_space<hbm>>
    %dma_start3A_161 = tpu.memref_slice %arg16[%dma_start3A_157] : memref<2x!tpu.dma_semaphore, #tpu.memory_space<semaphore_mem>> -> memref<1x!tpu.dma_semaphore, #tpu.memory_space<semaphore_mem>>
    %dma_start3A_162 = tpu.memref_squeeze %dma_start3A_161 : memref<1x!tpu.dma_semaphore, #tpu.memory_space<semaphore_mem>> -> memref<!tpu.dma_semaphore, #tpu.memory_space<semaphore_mem>>
    %dma_start3A_163 = arith.constant 0 : i32
    %dma_start3A_164 = tpu.memref_slice %arg12[%dma_start3A_163] : memref<832xf32, #tpu.memory_space<vmem>> -> memref<416xf32, #tpu.memory_space<vmem>>
    %dma_start3A_165 = tpu.memref_slice %arg4[%mul3A_135] : memref<106496xf32, #tpu.memory_space<hbm>> -> memref<416xf32, #tpu.memory_space<hbm>>
    tpu.enqueue_dma source(%dma_start3A_165 : memref<416xf32, #tpu.memory_space<hbm>>) target(%dma_start3A_164 : memref<416xf32, #tpu.memory_space<vmem>>) target_semaphore(%dma_start3A_162 : memref<!tpu.dma_semaphore, #tpu.memory_space<semaphore_mem>>)
    %scan3A = arith.constant 0 : i32
    %scan3A_166 = arith.constant 0 : i32
    %scan3A_167 = arith.constant 8 : i32
    %scan3A_168 = arith.addi %scan3A_166, %scan3A_167 : i32
    %scan3A_169 = arith.constant 1 : i32
    scf.for %scan3A_248 = %scan3A_166 to %scan3A_168 step %scan3A_169  : i32 {
      %rem3A_249 = arith.constant 2 : i32
      %rem3A_250 = arith.remsi %scan3A_248, %rem3A_249 : i32
      %sub3A_251 = arith.constant 1 : i32
      %sub3A_252 = arith.subi %sub3A_251, %rem3A_250 : i32
      %add3A_253 = arith.constant 1 : i32
      %add3A_254 = arith.addi %scan3A_248, %add3A_253 : i32
      %lt3A = arith.constant 8 : i32
      %lt3A_255 = arith.cmpi slt, %add3A_254, %lt3A : i32
      %convert_element_type3A = arith.extui %lt3A_255 : i1 to i32
      %cond3A = arith.constant 0 : i32
      %cond3A_256 = arith.cmpi ne, %convert_element_type3A, %cond3A : i32
      scf.if %cond3A_256 {
        %ge3A = arith.constant 1 : i32
        %ge3A_339 = arith.cmpi sge, %scan3A_248, %ge3A : i32
        %convert_element_type3A_340 = arith.extui %ge3A_339 : i1 to i32
        %cond3A_341 = arith.constant 0 : i32
        %cond3A_342 = arith.cmpi ne, %convert_element_type3A_340, %cond3A_341 : i32
        scf.if %cond3A_342 {
          %sub3A_380 = arith.constant 1 : i32
          %sub3A_381 = arith.subi %scan3A_248, %sub3A_380 : i32
          %mul3A_382 = arith.constant 104 : i32
          %mul3A_383 = arith.muli %sub3A_381, %mul3A_382 : i32
          %add3A_384 = arith.addi %mul3A_4, %mul3A_383 : i32
          %jit3A_385 = arith.constant 26 : i32
          %div3A_386 = arith.divsi %add3A_384, %jit3A_385 : i32
          %sign3A_387 = arith.constant 0 : i32
          %sign3A_388 = arith.cmpi sgt, %add3A_384, %sign3A_387 : i32
          %sign3A_389 = arith.extui %sign3A_388 : i1 to i32
          %sign3A_390 = arith.constant 0 : i32
          %sign3A_391 = arith.cmpi slt, %add3A_384, %sign3A_390 : i32
          %sign3A_392 = arith.extui %sign3A_391 : i1 to i32
          %sign3A_393 = arith.subi %sign3A_389, %sign3A_392 : i32
          %sign3A_394 = arith.constant 0 : i32
          %sign3A_395 = arith.cmpi sgt, %jit3A_385, %sign3A_394 : i32
          %sign3A_396 = arith.extui %sign3A_395 : i1 to i32
          %sign3A_397 = arith.constant 0 : i32
          %sign3A_398 = arith.cmpi slt, %jit3A_385, %sign3A_397 : i32
          %sign3A_399 = arith.extui %sign3A_398 : i1 to i32
          %sign3A_400 = arith.subi %sign3A_396, %sign3A_399 : i32
          %ne3A_401 = arith.cmpi ne, %sign3A_393, %sign3A_400 : i32
          %rem3A_402 = arith.remsi %add3A_384, %jit3A_385 : i32
          %ne3A_403 = arith.constant 0 : i32
          %ne3A_404 = arith.cmpi ne, %rem3A_402, %ne3A_403 : i32
          %and3A_405 = arith.andi %ne3A_401, %ne3A_404 : i1
          %sub3A_406 = arith.constant 1 : i32
          %sub3A_407 = arith.subi %div3A_386, %sub3A_406 : i32
          %select_n3A_408 = arith.select %and3A_405, %sub3A_407, %div3A_386 : i32
          %mul3A_409 = arith.constant 128 : i32
          %mul3A_410 = arith.muli %sub3A_252, %mul3A_409 : i32
          %mul3A_411 = arith.constant 32 : i32
          %mul3A_412 = arith.muli %select_n3A_408, %mul3A_411 : i32
          %dma_wait3A_413 = arith.constant 0 : i32
          %dma_wait3A_414 = tpu.memref_slice %arg10[%mul3A_410, %dma_wait3A_413] : memref<256x128xf32, #tpu.memory_space<vmem>> -> memref<128x128xf32, #tpu.memory_space<vmem>>
          %dma_wait3A_415 = arith.constant 0 : i32
          %dma_wait3A_416 = tpu.memref_slice %arg8[%mul3A_412, %dma_wait3A_415] : memref<32768x128xf32, #tpu.memory_space<hbm>> -> memref<128x128xf32, #tpu.memory_space<hbm>>
          %dma_wait3A_417 = tpu.memref_slice %arg17[%sub3A_252] : memref<2x!tpu.dma_semaphore, #tpu.memory_space<semaphore_mem>> -> memref<1x!tpu.dma_semaphore, #tpu.memory_space<semaphore_mem>>
          %dma_wait3A_418 = tpu.memref_squeeze %dma_wait3A_417 : memref<1x!tpu.dma_semaphore, #tpu.memory_space<semaphore_mem>> -> memref<!tpu.dma_semaphore, #tpu.memory_space<semaphore_mem>>
          %dma_wait3A_419 = arith.constant 0 : i32
          %dma_wait3A_420 = tpu.memref_slice %arg8[%mul3A_412, %dma_wait3A_419] : memref<32768x128xf32, #tpu.memory_space<hbm>> -> memref<128x128xf32, #tpu.memory_space<hbm>>
          %dma_wait3A_421 = arith.constant 0 : i32
          %dma_wait3A_422 = tpu.memref_slice %arg10[%mul3A_410, %dma_wait3A_421] : memref<256x128xf32, #tpu.memory_space<vmem>> -> memref<128x128xf32, #tpu.memory_space<vmem>>
          tpu.wait_dma2 semaphore(%dma_wait3A_418 : memref<!tpu.dma_semaphore, #tpu.memory_space<semaphore_mem>>) src(%dma_wait3A_422 : memref<128x128xf32, #tpu.memory_space<vmem>>) dst(%dma_wait3A_420 : memref<128x128xf32, #tpu.memory_space<hbm>>)
        } else {
        }
        %add3A_343 = arith.constant 1 : i32
        %add3A_344 = arith.addi %scan3A_248, %add3A_343 : i32
        %mul3A_345 = arith.constant 104 : i32
        %mul3A_346 = arith.muli %add3A_344, %mul3A_345 : i32
        %add3A_347 = arith.addi %mul3A_4, %mul3A_346 : i32
        %mul3A_348 = arith.constant 104 : i32
        %mul3A_349 = arith.muli %sub3A_252, %mul3A_348 : i32
        %mul3A_350 = arith.constant 104 : i32
        %mul3A_351 = arith.muli %sub3A_252, %mul3A_350 : i32
        %mul3A_352 = arith.constant 4 : i32
        %mul3A_353 = arith.muli %add3A_347, %mul3A_352 : i32
        %mul3A_354 = arith.constant 104 : i32
        %mul3A_355 = arith.muli %sub3A_252, %mul3A_354 : i32
        %mul3A_356 = arith.constant 4 : i32
        %mul3A_357 = arith.muli %mul3A_355, %mul3A_356 : i32
        %dma_start3A_358 = arith.constant 0 : i32
        %dma_start3A_359 = tpu.memref_slice %arg9[%mul3A_349, %dma_start3A_358] : memref<208x128xf32, #tpu.memory_space<vmem>> -> memref<104x128xf32, #tpu.memory_space<vmem>>
        %dma_start3A_360 = arith.constant 0 : i32
        %dma_start3A_361 = tpu.memref_slice %arg2[%add3A_347, %dma_start3A_360] : memref<26624x128xf32, #tpu.memory_space<hbm>> -> memref<104x128xf32, #tpu.memory_space<hbm>>
        %dma_start3A_362 = tpu.memref_slice %arg16[%sub3A_252] : memref<2x!tpu.dma_semaphore, #tpu.memory_space<semaphore_mem>> -> memref<1x!tpu.dma_semaphore, #tpu.memory_space<semaphore_mem>>
        %dma_start3A_363 = tpu.memref_squeeze %dma_start3A_362 : memref<1x!tpu.dma_semaphore, #tpu.memory_space<semaphore_mem>> -> memref<!tpu.dma_semaphore, #tpu.memory_space<semaphore_mem>>
        %dma_start3A_364 = arith.constant 0 : i32
        %dma_start3A_365 = tpu.memref_slice %arg9[%mul3A_349, %dma_start3A_364] : memref<208x128xf32, #tpu.memory_space<vmem>> -> memref<104x128xf32, #tpu.memory_space<vmem>>
        %dma_start3A_366 = arith.constant 0 : i32
        %dma_start3A_367 = tpu.memref_slice %arg2[%add3A_347, %dma_start3A_366] : memref<26624x128xf32, #tpu.memory_space<hbm>> -> memref<104x128xf32, #tpu.memory_space<hbm>>
        tpu.enqueue_dma source(%dma_start3A_367 : memref<104x128xf32, #tpu.memory_space<hbm>>) target(%dma_start3A_365 : memref<104x128xf32, #tpu.memory_space<vmem>>) target_semaphore(%dma_start3A_363 : memref<!tpu.dma_semaphore, #tpu.memory_space<semaphore_mem>>)
        %dma_start3A_368 = tpu.memref_slice %arg11[%mul3A_351] : memref<208xi32, #tpu.memory_space<vmem>> -> memref<104xi32, #tpu.memory_space<vmem>>
        %dma_start3A_369 = tpu.memref_slice %arg3[%add3A_347] : memref<26624xi32, #tpu.memory_space<hbm>> -> memref<104xi32, #tpu.memory_space<hbm>>
        %dma_start3A_370 = tpu.memref_slice %arg16[%sub3A_252] : memref<2x!tpu.dma_semaphore, #tpu.memory_space<semaphore_mem>> -> memref<1x!tpu.dma_semaphore, #tpu.memory_space<semaphore_mem>>
        %dma_start3A_371 = tpu.memref_squeeze %dma_start3A_370 : memref<1x!tpu.dma_semaphore, #tpu.memory_space<semaphore_mem>> -> memref<!tpu.dma_semaphore, #tpu.memory_space<semaphore_mem>>
        %dma_start3A_372 = tpu.memref_slice %arg11[%mul3A_351] : memref<208xi32, #tpu.memory_space<vmem>> -> memref<104xi32, #tpu.memory_space<vmem>>
        %dma_start3A_373 = tpu.memref_slice %arg3[%add3A_347] : memref<26624xi32, #tpu.memory_space<hbm>> -> memref<104xi32, #tpu.memory_space<hbm>>
        tpu.enqueue_dma source(%dma_start3A_373 : memref<104xi32, #tpu.memory_space<hbm>>) target(%dma_start3A_372 : memref<104xi32, #tpu.memory_space<vmem>>) target_semaphore(%dma_start3A_371 : memref<!tpu.dma_semaphore, #tpu.memory_space<semaphore_mem>>)
        %dma_start3A_374 = tpu.memref_slice %arg12[%mul3A_357] : memref<832xf32, #tpu.memory_space<vmem>> -> memref<416xf32, #tpu.memory_space<vmem>>
        %dma_start3A_375 = tpu.memref_slice %arg4[%mul3A_353] : memref<106496xf32, #tpu.memory_space<hbm>> -> memref<416xf32, #tpu.memory_space<hbm>>
        %dma_start3A_376 = tpu.memref_slice %arg16[%sub3A_252] : memref<2x!tpu.dma_semaphore, #tpu.memory_space<semaphore_mem>> -> memref<1x!tpu.dma_semaphore, #tpu.memory_space<semaphore_mem>>
        %dma_start3A_377 = tpu.memref_squeeze %dma_start3A_376 : memref<1x!tpu.dma_semaphore, #tpu.memory_space<semaphore_mem>> -> memref<!tpu.dma_semaphore, #tpu.memory_space<semaphore_mem>>
        %dma_start3A_378 = tpu.memref_slice %arg12[%mul3A_357] : memref<832xf32, #tpu.memory_space<vmem>> -> memref<416xf32, #tpu.memory_space<vmem>>
        %dma_start3A_379 = tpu.memref_slice %arg4[%mul3A_353] : memref<106496xf32, #tpu.memory_space<hbm>> -> memref<416xf32, #tpu.memory_space<hbm>>
        tpu.enqueue_dma source(%dma_start3A_379 : memref<416xf32, #tpu.memory_space<hbm>>) target(%dma_start3A_378 : memref<416xf32, #tpu.memory_space<vmem>>) target_semaphore(%dma_start3A_377 : memref<!tpu.dma_semaphore, #tpu.memory_space<semaphore_mem>>)
      } else {
      }
      %mul3A_257 = arith.constant 104 : i32
      %mul3A_258 = arith.muli %scan3A_248, %mul3A_257 : i32
      %add3A_259 = arith.addi %mul3A_4, %mul3A_258 : i32
      %mul3A_260 = arith.constant 104 : i32
      %mul3A_261 = arith.muli %rem3A_250, %mul3A_260 : i32
      %mul3A_262 = arith.constant 104 : i32
      %mul3A_263 = arith.muli %rem3A_250, %mul3A_262 : i32
      %mul3A_264 = arith.constant 4 : i32
      %mul3A_265 = arith.muli %add3A_259, %mul3A_264 : i32
      %mul3A_266 = arith.constant 104 : i32
      %mul3A_267 = arith.muli %rem3A_250, %mul3A_266 : i32
      %mul3A_268 = arith.constant 4 : i32
      %mul3A_269 = arith.muli %mul3A_267, %mul3A_268 : i32
      %dma_wait3A_270 = arith.constant 0 : i32
      %dma_wait3A_271 = tpu.memref_slice %arg9[%mul3A_261, %dma_wait3A_270] : memref<208x128xf32, #tpu.memory_space<vmem>> -> memref<104x128xf32, #tpu.memory_space<vmem>>
      %dma_wait3A_272 = arith.constant 0 : i32
      %dma_wait3A_273 = tpu.memref_slice %arg2[%add3A_259, %dma_wait3A_272] : memref<26624x128xf32, #tpu.memory_space<hbm>> -> memref<104x128xf32, #tpu.memory_space<hbm>>
      %dma_wait3A_274 = tpu.memref_slice %arg16[%rem3A_250] : memref<2x!tpu.dma_semaphore, #tpu.memory_space<semaphore_mem>> -> memref<1x!tpu.dma_semaphore, #tpu.memory_space<semaphore_mem>>
      %dma_wait3A_275 = tpu.memref_squeeze %dma_wait3A_274 : memref<1x!tpu.dma_semaphore, #tpu.memory_space<semaphore_mem>> -> memref<!tpu.dma_semaphore, #tpu.memory_space<semaphore_mem>>
      %dma_wait3A_276 = arith.constant 0 : i32
      %dma_wait3A_277 = tpu.memref_slice %arg9[%mul3A_261, %dma_wait3A_276] : memref<208x128xf32, #tpu.memory_space<vmem>> -> memref<104x128xf32, #tpu.memory_space<vmem>>
      %dma_wait3A_278 = arith.constant 0 : i32
      %dma_wait3A_279 = tpu.memref_slice %arg2[%add3A_259, %dma_wait3A_278] : memref<26624x128xf32, #tpu.memory_space<hbm>> -> memref<104x128xf32, #tpu.memory_space<hbm>>
      tpu.wait_dma2 semaphore(%dma_wait3A_275 : memref<!tpu.dma_semaphore, #tpu.memory_space<semaphore_mem>>) src(%dma_wait3A_279 : memref<104x128xf32, #tpu.memory_space<hbm>>) dst(%dma_wait3A_277 : memref<104x128xf32, #tpu.memory_space<vmem>>)
      %dma_wait3A_280 = tpu.memref_slice %arg11[%mul3A_263] : memref<208xi32, #tpu.memory_space<vmem>> -> memref<104xi32, #tpu.memory_space<vmem>>
      %dma_wait3A_281 = tpu.memref_slice %arg3[%add3A_259] : memref<26624xi32, #tpu.memory_space<hbm>> -> memref<104xi32, #tpu.memory_space<hbm>>
      %dma_wait3A_282 = tpu.memref_slice %arg16[%rem3A_250] : memref<2x!tpu.dma_semaphore, #tpu.memory_space<semaphore_mem>> -> memref<1x!tpu.dma_semaphore, #tpu.memory_space<semaphore_mem>>
      %dma_wait3A_283 = tpu.memref_squeeze %dma_wait3A_282 : memref<1x!tpu.dma_semaphore, #tpu.memory_space<semaphore_mem>> -> memref<!tpu.dma_semaphore, #tpu.memory_space<semaphore_mem>>
      %dma_wait3A_284 = tpu.memref_slice %arg11[%mul3A_263] : memref<208xi32, #tpu.memory_space<vmem>> -> memref<104xi32, #tpu.memory_space<vmem>>
      %dma_wait3A_285 = tpu.memref_slice %arg3[%add3A_259] : memref<26624xi32, #tpu.memory_space<hbm>> -> memref<104xi32, #tpu.memory_space<hbm>>
      tpu.wait_dma2 semaphore(%dma_wait3A_283 : memref<!tpu.dma_semaphore, #tpu.memory_space<semaphore_mem>>) src(%dma_wait3A_285 : memref<104xi32, #tpu.memory_space<hbm>>) dst(%dma_wait3A_284 : memref<104xi32, #tpu.memory_space<vmem>>)
      %dma_wait3A_286 = tpu.memref_slice %arg12[%mul3A_269] : memref<832xf32, #tpu.memory_space<vmem>> -> memref<416xf32, #tpu.memory_space<vmem>>
      %dma_wait3A_287 = tpu.memref_slice %arg4[%mul3A_265] : memref<106496xf32, #tpu.memory_space<hbm>> -> memref<416xf32, #tpu.memory_space<hbm>>
      %dma_wait3A_288 = tpu.memref_slice %arg16[%rem3A_250] : memref<2x!tpu.dma_semaphore, #tpu.memory_space<semaphore_mem>> -> memref<1x!tpu.dma_semaphore, #tpu.memory_space<semaphore_mem>>
      %dma_wait3A_289 = tpu.memref_squeeze %dma_wait3A_288 : memref<1x!tpu.dma_semaphore, #tpu.memory_space<semaphore_mem>> -> memref<!tpu.dma_semaphore, #tpu.memory_space<semaphore_mem>>
      %dma_wait3A_290 = tpu.memref_slice %arg12[%mul3A_269] : memref<832xf32, #tpu.memory_space<vmem>> -> memref<416xf32, #tpu.memory_space<vmem>>
      %dma_wait3A_291 = tpu.memref_slice %arg4[%mul3A_265] : memref<106496xf32, #tpu.memory_space<hbm>> -> memref<416xf32, #tpu.memory_space<hbm>>
      tpu.wait_dma2 semaphore(%dma_wait3A_289 : memref<!tpu.dma_semaphore, #tpu.memory_space<semaphore_mem>>) src(%dma_wait3A_291 : memref<416xf32, #tpu.memory_space<hbm>>) dst(%dma_wait3A_290 : memref<416xf32, #tpu.memory_space<vmem>>)
      %scan3A_292 = arith.constant 0 : i32
      %scan3A_293 = arith.constant 0 : i32
      %scan3A_294 = arith.constant 26 : i32
      %scan3A_295 = arith.addi %scan3A_293, %scan3A_294 : i32
      %scan3A_296 = arith.constant 1 : i32
      scf.for %scan3A_339 = %scan3A_293 to %scan3A_295 step %scan3A_296  : i32 {
        %get3A_340 = arith.index_cast %scan3A_339 : i32 to index
        %get3A_341 = arith.constant 0 : index
        %get3A_342 = tpu.vector_load %arg14[%get3A_340, %get3A_341] {strides = array<i32>} : memref<26x128xf32, #tpu.memory_space<vmem>>, vector<16xf32>,
        %get3A_343 = arith.index_cast %scan3A_339 : i32 to index
        %get3A_344 = arith.constant 16 : index
        %get3A_345 = tpu.vector_load %arg14[%get3A_343, %get3A_344] {strides = array<i32>} : memref<26x128xf32, #tpu.memory_space<vmem>>, vector<16xf32>,
        %get3A_346 = arith.index_cast %scan3A_339 : i32 to index
        %get3A_347 = arith.constant 32 : index
        %get3A_348 = tpu.vector_load %arg14[%get3A_346, %get3A_347] {strides = array<i32>} : memref<26x128xf32, #tpu.memory_space<vmem>>, vector<16xf32>,
        %get3A_349 = arith.index_cast %scan3A_339 : i32 to index
        %get3A_350 = arith.constant 48 : index
        %get3A_351 = tpu.vector_load %arg14[%get3A_349, %get3A_350] {strides = array<i32>} : memref<26x128xf32, #tpu.memory_space<vmem>>, vector<16xf32>,
        %get3A_352 = arith.index_cast %scan3A_339 : i32 to index
        %get3A_353 = arith.constant 64 : index
        %get3A_354 = tpu.vector_load %arg14[%get3A_352, %get3A_353] {strides = array<i32>} : memref<26x128xf32, #tpu.memory_space<vmem>>, vector<16xf32>,
        %get3A_355 = arith.index_cast %scan3A_339 : i32 to index
        %get3A_356 = arith.constant 80 : index
        %get3A_357 = tpu.vector_load %arg14[%get3A_355, %get3A_356] {strides = array<i32>} : memref<26x128xf32, #tpu.memory_space<vmem>>, vector<16xf32>,
        %get3A_358 = arith.index_cast %scan3A_339 : i32 to index
        %get3A_359 = arith.constant 96 : index
        %get3A_360 = tpu.vector_load %arg14[%get3A_358, %get3A_359] {strides = array<i32>} : memref<26x128xf32, #tpu.memory_space<vmem>>, vector<16xf32>,
        %get3A_361 = arith.index_cast %scan3A_339 : i32 to index
        %get3A_362 = arith.constant 112 : index
        %get3A_363 = tpu.vector_load %arg14[%get3A_361, %get3A_362] {strides = array<i32>} : memref<26x128xf32, #tpu.memory_space<vmem>>, vector<16xf32>,
        %add3A_364 = arith.constant 0 : i32
        %add3A_365 = arith.addi %scan3A_339, %add3A_364 : i32
        %mul3A_366 = arith.constant 104 : i32
        %mul3A_367 = arith.muli %rem3A_250, %mul3A_366 : i32
        %add3A_368 = arith.addi %mul3A_367, %add3A_365 : i32
        %broadcast_in_dim3A = vector.broadcast %add3A_368 : i32 to vector<16xi32>
        %gather3A = tpu.vector_load_idx %arg11[%broadcast_in_dim3A] : memref<208xi32, #tpu.memory_space<vmem>>[vector<16xi32>], vector<16xi32>,
        %mul3A_369 = arith.constant 104 : i32
        %mul3A_370 = arith.muli %rem3A_250, %mul3A_369 : i32
        %mul3A_371 = arith.constant 4 : i32
        %mul3A_372 = arith.muli %mul3A_370, %mul3A_371 : i32
        %mul3A_373 = arith.constant 4 : i32
        %mul3A_374 = arith.muli %mul3A_373, %add3A_365 : i32
        %add3A_375 = arith.addi %mul3A_372, %mul3A_374 : i32
        %add3A_376 = arith.constant 0 : i32
        %add3A_377 = arith.addi %add3A_375, %add3A_376 : i32
        %broadcast_in_dim3A_378 = vector.broadcast %add3A_377 : i32 to vector<16xi32>
        %gather3A_379 = tpu.vector_load_idx %arg12[%broadcast_in_dim3A_378] : memref<832xf32, #tpu.memory_space<vmem>>[vector<16xi32>], vector<16xf32>,
        %mul3A_380 = arith.constant 104 : i32
        %mul3A_381 = arith.muli %rem3A_250, %mul3A_380 : i32
        %mul3A_382 = arith.constant 4 : i32
        %mul3A_383 = arith.muli %mul3A_381, %mul3A_382 : i32
        %mul3A_384 = arith.constant 4 : i32
        %mul3A_385 = arith.muli %mul3A_384, %add3A_365 : i32
        %add3A_386 = arith.addi %mul3A_383, %mul3A_385 : i32
        %add3A_387 = arith.constant 1 : i32
        %add3A_388 = arith.addi %add3A_386, %add3A_387 : i32
        %broadcast_in_dim3A_389 = vector.broadcast %add3A_388 : i32 to vector<16xi32>
        %gather3A_390 = tpu.vector_load_idx %arg12[%broadcast_in_dim3A_389] : memref<832xf32, #tpu.memory_space<vmem>>[vector<16xi32>], vector<16xf32>,
        %mul3A_391 = arith.constant 104 : i32
        %mul3A_392 = arith.muli %rem3A_250, %mul3A_391 : i32
        %mul3A_393 = arith.constant 4 : i32
        %mul3A_394 = arith.muli %mul3A_392, %mul3A_393 : i32
        %mul3A_395 = arith.constant 4 : i32
        %mul3A_396 = arith.muli %mul3A_395, %add3A_365 : i32
        %add3A_397 = arith.addi %mul3A_394, %mul3A_396 : i32
        %add3A_398 = arith.constant 2 : i32
        %add3A_399 = arith.addi %add3A_397, %add3A_398 : i32
        %broadcast_in_dim3A_400 = vector.broadcast %add3A_399 : i32 to vector<16xi32>
        %gather3A_401 = tpu.vector_load_idx %arg12[%broadcast_in_dim3A_400] : memref<832xf32, #tpu.memory_space<vmem>>[vector<16xi32>], vector<16xf32>,
        %mul3A_402 = arith.constant 104 : i32
        %mul3A_403 = arith.muli %rem3A_250, %mul3A_402 : i32
        %mul3A_404 = arith.constant 4 : i32
        %mul3A_405 = arith.muli %mul3A_403, %mul3A_404 : i32
        %mul3A_406 = arith.constant 4 : i32
        %mul3A_407 = arith.muli %mul3A_406, %add3A_365 : i32
        %add3A_408 = arith.addi %mul3A_405, %mul3A_407 : i32
        %add3A_409 = arith.constant 3 : i32
        %add3A_410 = arith.addi %add3A_408, %add3A_409 : i32
        %broadcast_in_dim3A_411 = vector.broadcast %add3A_410 : i32 to vector<16xi32>
        %gather3A_412 = tpu.vector_load_idx %arg12[%broadcast_in_dim3A_411] : memref<832xf32, #tpu.memory_space<vmem>>[vector<16xi32>], vector<16xf32>,
        %add3A_413 = arith.constant 0 : i32
        %add3A_414 = vector.broadcast %add3A_413 : i32 to vector<16xi32>
        %add3A_415 = arith.addi %iota3A, %add3A_414 : vector<16xi32>
        %gather3A_416 = tpu.vector_load_idx %arg13[%gather3A, %add3A_415] : memref<50x128xf32, #tpu.memory_space<vmem>>[vector<16xi32>, vector<16xi32>], vector<16xf32>,
        %add3A_417 = arith.addf %gather3A_416, %get3A_342 : vector<16xf32>
        %mul3A_418 = arith.mulf %gather3A_379, %get3A_7 : vector<16xf32>
        %add3A_419 = arith.addf %add3A_417, %mul3A_418 : vector<16xf32>
        %mul3A_420 = arith.mulf %gather3A_390, %get3A_39 : vector<16xf32>
        %add3A_421 = arith.addf %add3A_419, %mul3A_420 : vector<16xf32>
        %mul3A_422 = arith.mulf %gather3A_401, %get3A_71 : vector<16xf32>
        %add3A_423 = arith.addf %add3A_421, %mul3A_422 : vector<16xf32>
        %mul3A_424 = arith.mulf %gather3A_412, %get3A_103 : vector<16xf32>
        %add3A_425 = arith.addf %add3A_423, %mul3A_424 : vector<16xf32>
        %mul3A_426 = arith.constant 104 : i32
        %mul3A_427 = arith.muli %rem3A_250, %mul3A_426 : i32
        %add3A_428 = arith.addi %mul3A_427, %add3A_365 : i32
        %get3A_429 = arith.index_cast %add3A_428 : i32 to index
        %get3A_430 = arith.constant 0 : index
        %get3A_431 = tpu.vector_load %arg9[%get3A_429, %get3A_430] {strides = array<i32>} : memref<208x128xf32, #tpu.memory_space<vmem>>, vector<16xf32>,
        %add3A_432 = arith.addf %add3A_425, %get3A_431 : vector<16xf32>
        %mul3A_433 = arith.constant 128 : i32
        %mul3A_434 = arith.muli %rem3A_250, %mul3A_433 : i32
        %add3A_435 = arith.constant 0 : i32
        %add3A_436 = arith.addi %mul3A_434, %add3A_435 : i32
        %add3A_437 = arith.addi %add3A_436, %scan3A_339 : i32
        %swap3A = arith.index_cast %add3A_437 : i32 to index
        %swap3A_438 = arith.constant 0 : index
        %swap3A_439 = tpu.vector_load %arg10[%swap3A, %swap3A_438] {strides = array<i32>} : memref<256x128xf32, #tpu.memory_space<vmem>>, vector<16xf32>,
        tpu.vector_store %arg10[%swap3A, %swap3A_438], %add3A_432 {strides = array<i32>} : memref<256x128xf32, #tpu.memory_space<vmem>>, vector<16xf32>,
        %add3A_440 = arith.constant 16 : i32
        %add3A_441 = vector.broadcast %add3A_440 : i32 to vector<16xi32>
        %add3A_442 = arith.addi %iota3A, %add3A_441 : vector<16xi32>
        %gather3A_443 = tpu.vector_load_idx %arg13[%gather3A, %add3A_442] : memref<50x128xf32, #tpu.memory_space<vmem>>[vector<16xi32>, vector<16xi32>], vector<16xf32>,
        %add3A_444 = arith.addf %gather3A_443, %get3A_345 : vector<16xf32>
        %mul3A_445 = arith.mulf %gather3A_379, %get3A_11 : vector<16xf32>
        %add3A_446 = arith.addf %add3A_444, %mul3A_445 : vector<16xf32>
        %mul3A_447 = arith.mulf %gather3A_390, %get3A_43 : vector<16xf32>
        %add3A_448 = arith.addf %add3A_446, %mul3A_447 : vector<16xf32>
        %mul3A_449 = arith.mulf %gather3A_401, %get3A_75 : vector<16xf32>
        %add3A_450 = arith.addf %add3A_448, %mul3A_449 : vector<16xf32>
        %mul3A_451 = arith.mulf %gather3A_412, %get3A_107 : vector<16xf32>
        %add3A_452 = arith.addf %add3A_450, %mul3A_451 : vector<16xf32>
        %mul3A_453 = arith.constant 104 : i32
        %mul3A_454 = arith.muli %rem3A_250, %mul3A_453 : i32
        %add3A_455 = arith.addi %mul3A_454, %add3A_365 : i32
        %get3A_456 = arith.index_cast %add3A_455 : i32 to index
        %get3A_457 = arith.constant 16 : index
        %get3A_458 = tpu.vector_load %arg9[%get3A_456, %get3A_457] {strides = array<i32>} : memref<208x128xf32, #tpu.memory_space<vmem>>, vector<16xf32>,
        %add3A_459 = arith.addf %add3A_452, %get3A_458 : vector<16xf32>
        %mul3A_460 = arith.constant 128 : i32
        %mul3A_461 = arith.muli %rem3A_250, %mul3A_460 : i32
        %add3A_462 = arith.constant 0 : i32
        %add3A_463 = arith.addi %mul3A_461, %add3A_462 : i32
        %add3A_464 = arith.addi %add3A_463, %scan3A_339 : i32
        %swap3A_465 = arith.index_cast %add3A_464 : i32 to index
        %swap3A_466 = arith.constant 16 : index
        %swap3A_467 = tpu.vector_load %arg10[%swap3A_465, %swap3A_466] {strides = array<i32>} : memref<256x128xf32, #tpu.memory_space<vmem>>, vector<16xf32>,
        tpu.vector_store %arg10[%swap3A_465, %swap3A_466], %add3A_459 {strides = array<i32>} : memref<256x128xf32, #tpu.memory_space<vmem>>, vector<16xf32>,
        %add3A_468 = arith.constant 32 : i32
        %add3A_469 = vector.broadcast %add3A_468 : i32 to vector<16xi32>
        %add3A_470 = arith.addi %iota3A, %add3A_469 : vector<16xi32>
        %gather3A_471 = tpu.vector_load_idx %arg13[%gather3A, %add3A_470] : memref<50x128xf32, #tpu.memory_space<vmem>>[vector<16xi32>, vector<16xi32>], vector<16xf32>,
        %add3A_472 = arith.addf %gather3A_471, %get3A_348 : vector<16xf32>
        %mul3A_473 = arith.mulf %gather3A_379, %get3A_15 : vector<16xf32>
        %add3A_474 = arith.addf %add3A_472, %mul3A_473 : vector<16xf32>
        %mul3A_475 = arith.mulf %gather3A_390, %get3A_47 : vector<16xf32>
        %add3A_476 = arith.addf %add3A_474, %mul3A_475 : vector<16xf32>
        %mul3A_477 = arith.mulf %gather3A_401, %get3A_79 : vector<16xf32>
        %add3A_478 = arith.addf %add3A_476, %mul3A_477 : vector<16xf32>
        %mul3A_479 = arith.mulf %gather3A_412, %get3A_111 : vector<16xf32>
        %add3A_480 = arith.addf %add3A_478, %mul3A_479 : vector<16xf32>
        %mul3A_481 = arith.constant 104 : i32
        %mul3A_482 = arith.muli %rem3A_250, %mul3A_481 : i32
        %add3A_483 = arith.addi %mul3A_482, %add3A_365 : i32
        %get3A_484 = arith.index_cast %add3A_483 : i32 to index
        %get3A_485 = arith.constant 32 : index
        %get3A_486 = tpu.vector_load %arg9[%get3A_484, %get3A_485] {strides = array<i32>} : memref<208x128xf32, #tpu.memory_space<vmem>>, vector<16xf32>,
        %add3A_487 = arith.addf %add3A_480, %get3A_486 : vector<16xf32>
        %mul3A_488 = arith.constant 128 : i32
        %mul3A_489 = arith.muli %rem3A_250, %mul3A_488 : i32
        %add3A_490 = arith.constant 0 : i32
        %add3A_491 = arith.addi %mul3A_489, %add3A_490 : i32
        %add3A_492 = arith.addi %add3A_491, %scan3A_339 : i32
        %swap3A_493 = arith.index_cast %add3A_492 : i32 to index
        %swap3A_494 = arith.constant 32 : index
        %swap3A_495 = tpu.vector_load %arg10[%swap3A_493, %swap3A_494] {strides = array<i32>} : memref<256x128xf32, #tpu.memory_space<vmem>>, vector<16xf32>,
        tpu.vector_store %arg10[%swap3A_493, %swap3A_494], %add3A_487 {strides = array<i32>} : memref<256x128xf32, #tpu.memory_space<vmem>>, vector<16xf32>,
        %add3A_496 = arith.constant 48 : i32
        %add3A_497 = vector.broadcast %add3A_496 : i32 to vector<16xi32>
        %add3A_498 = arith.addi %iota3A, %add3A_497 : vector<16xi32>
        %gather3A_499 = tpu.vector_load_idx %arg13[%gather3A, %add3A_498] : memref<50x128xf32, #tpu.memory_space<vmem>>[vector<16xi32>, vector<16xi32>], vector<16xf32>,
        %add3A_500 = arith.addf %gather3A_499, %get3A_351 : vector<16xf32>
        %mul3A_501 = arith.mulf %gather3A_379, %get3A_19 : vector<16xf32>
        %add3A_502 = arith.addf %add3A_500, %mul3A_501 : vector<16xf32>
        %mul3A_503 = arith.mulf %gather3A_390, %get3A_51 : vector<16xf32>
        %add3A_504 = arith.addf %add3A_502, %mul3A_503 : vector<16xf32>
        %mul3A_505 = arith.mulf %gather3A_401, %get3A_83 : vector<16xf32>
        %add3A_506 = arith.addf %add3A_504, %mul3A_505 : vector<16xf32>
        %mul3A_507 = arith.mulf %gather3A_412, %get3A_115 : vector<16xf32>
        %add3A_508 = arith.addf %add3A_506, %mul3A_507 : vector<16xf32>
        %mul3A_509 = arith.constant 104 : i32
        %mul3A_510 = arith.muli %rem3A_250, %mul3A_509 : i32
        %add3A_511 = arith.addi %mul3A_510, %add3A_365 : i32
        %get3A_512 = arith.index_cast %add3A_511 : i32 to index
        %get3A_513 = arith.constant 48 : index
        %get3A_514 = tpu.vector_load %arg9[%get3A_512, %get3A_513] {strides = array<i32>} : memref<208x128xf32, #tpu.memory_space<vmem>>, vector<16xf32>,
        %add3A_515 = arith.addf %add3A_508, %get3A_514 : vector<16xf32>
        %mul3A_516 = arith.constant 128 : i32
        %mul3A_517 = arith.muli %rem3A_250, %mul3A_516 : i32
        %add3A_518 = arith.constant 0 : i32
        %add3A_519 = arith.addi %mul3A_517, %add3A_518 : i32
        %add3A_520 = arith.addi %add3A_519, %scan3A_339 : i32
        %swap3A_521 = arith.index_cast %add3A_520 : i32 to index
        %swap3A_522 = arith.constant 48 : index
        %swap3A_523 = tpu.vector_load %arg10[%swap3A_521, %swap3A_522] {strides = array<i32>} : memref<256x128xf32, #tpu.memory_space<vmem>>, vector<16xf32>,
        tpu.vector_store %arg10[%swap3A_521, %swap3A_522], %add3A_515 {strides = array<i32>} : memref<256x128xf32, #tpu.memory_space<vmem>>, vector<16xf32>,
        %add3A_524 = arith.constant 64 : i32
        %add3A_525 = vector.broadcast %add3A_524 : i32 to vector<16xi32>
        %add3A_526 = arith.addi %iota3A, %add3A_525 : vector<16xi32>
        %gather3A_527 = tpu.vector_load_idx %arg13[%gather3A, %add3A_526] : memref<50x128xf32, #tpu.memory_space<vmem>>[vector<16xi32>, vector<16xi32>], vector<16xf32>,
        %add3A_528 = arith.addf %gather3A_527, %get3A_354 : vector<16xf32>
        %mul3A_529 = arith.mulf %gather3A_379, %get3A_23 : vector<16xf32>
        %add3A_530 = arith.addf %add3A_528, %mul3A_529 : vector<16xf32>
        %mul3A_531 = arith.mulf %gather3A_390, %get3A_55 : vector<16xf32>
        %add3A_532 = arith.addf %add3A_530, %mul3A_531 : vector<16xf32>
        %mul3A_533 = arith.mulf %gather3A_401, %get3A_87 : vector<16xf32>
        %add3A_534 = arith.addf %add3A_532, %mul3A_533 : vector<16xf32>
        %mul3A_535 = arith.mulf %gather3A_412, %get3A_119 : vector<16xf32>
        %add3A_536 = arith.addf %add3A_534, %mul3A_535 : vector<16xf32>
        %mul3A_537 = arith.constant 104 : i32
        %mul3A_538 = arith.muli %rem3A_250, %mul3A_537 : i32
        %add3A_539 = arith.addi %mul3A_538, %add3A_365 : i32
        %get3A_540 = arith.index_cast %add3A_539 : i32 to index
        %get3A_541 = arith.constant 64 : index
        %get3A_542 = tpu.vector_load %arg9[%get3A_540, %get3A_541] {strides = array<i32>} : memref<208x128xf32, #tpu.memory_space<vmem>>, vector<16xf32>,
        %add3A_543 = arith.addf %add3A_536, %get3A_542 : vector<16xf32>
        %mul3A_544 = arith.constant 128 : i32
        %mul3A_545 = arith.muli %rem3A_250, %mul3A_544 : i32
        %add3A_546 = arith.constant 0 : i32
        %add3A_547 = arith.addi %mul3A_545, %add3A_546 : i32
        %add3A_548 = arith.addi %add3A_547, %scan3A_339 : i32
        %swap3A_549 = arith.index_cast %add3A_548 : i32 to index
        %swap3A_550 = arith.constant 64 : index
        %swap3A_551 = tpu.vector_load %arg10[%swap3A_549, %swap3A_550] {strides = array<i32>} : memref<256x128xf32, #tpu.memory_space<vmem>>, vector<16xf32>,
        tpu.vector_store %arg10[%swap3A_549, %swap3A_550], %add3A_543 {strides = array<i32>} : memref<256x128xf32, #tpu.memory_space<vmem>>, vector<16xf32>,
        %add3A_552 = arith.constant 80 : i32
        %add3A_553 = vector.broadcast %add3A_552 : i32 to vector<16xi32>
        %add3A_554 = arith.addi %iota3A, %add3A_553 : vector<16xi32>
        %gather3A_555 = tpu.vector_load_idx %arg13[%gather3A, %add3A_554] : memref<50x128xf32, #tpu.memory_space<vmem>>[vector<16xi32>, vector<16xi32>], vector<16xf32>,
        %add3A_556 = arith.addf %gather3A_555, %get3A_357 : vector<16xf32>
        %mul3A_557 = arith.mulf %gather3A_379, %get3A_27 : vector<16xf32>
        %add3A_558 = arith.addf %add3A_556, %mul3A_557 : vector<16xf32>
        %mul3A_559 = arith.mulf %gather3A_390, %get3A_59 : vector<16xf32>
        %add3A_560 = arith.addf %add3A_558, %mul3A_559 : vector<16xf32>
        %mul3A_561 = arith.mulf %gather3A_401, %get3A_91 : vector<16xf32>
        %add3A_562 = arith.addf %add3A_560, %mul3A_561 : vector<16xf32>
        %mul3A_563 = arith.mulf %gather3A_412, %get3A_123 : vector<16xf32>
        %add3A_564 = arith.addf %add3A_562, %mul3A_563 : vector<16xf32>
        %mul3A_565 = arith.constant 104 : i32
        %mul3A_566 = arith.muli %rem3A_250, %mul3A_565 : i32
        %add3A_567 = arith.addi %mul3A_566, %add3A_365 : i32
        %get3A_568 = arith.index_cast %add3A_567 : i32 to index
        %get3A_569 = arith.constant 80 : index
        %get3A_570 = tpu.vector_load %arg9[%get3A_568, %get3A_569] {strides = array<i32>} : memref<208x128xf32, #tpu.memory_space<vmem>>, vector<16xf32>,
        %add3A_571 = arith.addf %add3A_564, %get3A_570 : vector<16xf32>
        %mul3A_572 = arith.constant 128 : i32
        %mul3A_573 = arith.muli %rem3A_250, %mul3A_572 : i32
        %add3A_574 = arith.constant 0 : i32
        %add3A_575 = arith.addi %mul3A_573, %add3A_574 : i32
        %add3A_576 = arith.addi %add3A_575, %scan3A_339 : i32
        %swap3A_577 = arith.index_cast %add3A_576 : i32 to index
        %swap3A_578 = arith.constant 80 : index
        %swap3A_579 = tpu.vector_load %arg10[%swap3A_577, %swap3A_578] {strides = array<i32>} : memref<256x128xf32, #tpu.memory_space<vmem>>, vector<16xf32>,
        tpu.vector_store %arg10[%swap3A_577, %swap3A_578], %add3A_571 {strides = array<i32>} : memref<256x128xf32, #tpu.memory_space<vmem>>, vector<16xf32>,
        %add3A_580 = arith.constant 96 : i32
        %add3A_581 = vector.broadcast %add3A_580 : i32 to vector<16xi32>
        %add3A_582 = arith.addi %iota3A, %add3A_581 : vector<16xi32>
        %gather3A_583 = tpu.vector_load_idx %arg13[%gather3A, %add3A_582] : memref<50x128xf32, #tpu.memory_space<vmem>>[vector<16xi32>, vector<16xi32>], vector<16xf32>,
        %add3A_584 = arith.addf %gather3A_583, %get3A_360 : vector<16xf32>
        %mul3A_585 = arith.mulf %gather3A_379, %get3A_31 : vector<16xf32>
        %add3A_586 = arith.addf %add3A_584, %mul3A_585 : vector<16xf32>
        %mul3A_587 = arith.mulf %gather3A_390, %get3A_63 : vector<16xf32>
        %add3A_588 = arith.addf %add3A_586, %mul3A_587 : vector<16xf32>
        %mul3A_589 = arith.mulf %gather3A_401, %get3A_95 : vector<16xf32>
        %add3A_590 = arith.addf %add3A_588, %mul3A_589 : vector<16xf32>
        %mul3A_591 = arith.mulf %gather3A_412, %get3A_127 : vector<16xf32>
        %add3A_592 = arith.addf %add3A_590, %mul3A_591 : vector<16xf32>
        %mul3A_593 = arith.constant 104 : i32
        %mul3A_594 = arith.muli %rem3A_250, %mul3A_593 : i32
        %add3A_595 = arith.addi %mul3A_594, %add3A_365 : i32
        %get3A_596 = arith.index_cast %add3A_595 : i32 to index
        %get3A_597 = arith.constant 96 : index
        %get3A_598 = tpu.vector_load %arg9[%get3A_596, %get3A_597] {strides = array<i32>} : memref<208x128xf32, #tpu.memory_space<vmem>>, vector<16xf32>,
        %add3A_599 = arith.addf %add3A_592, %get3A_598 : vector<16xf32>
        %mul3A_600 = arith.constant 128 : i32
        %mul3A_601 = arith.muli %rem3A_250, %mul3A_600 : i32
        %add3A_602 = arith.constant 0 : i32
        %add3A_603 = arith.addi %mul3A_601, %add3A_602 : i32
        %add3A_604 = arith.addi %add3A_603, %scan3A_339 : i32
        %swap3A_605 = arith.index_cast %add3A_604 : i32 to index
        %swap3A_606 = arith.constant 96 : index
        %swap3A_607 = tpu.vector_load %arg10[%swap3A_605, %swap3A_606] {strides = array<i32>} : memref<256x128xf32, #tpu.memory_space<vmem>>, vector<16xf32>,
        tpu.vector_store %arg10[%swap3A_605, %swap3A_606], %add3A_599 {strides = array<i32>} : memref<256x128xf32, #tpu.memory_space<vmem>>, vector<16xf32>,
        %add3A_608 = arith.constant 112 : i32
        %add3A_609 = vector.broadcast %add3A_608 : i32 to vector<16xi32>
        %add3A_610 = arith.addi %iota3A, %add3A_609 : vector<16xi32>
        %gather3A_611 = tpu.vector_load_idx %arg13[%gather3A, %add3A_610] : memref<50x128xf32, #tpu.memory_space<vmem>>[vector<16xi32>, vector<16xi32>], vector<16xf32>,
        %add3A_612 = arith.addf %gather3A_611, %get3A_363 : vector<16xf32>
        %mul3A_613 = arith.mulf %gather3A_379, %get3A_35 : vector<16xf32>
        %add3A_614 = arith.addf %add3A_612, %mul3A_613 : vector<16xf32>
        %mul3A_615 = arith.mulf %gather3A_390, %get3A_67 : vector<16xf32>
        %add3A_616 = arith.addf %add3A_614, %mul3A_615 : vector<16xf32>
        %mul3A_617 = arith.mulf %gather3A_401, %get3A_99 : vector<16xf32>
        %add3A_618 = arith.addf %add3A_616, %mul3A_617 : vector<16xf32>
        %mul3A_619 = arith.mulf %gather3A_412, %get3A_131 : vector<16xf32>
        %add3A_620 = arith.addf %add3A_618, %mul3A_619 : vector<16xf32>
        %mul3A_621 = arith.constant 104 : i32
        %mul3A_622 = arith.muli %rem3A_250, %mul3A_621 : i32
        %add3A_623 = arith.addi %mul3A_622, %add3A_365 : i32
        %get3A_624 = arith.index_cast %add3A_623 : i32 to index
        %get3A_625 = arith.constant 112 : index
        %get3A_626 = tpu.vector_load %arg9[%get3A_624, %get3A_625] {strides = array<i32>} : memref<208x128xf32, #tpu.memory_space<vmem>>, vector<16xf32>,
        %add3A_627 = arith.addf %add3A_620, %get3A_626 : vector<16xf32>
        %mul3A_628 = arith.constant 128 : i32
        %mul3A_629 = arith.muli %rem3A_250, %mul3A_628 : i32
        %add3A_630 = arith.constant 0 : i32
        %add3A_631 = arith.addi %mul3A_629, %add3A_630 : i32
        %add3A_632 = arith.addi %add3A_631, %scan3A_339 : i32
        %swap3A_633 = arith.index_cast %add3A_632 : i32 to index
        %swap3A_634 = arith.constant 112 : index
        %swap3A_635 = tpu.vector_load %arg10[%swap3A_633, %swap3A_634] {strides = array<i32>} : memref<256x128xf32, #tpu.memory_space<vmem>>, vector<16xf32>,
        tpu.vector_store %arg10[%swap3A_633, %swap3A_634], %add3A_627 {strides = array<i32>} : memref<256x128xf32, #tpu.memory_space<vmem>>, vector<16xf32>,
        %add3A_636 = arith.constant 26 : i32
        %add3A_637 = arith.addi %scan3A_339, %add3A_636 : i32
        %mul3A_638 = arith.constant 104 : i32
        %mul3A_639 = arith.muli %rem3A_250, %mul3A_638 : i32
        %add3A_640 = arith.addi %mul3A_639, %add3A_637 : i32
        %broadcast_in_dim3A_641 = vector.broadcast %add3A_640 : i32 to vector<16xi32>
        %gather3A_642 = tpu.vector_load_idx %arg11[%broadcast_in_dim3A_641] : memref<208xi32, #tpu.memory_space<vmem>>[vector<16xi32>], vector<16xi32>,
        %mul3A_643 = arith.constant 104 : i32
        %mul3A_644 = arith.muli %rem3A_250, %mul3A_643 : i32
        %mul3A_645 = arith.constant 4 : i32
        %mul3A_646 = arith.muli %mul3A_644, %mul3A_645 : i32
        %mul3A_647 = arith.constant 4 : i32
        %mul3A_648 = arith.muli %mul3A_647, %add3A_637 : i32
        %add3A_649 = arith.addi %mul3A_646, %mul3A_648 : i32
        %add3A_650 = arith.constant 0 : i32
        %add3A_651 = arith.addi %add3A_649, %add3A_650 : i32
        %broadcast_in_dim3A_652 = vector.broadcast %add3A_651 : i32 to vector<16xi32>
        %gather3A_653 = tpu.vector_load_idx %arg12[%broadcast_in_dim3A_652] : memref<832xf32, #tpu.memory_space<vmem>>[vector<16xi32>], vector<16xf32>,
        %mul3A_654 = arith.constant 104 : i32
        %mul3A_655 = arith.muli %rem3A_250, %mul3A_654 : i32
        %mul3A_656 = arith.constant 4 : i32
        %mul3A_657 = arith.muli %mul3A_655, %mul3A_656 : i32
        %mul3A_658 = arith.constant 4 : i32
        %mul3A_659 = arith.muli %mul3A_658, %add3A_637 : i32
        %add3A_660 = arith.addi %mul3A_657, %mul3A_659 : i32
        %add3A_661 = arith.constant 1 : i32
        %add3A_662 = arith.addi %add3A_660, %add3A_661 : i32
        %broadcast_in_dim3A_663 = vector.broadcast %add3A_662 : i32 to vector<16xi32>
        %gather3A_664 = tpu.vector_load_idx %arg12[%broadcast_in_dim3A_663] : memref<832xf32, #tpu.memory_space<vmem>>[vector<16xi32>], vector<16xf32>,
        %mul3A_665 = arith.constant 104 : i32
        %mul3A_666 = arith.muli %rem3A_250, %mul3A_665 : i32
        %mul3A_667 = arith.constant 4 : i32
        %mul3A_668 = arith.muli %mul3A_666, %mul3A_667 : i32
        %mul3A_669 = arith.constant 4 : i32
        %mul3A_670 = arith.muli %mul3A_669, %add3A_637 : i32
        %add3A_671 = arith.addi %mul3A_668, %mul3A_670 : i32
        %add3A_672 = arith.constant 2 : i32
        %add3A_673 = arith.addi %add3A_671, %add3A_672 : i32
        %broadcast_in_dim3A_674 = vector.broadcast %add3A_673 : i32 to vector<16xi32>
        %gather3A_675 = tpu.vector_load_idx %arg12[%broadcast_in_dim3A_674] : memref<832xf32, #tpu.memory_space<vmem>>[vector<16xi32>], vector<16xf32>,
        %mul3A_676 = arith.constant 104 : i32
        %mul3A_677 = arith.muli %rem3A_250, %mul3A_676 : i32
        %mul3A_678 = arith.constant 4 : i32
        %mul3A_679 = arith.muli %mul3A_677, %mul3A_678 : i32
        %mul3A_680 = arith.constant 4 : i32
        %mul3A_681 = arith.muli %mul3A_680, %add3A_637 : i32
        %add3A_682 = arith.addi %mul3A_679, %mul3A_681 : i32
        %add3A_683 = arith.constant 3 : i32
        %add3A_684 = arith.addi %add3A_682, %add3A_683 : i32
        %broadcast_in_dim3A_685 = vector.broadcast %add3A_684 : i32 to vector<16xi32>
        %gather3A_686 = tpu.vector_load_idx %arg12[%broadcast_in_dim3A_685] : memref<832xf32, #tpu.memory_space<vmem>>[vector<16xi32>], vector<16xf32>,
        %add3A_687 = arith.constant 0 : i32
        %add3A_688 = vector.broadcast %add3A_687 : i32 to vector<16xi32>
        %add3A_689 = arith.addi %iota3A, %add3A_688 : vector<16xi32>
        %gather3A_690 = tpu.vector_load_idx %arg13[%gather3A_642, %add3A_689] : memref<50x128xf32, #tpu.memory_space<vmem>>[vector<16xi32>, vector<16xi32>], vector<16xf32>,
        %add3A_691 = arith.addf %gather3A_690, %get3A_342 : vector<16xf32>
        %mul3A_692 = arith.mulf %gather3A_653, %get3A_7 : vector<16xf32>
        %add3A_693 = arith.addf %add3A_691, %mul3A_692 : vector<16xf32>
        %mul3A_694 = arith.mulf %gather3A_664, %get3A_39 : vector<16xf32>
        %add3A_695 = arith.addf %add3A_693, %mul3A_694 : vector<16xf32>
        %mul3A_696 = arith.mulf %gather3A_675, %get3A_71 : vector<16xf32>
        %add3A_697 = arith.addf %add3A_695, %mul3A_696 : vector<16xf32>
        %mul3A_698 = arith.mulf %gather3A_686, %get3A_103 : vector<16xf32>
        %add3A_699 = arith.addf %add3A_697, %mul3A_698 : vector<16xf32>
        %mul3A_700 = arith.constant 104 : i32
        %mul3A_701 = arith.muli %rem3A_250, %mul3A_700 : i32
        %add3A_702 = arith.addi %mul3A_701, %add3A_637 : i32
        %get3A_703 = arith.index_cast %add3A_702 : i32 to index
        %get3A_704 = arith.constant 0 : index
        %get3A_705 = tpu.vector_load %arg9[%get3A_703, %get3A_704] {strides = array<i32>} : memref<208x128xf32, #tpu.memory_space<vmem>>, vector<16xf32>,
        %add3A_706 = arith.addf %add3A_699, %get3A_705 : vector<16xf32>
        %mul3A_707 = arith.constant 128 : i32
        %mul3A_708 = arith.muli %rem3A_250, %mul3A_707 : i32
        %add3A_709 = arith.constant 32 : i32
        %add3A_710 = arith.addi %mul3A_708, %add3A_709 : i32
        %add3A_711 = arith.addi %add3A_710, %scan3A_339 : i32
        %swap3A_712 = arith.index_cast %add3A_711 : i32 to index
        %swap3A_713 = arith.constant 0 : index
        %swap3A_714 = tpu.vector_load %arg10[%swap3A_712, %swap3A_713] {strides = array<i32>} : memref<256x128xf32, #tpu.memory_space<vmem>>, vector<16xf32>,
        tpu.vector_store %arg10[%swap3A_712, %swap3A_713], %add3A_706 {strides = array<i32>} : memref<256x128xf32, #tpu.memory_space<vmem>>, vector<16xf32>,
        %add3A_715 = arith.constant 16 : i32
        %add3A_716 = vector.broadcast %add3A_715 : i32 to vector<16xi32>
        %add3A_717 = arith.addi %iota3A, %add3A_716 : vector<16xi32>
        %gather3A_718 = tpu.vector_load_idx %arg13[%gather3A_642, %add3A_717] : memref<50x128xf32, #tpu.memory_space<vmem>>[vector<16xi32>, vector<16xi32>], vector<16xf32>,
        %add3A_719 = arith.addf %gather3A_718, %get3A_345 : vector<16xf32>
        %mul3A_720 = arith.mulf %gather3A_653, %get3A_11 : vector<16xf32>
        %add3A_721 = arith.addf %add3A_719, %mul3A_720 : vector<16xf32>
        %mul3A_722 = arith.mulf %gather3A_664, %get3A_43 : vector<16xf32>
        %add3A_723 = arith.addf %add3A_721, %mul3A_722 : vector<16xf32>
        %mul3A_724 = arith.mulf %gather3A_675, %get3A_75 : vector<16xf32>
        %add3A_725 = arith.addf %add3A_723, %mul3A_724 : vector<16xf32>
        %mul3A_726 = arith.mulf %gather3A_686, %get3A_107 : vector<16xf32>
        %add3A_727 = arith.addf %add3A_725, %mul3A_726 : vector<16xf32>
        %mul3A_728 = arith.constant 104 : i32
        %mul3A_729 = arith.muli %rem3A_250, %mul3A_728 : i32
        %add3A_730 = arith.addi %mul3A_729, %add3A_637 : i32
        %get3A_731 = arith.index_cast %add3A_730 : i32 to index
        %get3A_732 = arith.constant 16 : index
        %get3A_733 = tpu.vector_load %arg9[%get3A_731, %get3A_732] {strides = array<i32>} : memref<208x128xf32, #tpu.memory_space<vmem>>, vector<16xf32>,
        %add3A_734 = arith.addf %add3A_727, %get3A_733 : vector<16xf32>
        %mul3A_735 = arith.constant 128 : i32
        %mul3A_736 = arith.muli %rem3A_250, %mul3A_735 : i32
        %add3A_737 = arith.constant 32 : i32
        %add3A_738 = arith.addi %mul3A_736, %add3A_737 : i32
        %add3A_739 = arith.addi %add3A_738, %scan3A_339 : i32
        %swap3A_740 = arith.index_cast %add3A_739 : i32 to index
        %swap3A_741 = arith.constant 16 : index
        %swap3A_742 = tpu.vector_load %arg10[%swap3A_740, %swap3A_741] {strides = array<i32>} : memref<256x128xf32, #tpu.memory_space<vmem>>, vector<16xf32>,
        tpu.vector_store %arg10[%swap3A_740, %swap3A_741], %add3A_734 {strides = array<i32>} : memref<256x128xf32, #tpu.memory_space<vmem>>, vector<16xf32>,
        %add3A_743 = arith.constant 32 : i32
        %add3A_744 = vector.broadcast %add3A_743 : i32 to vector<16xi32>
        %add3A_745 = arith.addi %iota3A, %add3A_744 : vector<16xi32>
        %gather3A_746 = tpu.vector_load_idx %arg13[%gather3A_642, %add3A_745] : memref<50x128xf32, #tpu.memory_space<vmem>>[vector<16xi32>, vector<16xi32>], vector<16xf32>,
        %add3A_747 = arith.addf %gather3A_746, %get3A_348 : vector<16xf32>
        %mul3A_748 = arith.mulf %gather3A_653, %get3A_15 : vector<16xf32>
        %add3A_749 = arith.addf %add3A_747, %mul3A_748 : vector<16xf32>
        %mul3A_750 = arith.mulf %gather3A_664, %get3A_47 : vector<16xf32>
        %add3A_751 = arith.addf %add3A_749, %mul3A_750 : vector<16xf32>
        %mul3A_752 = arith.mulf %gather3A_675, %get3A_79 : vector<16xf32>
        %add3A_753 = arith.addf %add3A_751, %mul3A_752 : vector<16xf32>
        %mul3A_754 = arith.mulf %gather3A_686, %get3A_111 : vector<16xf32>
        %add3A_755 = arith.addf %add3A_753, %mul3A_754 : vector<16xf32>
        %mul3A_756 = arith.constant 104 : i32
        %mul3A_757 = arith.muli %rem3A_250, %mul3A_756 : i32
        %add3A_758 = arith.addi %mul3A_757, %add3A_637 : i32
        %get3A_759 = arith.index_cast %add3A_758 : i32 to index
        %get3A_760 = arith.constant 32 : index
        %get3A_761 = tpu.vector_load %arg9[%get3A_759, %get3A_760] {strides = array<i32>} : memref<208x128xf32, #tpu.memory_space<vmem>>, vector<16xf32>,
        %add3A_762 = arith.addf %add3A_755, %get3A_761 : vector<16xf32>
        %mul3A_763 = arith.constant 128 : i32
        %mul3A_764 = arith.muli %rem3A_250, %mul3A_763 : i32
        %add3A_765 = arith.constant 32 : i32
        %add3A_766 = arith.addi %mul3A_764, %add3A_765 : i32
        %add3A_767 = arith.addi %add3A_766, %scan3A_339 : i32
        %swap3A_768 = arith.index_cast %add3A_767 : i32 to index
        %swap3A_769 = arith.constant 32 : index
        %swap3A_770 = tpu.vector_load %arg10[%swap3A_768, %swap3A_769] {strides = array<i32>} : memref<256x128xf32, #tpu.memory_space<vmem>>, vector<16xf32>,
        tpu.vector_store %arg10[%swap3A_768, %swap3A_769], %add3A_762 {strides = array<i32>} : memref<256x128xf32, #tpu.memory_space<vmem>>, vector<16xf32>,
        %add3A_771 = arith.constant 48 : i32
        %add3A_772 = vector.broadcast %add3A_771 : i32 to vector<16xi32>
        %add3A_773 = arith.addi %iota3A, %add3A_772 : vector<16xi32>
        %gather3A_774 = tpu.vector_load_idx %arg13[%gather3A_642, %add3A_773] : memref<50x128xf32, #tpu.memory_space<vmem>>[vector<16xi32>, vector<16xi32>], vector<16xf32>,
        %add3A_775 = arith.addf %gather3A_774, %get3A_351 : vector<16xf32>
        %mul3A_776 = arith.mulf %gather3A_653, %get3A_19 : vector<16xf32>
        %add3A_777 = arith.addf %add3A_775, %mul3A_776 : vector<16xf32>
        %mul3A_778 = arith.mulf %gather3A_664, %get3A_51 : vector<16xf32>
        %add3A_779 = arith.addf %add3A_777, %mul3A_778 : vector<16xf32>
        %mul3A_780 = arith.mulf %gather3A_675, %get3A_83 : vector<16xf32>
        %add3A_781 = arith.addf %add3A_779, %mul3A_780 : vector<16xf32>
        %mul3A_782 = arith.mulf %gather3A_686, %get3A_115 : vector<16xf32>
        %add3A_783 = arith.addf %add3A_781, %mul3A_782 : vector<16xf32>
        %mul3A_784 = arith.constant 104 : i32
        %mul3A_785 = arith.muli %rem3A_250, %mul3A_784 : i32
        %add3A_786 = arith.addi %mul3A_785, %add3A_637 : i32
        %get3A_787 = arith.index_cast %add3A_786 : i32 to index
        %get3A_788 = arith.constant 48 : index
        %get3A_789 = tpu.vector_load %arg9[%get3A_787, %get3A_788] {strides = array<i32>} : memref<208x128xf32, #tpu.memory_space<vmem>>, vector<16xf32>,
        %add3A_790 = arith.addf %add3A_783, %get3A_789 : vector<16xf32>
        %mul3A_791 = arith.constant 128 : i32
        %mul3A_792 = arith.muli %rem3A_250, %mul3A_791 : i32
        %add3A_793 = arith.constant 32 : i32
        %add3A_794 = arith.addi %mul3A_792, %add3A_793 : i32
        %add3A_795 = arith.addi %add3A_794, %scan3A_339 : i32
        %swap3A_796 = arith.index_cast %add3A_795 : i32 to index
        %swap3A_797 = arith.constant 48 : index
        %swap3A_798 = tpu.vector_load %arg10[%swap3A_796, %swap3A_797] {strides = array<i32>} : memref<256x128xf32, #tpu.memory_space<vmem>>, vector<16xf32>,
        tpu.vector_store %arg10[%swap3A_796, %swap3A_797], %add3A_790 {strides = array<i32>} : memref<256x128xf32, #tpu.memory_space<vmem>>, vector<16xf32>,
        %add3A_799 = arith.constant 64 : i32
        %add3A_800 = vector.broadcast %add3A_799 : i32 to vector<16xi32>
        %add3A_801 = arith.addi %iota3A, %add3A_800 : vector<16xi32>
        %gather3A_802 = tpu.vector_load_idx %arg13[%gather3A_642, %add3A_801] : memref<50x128xf32, #tpu.memory_space<vmem>>[vector<16xi32>, vector<16xi32>], vector<16xf32>,
        %add3A_803 = arith.addf %gather3A_802, %get3A_354 : vector<16xf32>
        %mul3A_804 = arith.mulf %gather3A_653, %get3A_23 : vector<16xf32>
        %add3A_805 = arith.addf %add3A_803, %mul3A_804 : vector<16xf32>
        %mul3A_806 = arith.mulf %gather3A_664, %get3A_55 : vector<16xf32>
        %add3A_807 = arith.addf %add3A_805, %mul3A_806 : vector<16xf32>
        %mul3A_808 = arith.mulf %gather3A_675, %get3A_87 : vector<16xf32>
        %add3A_809 = arith.addf %add3A_807, %mul3A_808 : vector<16xf32>
        %mul3A_810 = arith.mulf %gather3A_686, %get3A_119 : vector<16xf32>
        %add3A_811 = arith.addf %add3A_809, %mul3A_810 : vector<16xf32>
        %mul3A_812 = arith.constant 104 : i32
        %mul3A_813 = arith.muli %rem3A_250, %mul3A_812 : i32
        %add3A_814 = arith.addi %mul3A_813, %add3A_637 : i32
        %get3A_815 = arith.index_cast %add3A_814 : i32 to index
        %get3A_816 = arith.constant 64 : index
        %get3A_817 = tpu.vector_load %arg9[%get3A_815, %get3A_816] {strides = array<i32>} : memref<208x128xf32, #tpu.memory_space<vmem>>, vector<16xf32>,
        %add3A_818 = arith.addf %add3A_811, %get3A_817 : vector<16xf32>
        %mul3A_819 = arith.constant 128 : i32
        %mul3A_820 = arith.muli %rem3A_250, %mul3A_819 : i32
        %add3A_821 = arith.constant 32 : i32
        %add3A_822 = arith.addi %mul3A_820, %add3A_821 : i32
        %add3A_823 = arith.addi %add3A_822, %scan3A_339 : i32
        %swap3A_824 = arith.index_cast %add3A_823 : i32 to index
        %swap3A_825 = arith.constant 64 : index
        %swap3A_826 = tpu.vector_load %arg10[%swap3A_824, %swap3A_825] {strides = array<i32>} : memref<256x128xf32, #tpu.memory_space<vmem>>, vector<16xf32>,
        tpu.vector_store %arg10[%swap3A_824, %swap3A_825], %add3A_818 {strides = array<i32>} : memref<256x128xf32, #tpu.memory_space<vmem>>, vector<16xf32>,
        %add3A_827 = arith.constant 80 : i32
        %add3A_828 = vector.broadcast %add3A_827 : i32 to vector<16xi32>
        %add3A_829 = arith.addi %iota3A, %add3A_828 : vector<16xi32>
        %gather3A_830 = tpu.vector_load_idx %arg13[%gather3A_642, %add3A_829] : memref<50x128xf32, #tpu.memory_space<vmem>>[vector<16xi32>, vector<16xi32>], vector<16xf32>,
        %add3A_831 = arith.addf %gather3A_830, %get3A_357 : vector<16xf32>
        %mul3A_832 = arith.mulf %gather3A_653, %get3A_27 : vector<16xf32>
        %add3A_833 = arith.addf %add3A_831, %mul3A_832 : vector<16xf32>
        %mul3A_834 = arith.mulf %gather3A_664, %get3A_59 : vector<16xf32>
        %add3A_835 = arith.addf %add3A_833, %mul3A_834 : vector<16xf32>
        %mul3A_836 = arith.mulf %gather3A_675, %get3A_91 : vector<16xf32>
        %add3A_837 = arith.addf %add3A_835, %mul3A_836 : vector<16xf32>
        %mul3A_838 = arith.mulf %gather3A_686, %get3A_123 : vector<16xf32>
        %add3A_839 = arith.addf %add3A_837, %mul3A_838 : vector<16xf32>
        %mul3A_840 = arith.constant 104 : i32
        %mul3A_841 = arith.muli %rem3A_250, %mul3A_840 : i32
        %add3A_842 = arith.addi %mul3A_841, %add3A_637 : i32
        %get3A_843 = arith.index_cast %add3A_842 : i32 to index
        %get3A_844 = arith.constant 80 : index
        %get3A_845 = tpu.vector_load %arg9[%get3A_843, %get3A_844] {strides = array<i32>} : memref<208x128xf32, #tpu.memory_space<vmem>>, vector<16xf32>,
        %add3A_846 = arith.addf %add3A_839, %get3A_845 : vector<16xf32>
        %mul3A_847 = arith.constant 128 : i32
        %mul3A_848 = arith.muli %rem3A_250, %mul3A_847 : i32
        %add3A_849 = arith.constant 32 : i32
        %add3A_850 = arith.addi %mul3A_848, %add3A_849 : i32
        %add3A_851 = arith.addi %add3A_850, %scan3A_339 : i32
        %swap3A_852 = arith.index_cast %add3A_851 : i32 to index
        %swap3A_853 = arith.constant 80 : index
        %swap3A_854 = tpu.vector_load %arg10[%swap3A_852, %swap3A_853] {strides = array<i32>} : memref<256x128xf32, #tpu.memory_space<vmem>>, vector<16xf32>,
        tpu.vector_store %arg10[%swap3A_852, %swap3A_853], %add3A_846 {strides = array<i32>} : memref<256x128xf32, #tpu.memory_space<vmem>>, vector<16xf32>,
        %add3A_855 = arith.constant 96 : i32
        %add3A_856 = vector.broadcast %add3A_855 : i32 to vector<16xi32>
        %add3A_857 = arith.addi %iota3A, %add3A_856 : vector<16xi32>
        %gather3A_858 = tpu.vector_load_idx %arg13[%gather3A_642, %add3A_857] : memref<50x128xf32, #tpu.memory_space<vmem>>[vector<16xi32>, vector<16xi32>], vector<16xf32>,
        %add3A_859 = arith.addf %gather3A_858, %get3A_360 : vector<16xf32>
        %mul3A_860 = arith.mulf %gather3A_653, %get3A_31 : vector<16xf32>
        %add3A_861 = arith.addf %add3A_859, %mul3A_860 : vector<16xf32>
        %mul3A_862 = arith.mulf %gather3A_664, %get3A_63 : vector<16xf32>
        %add3A_863 = arith.addf %add3A_861, %mul3A_862 : vector<16xf32>
        %mul3A_864 = arith.mulf %gather3A_675, %get3A_95 : vector<16xf32>
        %add3A_865 = arith.addf %add3A_863, %mul3A_864 : vector<16xf32>
        %mul3A_866 = arith.mulf %gather3A_686, %get3A_127 : vector<16xf32>
        %add3A_867 = arith.addf %add3A_865, %mul3A_866 : vector<16xf32>
        %mul3A_868 = arith.constant 104 : i32
        %mul3A_869 = arith.muli %rem3A_250, %mul3A_868 : i32
        %add3A_870 = arith.addi %mul3A_869, %add3A_637 : i32
        %get3A_871 = arith.index_cast %add3A_870 : i32 to index
        %get3A_872 = arith.constant 96 : index
        %get3A_873 = tpu.vector_load %arg9[%get3A_871, %get3A_872] {strides = array<i32>} : memref<208x128xf32, #tpu.memory_space<vmem>>, vector<16xf32>,
        %add3A_874 = arith.addf %add3A_867, %get3A_873 : vector<16xf32>
        %mul3A_875 = arith.constant 128 : i32
        %mul3A_876 = arith.muli %rem3A_250, %mul3A_875 : i32
        %add3A_877 = arith.constant 32 : i32
        %add3A_878 = arith.addi %mul3A_876, %add3A_877 : i32
        %add3A_879 = arith.addi %add3A_878, %scan3A_339 : i32
        %swap3A_880 = arith.index_cast %add3A_879 : i32 to index
        %swap3A_881 = arith.constant 96 : index
        %swap3A_882 = tpu.vector_load %arg10[%swap3A_880, %swap3A_881] {strides = array<i32>} : memref<256x128xf32, #tpu.memory_space<vmem>>, vector<16xf32>,
        tpu.vector_store %arg10[%swap3A_880, %swap3A_881], %add3A_874 {strides = array<i32>} : memref<256x128xf32, #tpu.memory_space<vmem>>, vector<16xf32>,
        %add3A_883 = arith.constant 112 : i32
        %add3A_884 = vector.broadcast %add3A_883 : i32 to vector<16xi32>
        %add3A_885 = arith.addi %iota3A, %add3A_884 : vector<16xi32>
        %gather3A_886 = tpu.vector_load_idx %arg13[%gather3A_642, %add3A_885] : memref<50x128xf32, #tpu.memory_space<vmem>>[vector<16xi32>, vector<16xi32>], vector<16xf32>,
        %add3A_887 = arith.addf %gather3A_886, %get3A_363 : vector<16xf32>
        %mul3A_888 = arith.mulf %gather3A_653, %get3A_35 : vector<16xf32>
        %add3A_889 = arith.addf %add3A_887, %mul3A_888 : vector<16xf32>
        %mul3A_890 = arith.mulf %gather3A_664, %get3A_67 : vector<16xf32>
        %add3A_891 = arith.addf %add3A_889, %mul3A_890 : vector<16xf32>
        %mul3A_892 = arith.mulf %gather3A_675, %get3A_99 : vector<16xf32>
        %add3A_893 = arith.addf %add3A_891, %mul3A_892 : vector<16xf32>
        %mul3A_894 = arith.mulf %gather3A_686, %get3A_131 : vector<16xf32>
        %add3A_895 = arith.addf %add3A_893, %mul3A_894 : vector<16xf32>
        %mul3A_896 = arith.constant 104 : i32
        %mul3A_897 = arith.muli %rem3A_250, %mul3A_896 : i32
        %add3A_898 = arith.addi %mul3A_897, %add3A_637 : i32
        %get3A_899 = arith.index_cast %add3A_898 : i32 to index
        %get3A_900 = arith.constant 112 : index
        %get3A_901 = tpu.vector_load %arg9[%get3A_899, %get3A_900] {strides = array<i32>} : memref<208x128xf32, #tpu.memory_space<vmem>>, vector<16xf32>,
        %add3A_902 = arith.addf %add3A_895, %get3A_901 : vector<16xf32>
        %mul3A_903 = arith.constant 128 : i32
        %mul3A_904 = arith.muli %rem3A_250, %mul3A_903 : i32
        %add3A_905 = arith.constant 32 : i32
        %add3A_906 = arith.addi %mul3A_904, %add3A_905 : i32
        %add3A_907 = arith.addi %add3A_906, %scan3A_339 : i32
        %swap3A_908 = arith.index_cast %add3A_907 : i32 to index
        %swap3A_909 = arith.constant 112 : index
        %swap3A_910 = tpu.vector_load %arg10[%swap3A_908, %swap3A_909] {strides = array<i32>} : memref<256x128xf32, #tpu.memory_space<vmem>>, vector<16xf32>,
        tpu.vector_store %arg10[%swap3A_908, %swap3A_909], %add3A_902 {strides = array<i32>} : memref<256x128xf32, #tpu.memory_space<vmem>>, vector<16xf32>,
        %add3A_911 = arith.constant 52 : i32
        %add3A_912 = arith.addi %scan3A_339, %add3A_911 : i32
        %mul3A_913 = arith.constant 104 : i32
        %mul3A_914 = arith.muli %rem3A_250, %mul3A_913 : i32
        %add3A_915 = arith.addi %mul3A_914, %add3A_912 : i32
        %broadcast_in_dim3A_916 = vector.broadcast %add3A_915 : i32 to vector<16xi32>
        %gather3A_917 = tpu.vector_load_idx %arg11[%broadcast_in_dim3A_916] : memref<208xi32, #tpu.memory_space<vmem>>[vector<16xi32>], vector<16xi32>,
        %mul3A_918 = arith.constant 104 : i32
        %mul3A_919 = arith.muli %rem3A_250, %mul3A_918 : i32
        %mul3A_920 = arith.constant 4 : i32
        %mul3A_921 = arith.muli %mul3A_919, %mul3A_920 : i32
        %mul3A_922 = arith.constant 4 : i32
        %mul3A_923 = arith.muli %mul3A_922, %add3A_912 : i32
        %add3A_924 = arith.addi %mul3A_921, %mul3A_923 : i32
        %add3A_925 = arith.constant 0 : i32
        %add3A_926 = arith.addi %add3A_924, %add3A_925 : i32
        %broadcast_in_dim3A_927 = vector.broadcast %add3A_926 : i32 to vector<16xi32>
        %gather3A_928 = tpu.vector_load_idx %arg12[%broadcast_in_dim3A_927] : memref<832xf32, #tpu.memory_space<vmem>>[vector<16xi32>], vector<16xf32>,
        %mul3A_929 = arith.constant 104 : i32
        %mul3A_930 = arith.muli %rem3A_250, %mul3A_929 : i32
        %mul3A_931 = arith.constant 4 : i32
        %mul3A_932 = arith.muli %mul3A_930, %mul3A_931 : i32
        %mul3A_933 = arith.constant 4 : i32
        %mul3A_934 = arith.muli %mul3A_933, %add3A_912 : i32
        %add3A_935 = arith.addi %mul3A_932, %mul3A_934 : i32
        %add3A_936 = arith.constant 1 : i32
        %add3A_937 = arith.addi %add3A_935, %add3A_936 : i32
        %broadcast_in_dim3A_938 = vector.broadcast %add3A_937 : i32 to vector<16xi32>
        %gather3A_939 = tpu.vector_load_idx %arg12[%broadcast_in_dim3A_938] : memref<832xf32, #tpu.memory_space<vmem>>[vector<16xi32>], vector<16xf32>,
        %mul3A_940 = arith.constant 104 : i32
        %mul3A_941 = arith.muli %rem3A_250, %mul3A_940 : i32
        %mul3A_942 = arith.constant 4 : i32
        %mul3A_943 = arith.muli %mul3A_941, %mul3A_942 : i32
        %mul3A_944 = arith.constant 4 : i32
        %mul3A_945 = arith.muli %mul3A_944, %add3A_912 : i32
        %add3A_946 = arith.addi %mul3A_943, %mul3A_945 : i32
        %add3A_947 = arith.constant 2 : i32
        %add3A_948 = arith.addi %add3A_946, %add3A_947 : i32
        %broadcast_in_dim3A_949 = vector.broadcast %add3A_948 : i32 to vector<16xi32>
        %gather3A_950 = tpu.vector_load_idx %arg12[%broadcast_in_dim3A_949] : memref<832xf32, #tpu.memory_space<vmem>>[vector<16xi32>], vector<16xf32>,
        %mul3A_951 = arith.constant 104 : i32
        %mul3A_952 = arith.muli %rem3A_250, %mul3A_951 : i32
        %mul3A_953 = arith.constant 4 : i32
        %mul3A_954 = arith.muli %mul3A_952, %mul3A_953 : i32
        %mul3A_955 = arith.constant 4 : i32
        %mul3A_956 = arith.muli %mul3A_955, %add3A_912 : i32
        %add3A_957 = arith.addi %mul3A_954, %mul3A_956 : i32
        %add3A_958 = arith.constant 3 : i32
        %add3A_959 = arith.addi %add3A_957, %add3A_958 : i32
        %broadcast_in_dim3A_960 = vector.broadcast %add3A_959 : i32 to vector<16xi32>
        %gather3A_961 = tpu.vector_load_idx %arg12[%broadcast_in_dim3A_960] : memref<832xf32, #tpu.memory_space<vmem>>[vector<16xi32>], vector<16xf32>,
        %add3A_962 = arith.constant 0 : i32
        %add3A_963 = vector.broadcast %add3A_962 : i32 to vector<16xi32>
        %add3A_964 = arith.addi %iota3A, %add3A_963 : vector<16xi32>
        %gather3A_965 = tpu.vector_load_idx %arg13[%gather3A_917, %add3A_964] : memref<50x128xf32, #tpu.memory_space<vmem>>[vector<16xi32>, vector<16xi32>], vector<16xf32>,
        %add3A_966 = arith.addf %gather3A_965, %get3A_342 : vector<16xf32>
        %mul3A_967 = arith.mulf %gather3A_928, %get3A_7 : vector<16xf32>
        %add3A_968 = arith.addf %add3A_966, %mul3A_967 : vector<16xf32>
        %mul3A_969 = arith.mulf %gather3A_939, %get3A_39 : vector<16xf32>
        %add3A_970 = arith.addf %add3A_968, %mul3A_969 : vector<16xf32>
        %mul3A_971 = arith.mulf %gather3A_950, %get3A_71 : vector<16xf32>
        %add3A_972 = arith.addf %add3A_970, %mul3A_971 : vector<16xf32>
        %mul3A_973 = arith.mulf %gather3A_961, %get3A_103 : vector<16xf32>
        %add3A_974 = arith.addf %add3A_972, %mul3A_973 : vector<16xf32>
        %mul3A_975 = arith.constant 104 : i32
        %mul3A_976 = arith.muli %rem3A_250, %mul3A_975 : i32
        %add3A_977 = arith.addi %mul3A_976, %add3A_912 : i32
        %get3A_978 = arith.index_cast %add3A_977 : i32 to index
        %get3A_979 = arith.constant 0 : index
        %get3A_980 = tpu.vector_load %arg9[%get3A_978, %get3A_979] {strides = array<i32>} : memref<208x128xf32, #tpu.memory_space<vmem>>, vector<16xf32>,
        %add3A_981 = arith.addf %add3A_974, %get3A_980 : vector<16xf32>
        %mul3A_982 = arith.constant 128 : i32
        %mul3A_983 = arith.muli %rem3A_250, %mul3A_982 : i32
        %add3A_984 = arith.constant 64 : i32
        %add3A_985 = arith.addi %mul3A_983, %add3A_984 : i32
        %add3A_986 = arith.addi %add3A_985, %scan3A_339 : i32
        %swap3A_987 = arith.index_cast %add3A_986 : i32 to index
        %swap3A_988 = arith.constant 0 : index
        %swap3A_989 = tpu.vector_load %arg10[%swap3A_987, %swap3A_988] {strides = array<i32>} : memref<256x128xf32, #tpu.memory_space<vmem>>, vector<16xf32>,
        tpu.vector_store %arg10[%swap3A_987, %swap3A_988], %add3A_981 {strides = array<i32>} : memref<256x128xf32, #tpu.memory_space<vmem>>, vector<16xf32>,
        %add3A_990 = arith.constant 16 : i32
        %add3A_991 = vector.broadcast %add3A_990 : i32 to vector<16xi32>
        %add3A_992 = arith.addi %iota3A, %add3A_991 : vector<16xi32>
        %gather3A_993 = tpu.vector_load_idx %arg13[%gather3A_917, %add3A_992] : memref<50x128xf32, #tpu.memory_space<vmem>>[vector<16xi32>, vector<16xi32>], vector<16xf32>,
        %add3A_994 = arith.addf %gather3A_993, %get3A_345 : vector<16xf32>
        %mul3A_995 = arith.mulf %gather3A_928, %get3A_11 : vector<16xf32>
        %add3A_996 = arith.addf %add3A_994, %mul3A_995 : vector<16xf32>
        %mul3A_997 = arith.mulf %gather3A_939, %get3A_43 : vector<16xf32>
        %add3A_998 = arith.addf %add3A_996, %mul3A_997 : vector<16xf32>
        %mul3A_999 = arith.mulf %gather3A_950, %get3A_75 : vector<16xf32>
        %add3A_1000 = arith.addf %add3A_998, %mul3A_999 : vector<16xf32>
        %mul3A_1001 = arith.mulf %gather3A_961, %get3A_107 : vector<16xf32>
        %add3A_1002 = arith.addf %add3A_1000, %mul3A_1001 : vector<16xf32>
        %mul3A_1003 = arith.constant 104 : i32
        %mul3A_1004 = arith.muli %rem3A_250, %mul3A_1003 : i32
        %add3A_1005 = arith.addi %mul3A_1004, %add3A_912 : i32
        %get3A_1006 = arith.index_cast %add3A_1005 : i32 to index
        %get3A_1007 = arith.constant 16 : index
        %get3A_1008 = tpu.vector_load %arg9[%get3A_1006, %get3A_1007] {strides = array<i32>} : memref<208x128xf32, #tpu.memory_space<vmem>>, vector<16xf32>,
        %add3A_1009 = arith.addf %add3A_1002, %get3A_1008 : vector<16xf32>
        %mul3A_1010 = arith.constant 128 : i32
        %mul3A_1011 = arith.muli %rem3A_250, %mul3A_1010 : i32
        %add3A_1012 = arith.constant 64 : i32
        %add3A_1013 = arith.addi %mul3A_1011, %add3A_1012 : i32
        %add3A_1014 = arith.addi %add3A_1013, %scan3A_339 : i32
        %swap3A_1015 = arith.index_cast %add3A_1014 : i32 to index
        %swap3A_1016 = arith.constant 16 : index
        %swap3A_1017 = tpu.vector_load %arg10[%swap3A_1015, %swap3A_1016] {strides = array<i32>} : memref<256x128xf32, #tpu.memory_space<vmem>>, vector<16xf32>,
        tpu.vector_store %arg10[%swap3A_1015, %swap3A_1016], %add3A_1009 {strides = array<i32>} : memref<256x128xf32, #tpu.memory_space<vmem>>, vector<16xf32>,
        %add3A_1018 = arith.constant 32 : i32
        %add3A_1019 = vector.broadcast %add3A_1018 : i32 to vector<16xi32>
        %add3A_1020 = arith.addi %iota3A, %add3A_1019 : vector<16xi32>
        %gather3A_1021 = tpu.vector_load_idx %arg13[%gather3A_917, %add3A_1020] : memref<50x128xf32, #tpu.memory_space<vmem>>[vector<16xi32>, vector<16xi32>], vector<16xf32>,
        %add3A_1022 = arith.addf %gather3A_1021, %get3A_348 : vector<16xf32>
        %mul3A_1023 = arith.mulf %gather3A_928, %get3A_15 : vector<16xf32>
        %add3A_1024 = arith.addf %add3A_1022, %mul3A_1023 : vector<16xf32>
        %mul3A_1025 = arith.mulf %gather3A_939, %get3A_47 : vector<16xf32>
        %add3A_1026 = arith.addf %add3A_1024, %mul3A_1025 : vector<16xf32>
        %mul3A_1027 = arith.mulf %gather3A_950, %get3A_79 : vector<16xf32>
        %add3A_1028 = arith.addf %add3A_1026, %mul3A_1027 : vector<16xf32>
        %mul3A_1029 = arith.mulf %gather3A_961, %get3A_111 : vector<16xf32>
        %add3A_1030 = arith.addf %add3A_1028, %mul3A_1029 : vector<16xf32>
        %mul3A_1031 = arith.constant 104 : i32
        %mul3A_1032 = arith.muli %rem3A_250, %mul3A_1031 : i32
        %add3A_1033 = arith.addi %mul3A_1032, %add3A_912 : i32
        %get3A_1034 = arith.index_cast %add3A_1033 : i32 to index
        %get3A_1035 = arith.constant 32 : index
        %get3A_1036 = tpu.vector_load %arg9[%get3A_1034, %get3A_1035] {strides = array<i32>} : memref<208x128xf32, #tpu.memory_space<vmem>>, vector<16xf32>,
        %add3A_1037 = arith.addf %add3A_1030, %get3A_1036 : vector<16xf32>
        %mul3A_1038 = arith.constant 128 : i32
        %mul3A_1039 = arith.muli %rem3A_250, %mul3A_1038 : i32
        %add3A_1040 = arith.constant 64 : i32
        %add3A_1041 = arith.addi %mul3A_1039, %add3A_1040 : i32
        %add3A_1042 = arith.addi %add3A_1041, %scan3A_339 : i32
        %swap3A_1043 = arith.index_cast %add3A_1042 : i32 to index
        %swap3A_1044 = arith.constant 32 : index
        %swap3A_1045 = tpu.vector_load %arg10[%swap3A_1043, %swap3A_1044] {strides = array<i32>} : memref<256x128xf32, #tpu.memory_space<vmem>>, vector<16xf32>,
        tpu.vector_store %arg10[%swap3A_1043, %swap3A_1044], %add3A_1037 {strides = array<i32>} : memref<256x128xf32, #tpu.memory_space<vmem>>, vector<16xf32>,
        %add3A_1046 = arith.constant 48 : i32
        %add3A_1047 = vector.broadcast %add3A_1046 : i32 to vector<16xi32>
        %add3A_1048 = arith.addi %iota3A, %add3A_1047 : vector<16xi32>
        %gather3A_1049 = tpu.vector_load_idx %arg13[%gather3A_917, %add3A_1048] : memref<50x128xf32, #tpu.memory_space<vmem>>[vector<16xi32>, vector<16xi32>], vector<16xf32>,
        %add3A_1050 = arith.addf %gather3A_1049, %get3A_351 : vector<16xf32>
        %mul3A_1051 = arith.mulf %gather3A_928, %get3A_19 : vector<16xf32>
        %add3A_1052 = arith.addf %add3A_1050, %mul3A_1051 : vector<16xf32>
        %mul3A_1053 = arith.mulf %gather3A_939, %get3A_51 : vector<16xf32>
        %add3A_1054 = arith.addf %add3A_1052, %mul3A_1053 : vector<16xf32>
        %mul3A_1055 = arith.mulf %gather3A_950, %get3A_83 : vector<16xf32>
        %add3A_1056 = arith.addf %add3A_1054, %mul3A_1055 : vector<16xf32>
        %mul3A_1057 = arith.mulf %gather3A_961, %get3A_115 : vector<16xf32>
        %add3A_1058 = arith.addf %add3A_1056, %mul3A_1057 : vector<16xf32>
        %mul3A_1059 = arith.constant 104 : i32
        %mul3A_1060 = arith.muli %rem3A_250, %mul3A_1059 : i32
        %add3A_1061 = arith.addi %mul3A_1060, %add3A_912 : i32
        %get3A_1062 = arith.index_cast %add3A_1061 : i32 to index
        %get3A_1063 = arith.constant 48 : index
        %get3A_1064 = tpu.vector_load %arg9[%get3A_1062, %get3A_1063] {strides = array<i32>} : memref<208x128xf32, #tpu.memory_space<vmem>>, vector<16xf32>,
        %add3A_1065 = arith.addf %add3A_1058, %get3A_1064 : vector<16xf32>
        %mul3A_1066 = arith.constant 128 : i32
        %mul3A_1067 = arith.muli %rem3A_250, %mul3A_1066 : i32
        %add3A_1068 = arith.constant 64 : i32
        %add3A_1069 = arith.addi %mul3A_1067, %add3A_1068 : i32
        %add3A_1070 = arith.addi %add3A_1069, %scan3A_339 : i32
        %swap3A_1071 = arith.index_cast %add3A_1070 : i32 to index
        %swap3A_1072 = arith.constant 48 : index
        %swap3A_1073 = tpu.vector_load %arg10[%swap3A_1071, %swap3A_1072] {strides = array<i32>} : memref<256x128xf32, #tpu.memory_space<vmem>>, vector<16xf32>,
        tpu.vector_store %arg10[%swap3A_1071, %swap3A_1072], %add3A_1065 {strides = array<i32>} : memref<256x128xf32, #tpu.memory_space<vmem>>, vector<16xf32>,
        %add3A_1074 = arith.constant 64 : i32
        %add3A_1075 = vector.broadcast %add3A_1074 : i32 to vector<16xi32>
        %add3A_1076 = arith.addi %iota3A, %add3A_1075 : vector<16xi32>
        %gather3A_1077 = tpu.vector_load_idx %arg13[%gather3A_917, %add3A_1076] : memref<50x128xf32, #tpu.memory_space<vmem>>[vector<16xi32>, vector<16xi32>], vector<16xf32>,
        %add3A_1078 = arith.addf %gather3A_1077, %get3A_354 : vector<16xf32>
        %mul3A_1079 = arith.mulf %gather3A_928, %get3A_23 : vector<16xf32>
        %add3A_1080 = arith.addf %add3A_1078, %mul3A_1079 : vector<16xf32>
        %mul3A_1081 = arith.mulf %gather3A_939, %get3A_55 : vector<16xf32>
        %add3A_1082 = arith.addf %add3A_1080, %mul3A_1081 : vector<16xf32>
        %mul3A_1083 = arith.mulf %gather3A_950, %get3A_87 : vector<16xf32>
        %add3A_1084 = arith.addf %add3A_1082, %mul3A_1083 : vector<16xf32>
        %mul3A_1085 = arith.mulf %gather3A_961, %get3A_119 : vector<16xf32>
        %add3A_1086 = arith.addf %add3A_1084, %mul3A_1085 : vector<16xf32>
        %mul3A_1087 = arith.constant 104 : i32
        %mul3A_1088 = arith.muli %rem3A_250, %mul3A_1087 : i32
        %add3A_1089 = arith.addi %mul3A_1088, %add3A_912 : i32
        %get3A_1090 = arith.index_cast %add3A_1089 : i32 to index
        %get3A_1091 = arith.constant 64 : index
        %get3A_1092 = tpu.vector_load %arg9[%get3A_1090, %get3A_1091] {strides = array<i32>} : memref<208x128xf32, #tpu.memory_space<vmem>>, vector<16xf32>,
        %add3A_1093 = arith.addf %add3A_1086, %get3A_1092 : vector<16xf32>
        %mul3A_1094 = arith.constant 128 : i32
        %mul3A_1095 = arith.muli %rem3A_250, %mul3A_1094 : i32
        %add3A_1096 = arith.constant 64 : i32
        %add3A_1097 = arith.addi %mul3A_1095, %add3A_1096 : i32
        %add3A_1098 = arith.addi %add3A_1097, %scan3A_339 : i32
        %swap3A_1099 = arith.index_cast %add3A_1098 : i32 to index
        %swap3A_1100 = arith.constant 64 : index
        %swap3A_1101 = tpu.vector_load %arg10[%swap3A_1099, %swap3A_1100] {strides = array<i32>} : memref<256x128xf32, #tpu.memory_space<vmem>>, vector<16xf32>,
        tpu.vector_store %arg10[%swap3A_1099, %swap3A_1100], %add3A_1093 {strides = array<i32>} : memref<256x128xf32, #tpu.memory_space<vmem>>, vector<16xf32>,
        %add3A_1102 = arith.constant 80 : i32
        %add3A_1103 = vector.broadcast %add3A_1102 : i32 to vector<16xi32>
        %add3A_1104 = arith.addi %iota3A, %add3A_1103 : vector<16xi32>
        %gather3A_1105 = tpu.vector_load_idx %arg13[%gather3A_917, %add3A_1104] : memref<50x128xf32, #tpu.memory_space<vmem>>[vector<16xi32>, vector<16xi32>], vector<16xf32>,
        %add3A_1106 = arith.addf %gather3A_1105, %get3A_357 : vector<16xf32>
        %mul3A_1107 = arith.mulf %gather3A_928, %get3A_27 : vector<16xf32>
        %add3A_1108 = arith.addf %add3A_1106, %mul3A_1107 : vector<16xf32>
        %mul3A_1109 = arith.mulf %gather3A_939, %get3A_59 : vector<16xf32>
        %add3A_1110 = arith.addf %add3A_1108, %mul3A_1109 : vector<16xf32>
        %mul3A_1111 = arith.mulf %gather3A_950, %get3A_91 : vector<16xf32>
        %add3A_1112 = arith.addf %add3A_1110, %mul3A_1111 : vector<16xf32>
        %mul3A_1113 = arith.mulf %gather3A_961, %get3A_123 : vector<16xf32>
        %add3A_1114 = arith.addf %add3A_1112, %mul3A_1113 : vector<16xf32>
        %mul3A_1115 = arith.constant 104 : i32
        %mul3A_1116 = arith.muli %rem3A_250, %mul3A_1115 : i32
        %add3A_1117 = arith.addi %mul3A_1116, %add3A_912 : i32
        %get3A_1118 = arith.index_cast %add3A_1117 : i32 to index
        %get3A_1119 = arith.constant 80 : index
        %get3A_1120 = tpu.vector_load %arg9[%get3A_1118, %get3A_1119] {strides = array<i32>} : memref<208x128xf32, #tpu.memory_space<vmem>>, vector<16xf32>,
        %add3A_1121 = arith.addf %add3A_1114, %get3A_1120 : vector<16xf32>
        %mul3A_1122 = arith.constant 128 : i32
        %mul3A_1123 = arith.muli %rem3A_250, %mul3A_1122 : i32
        %add3A_1124 = arith.constant 64 : i32
        %add3A_1125 = arith.addi %mul3A_1123, %add3A_1124 : i32
        %add3A_1126 = arith.addi %add3A_1125, %scan3A_339 : i32
        %swap3A_1127 = arith.index_cast %add3A_1126 : i32 to index
        %swap3A_1128 = arith.constant 80 : index
        %swap3A_1129 = tpu.vector_load %arg10[%swap3A_1127, %swap3A_1128] {strides = array<i32>} : memref<256x128xf32, #tpu.memory_space<vmem>>, vector<16xf32>,
        tpu.vector_store %arg10[%swap3A_1127, %swap3A_1128], %add3A_1121 {strides = array<i32>} : memref<256x128xf32, #tpu.memory_space<vmem>>, vector<16xf32>,
        %add3A_1130 = arith.constant 96 : i32
        %add3A_1131 = vector.broadcast %add3A_1130 : i32 to vector<16xi32>
        %add3A_1132 = arith.addi %iota3A, %add3A_1131 : vector<16xi32>
        %gather3A_1133 = tpu.vector_load_idx %arg13[%gather3A_917, %add3A_1132] : memref<50x128xf32, #tpu.memory_space<vmem>>[vector<16xi32>, vector<16xi32>], vector<16xf32>,
        %add3A_1134 = arith.addf %gather3A_1133, %get3A_360 : vector<16xf32>
        %mul3A_1135 = arith.mulf %gather3A_928, %get3A_31 : vector<16xf32>
        %add3A_1136 = arith.addf %add3A_1134, %mul3A_1135 : vector<16xf32>
        %mul3A_1137 = arith.mulf %gather3A_939, %get3A_63 : vector<16xf32>
        %add3A_1138 = arith.addf %add3A_1136, %mul3A_1137 : vector<16xf32>
        %mul3A_1139 = arith.mulf %gather3A_950, %get3A_95 : vector<16xf32>
        %add3A_1140 = arith.addf %add3A_1138, %mul3A_1139 : vector<16xf32>
        %mul3A_1141 = arith.mulf %gather3A_961, %get3A_127 : vector<16xf32>
        %add3A_1142 = arith.addf %add3A_1140, %mul3A_1141 : vector<16xf32>
        %mul3A_1143 = arith.constant 104 : i32
        %mul3A_1144 = arith.muli %rem3A_250, %mul3A_1143 : i32
        %add3A_1145 = arith.addi %mul3A_1144, %add3A_912 : i32
        %get3A_1146 = arith.index_cast %add3A_1145 : i32 to index
        %get3A_1147 = arith.constant 96 : index
        %get3A_1148 = tpu.vector_load %arg9[%get3A_1146, %get3A_1147] {strides = array<i32>} : memref<208x128xf32, #tpu.memory_space<vmem>>, vector<16xf32>,
        %add3A_1149 = arith.addf %add3A_1142, %get3A_1148 : vector<16xf32>
        %mul3A_1150 = arith.constant 128 : i32
        %mul3A_1151 = arith.muli %rem3A_250, %mul3A_1150 : i32
        %add3A_1152 = arith.constant 64 : i32
        %add3A_1153 = arith.addi %mul3A_1151, %add3A_1152 : i32
        %add3A_1154 = arith.addi %add3A_1153, %scan3A_339 : i32
        %swap3A_1155 = arith.index_cast %add3A_1154 : i32 to index
        %swap3A_1156 = arith.constant 96 : index
        %swap3A_1157 = tpu.vector_load %arg10[%swap3A_1155, %swap3A_1156] {strides = array<i32>} : memref<256x128xf32, #tpu.memory_space<vmem>>, vector<16xf32>,
        tpu.vector_store %arg10[%swap3A_1155, %swap3A_1156], %add3A_1149 {strides = array<i32>} : memref<256x128xf32, #tpu.memory_space<vmem>>, vector<16xf32>,
        %add3A_1158 = arith.constant 112 : i32
        %add3A_1159 = vector.broadcast %add3A_1158 : i32 to vector<16xi32>
        %add3A_1160 = arith.addi %iota3A, %add3A_1159 : vector<16xi32>
        %gather3A_1161 = tpu.vector_load_idx %arg13[%gather3A_917, %add3A_1160] : memref<50x128xf32, #tpu.memory_space<vmem>>[vector<16xi32>, vector<16xi32>], vector<16xf32>,
        %add3A_1162 = arith.addf %gather3A_1161, %get3A_363 : vector<16xf32>
        %mul3A_1163 = arith.mulf %gather3A_928, %get3A_35 : vector<16xf32>
        %add3A_1164 = arith.addf %add3A_1162, %mul3A_1163 : vector<16xf32>
        %mul3A_1165 = arith.mulf %gather3A_939, %get3A_67 : vector<16xf32>
        %add3A_1166 = arith.addf %add3A_1164, %mul3A_1165 : vector<16xf32>
        %mul3A_1167 = arith.mulf %gather3A_950, %get3A_99 : vector<16xf32>
        %add3A_1168 = arith.addf %add3A_1166, %mul3A_1167 : vector<16xf32>
        %mul3A_1169 = arith.mulf %gather3A_961, %get3A_131 : vector<16xf32>
        %add3A_1170 = arith.addf %add3A_1168, %mul3A_1169 : vector<16xf32>
        %mul3A_1171 = arith.constant 104 : i32
        %mul3A_1172 = arith.muli %rem3A_250, %mul3A_1171 : i32
        %add3A_1173 = arith.addi %mul3A_1172, %add3A_912 : i32
        %get3A_1174 = arith.index_cast %add3A_1173 : i32 to index
        %get3A_1175 = arith.constant 112 : index
        %get3A_1176 = tpu.vector_load %arg9[%get3A_1174, %get3A_1175] {strides = array<i32>} : memref<208x128xf32, #tpu.memory_space<vmem>>, vector<16xf32>,
        %add3A_1177 = arith.addf %add3A_1170, %get3A_1176 : vector<16xf32>
        %mul3A_1178 = arith.constant 128 : i32
        %mul3A_1179 = arith.muli %rem3A_250, %mul3A_1178 : i32
        %add3A_1180 = arith.constant 64 : i32
        %add3A_1181 = arith.addi %mul3A_1179, %add3A_1180 : i32
        %add3A_1182 = arith.addi %add3A_1181, %scan3A_339 : i32
        %swap3A_1183 = arith.index_cast %add3A_1182 : i32 to index
        %swap3A_1184 = arith.constant 112 : index
        %swap3A_1185 = tpu.vector_load %arg10[%swap3A_1183, %swap3A_1184] {strides = array<i32>} : memref<256x128xf32, #tpu.memory_space<vmem>>, vector<16xf32>,
        tpu.vector_store %arg10[%swap3A_1183, %swap3A_1184], %add3A_1177 {strides = array<i32>} : memref<256x128xf32, #tpu.memory_space<vmem>>, vector<16xf32>,
        %add3A_1186 = arith.constant 78 : i32
        %add3A_1187 = arith.addi %scan3A_339, %add3A_1186 : i32
        %mul3A_1188 = arith.constant 104 : i32
        %mul3A_1189 = arith.muli %rem3A_250, %mul3A_1188 : i32
        %add3A_1190 = arith.addi %mul3A_1189, %add3A_1187 : i32
        %broadcast_in_dim3A_1191 = vector.broadcast %add3A_1190 : i32 to vector<16xi32>
        %gather3A_1192 = tpu.vector_load_idx %arg11[%broadcast_in_dim3A_1191] : memref<208xi32, #tpu.memory_space<vmem>>[vector<16xi32>], vector<16xi32>,
        %mul3A_1193 = arith.constant 104 : i32
        %mul3A_1194 = arith.muli %rem3A_250, %mul3A_1193 : i32
        %mul3A_1195 = arith.constant 4 : i32
        %mul3A_1196 = arith.muli %mul3A_1194, %mul3A_1195 : i32
        %mul3A_1197 = arith.constant 4 : i32
        %mul3A_1198 = arith.muli %mul3A_1197, %add3A_1187 : i32
        %add3A_1199 = arith.addi %mul3A_1196, %mul3A_1198 : i32
        %add3A_1200 = arith.constant 0 : i32
        %add3A_1201 = arith.addi %add3A_1199, %add3A_1200 : i32
        %broadcast_in_dim3A_1202 = vector.broadcast %add3A_1201 : i32 to vector<16xi32>
        %gather3A_1203 = tpu.vector_load_idx %arg12[%broadcast_in_dim3A_1202] : memref<832xf32, #tpu.memory_space<vmem>>[vector<16xi32>], vector<16xf32>,
        %mul3A_1204 = arith.constant 104 : i32
        %mul3A_1205 = arith.muli %rem3A_250, %mul3A_1204 : i32
        %mul3A_1206 = arith.constant 4 : i32
        %mul3A_1207 = arith.muli %mul3A_1205, %mul3A_1206 : i32
        %mul3A_1208 = arith.constant 4 : i32
        %mul3A_1209 = arith.muli %mul3A_1208, %add3A_1187 : i32
        %add3A_1210 = arith.addi %mul3A_1207, %mul3A_1209 : i32
        %add3A_1211 = arith.constant 1 : i32
        %add3A_1212 = arith.addi %add3A_1210, %add3A_1211 : i32
        %broadcast_in_dim3A_1213 = vector.broadcast %add3A_1212 : i32 to vector<16xi32>
        %gather3A_1214 = tpu.vector_load_idx %arg12[%broadcast_in_dim3A_1213] : memref<832xf32, #tpu.memory_space<vmem>>[vector<16xi32>], vector<16xf32>,
        %mul3A_1215 = arith.constant 104 : i32
        %mul3A_1216 = arith.muli %rem3A_250, %mul3A_1215 : i32
        %mul3A_1217 = arith.constant 4 : i32
        %mul3A_1218 = arith.muli %mul3A_1216, %mul3A_1217 : i32
        %mul3A_1219 = arith.constant 4 : i32
        %mul3A_1220 = arith.muli %mul3A_1219, %add3A_1187 : i32
        %add3A_1221 = arith.addi %mul3A_1218, %mul3A_1220 : i32
        %add3A_1222 = arith.constant 2 : i32
        %add3A_1223 = arith.addi %add3A_1221, %add3A_1222 : i32
        %broadcast_in_dim3A_1224 = vector.broadcast %add3A_1223 : i32 to vector<16xi32>
        %gather3A_1225 = tpu.vector_load_idx %arg12[%broadcast_in_dim3A_1224] : memref<832xf32, #tpu.memory_space<vmem>>[vector<16xi32>], vector<16xf32>,
        %mul3A_1226 = arith.constant 104 : i32
        %mul3A_1227 = arith.muli %rem3A_250, %mul3A_1226 : i32
        %mul3A_1228 = arith.constant 4 : i32
        %mul3A_1229 = arith.muli %mul3A_1227, %mul3A_1228 : i32
        %mul3A_1230 = arith.constant 4 : i32
        %mul3A_1231 = arith.muli %mul3A_1230, %add3A_1187 : i32
        %add3A_1232 = arith.addi %mul3A_1229, %mul3A_1231 : i32
        %add3A_1233 = arith.constant 3 : i32
        %add3A_1234 = arith.addi %add3A_1232, %add3A_1233 : i32
        %broadcast_in_dim3A_1235 = vector.broadcast %add3A_1234 : i32 to vector<16xi32>
        %gather3A_1236 = tpu.vector_load_idx %arg12[%broadcast_in_dim3A_1235] : memref<832xf32, #tpu.memory_space<vmem>>[vector<16xi32>], vector<16xf32>,
        %add3A_1237 = arith.constant 0 : i32
        %add3A_1238 = vector.broadcast %add3A_1237 : i32 to vector<16xi32>
        %add3A_1239 = arith.addi %iota3A, %add3A_1238 : vector<16xi32>
        %gather3A_1240 = tpu.vector_load_idx %arg13[%gather3A_1192, %add3A_1239] : memref<50x128xf32, #tpu.memory_space<vmem>>[vector<16xi32>, vector<16xi32>], vector<16xf32>,
        %add3A_1241 = arith.addf %gather3A_1240, %get3A_342 : vector<16xf32>
        %mul3A_1242 = arith.mulf %gather3A_1203, %get3A_7 : vector<16xf32>
        %add3A_1243 = arith.addf %add3A_1241, %mul3A_1242 : vector<16xf32>
        %mul3A_1244 = arith.mulf %gather3A_1214, %get3A_39 : vector<16xf32>
        %add3A_1245 = arith.addf %add3A_1243, %mul3A_1244 : vector<16xf32>
        %mul3A_1246 = arith.mulf %gather3A_1225, %get3A_71 : vector<16xf32>
        %add3A_1247 = arith.addf %add3A_1245, %mul3A_1246 : vector<16xf32>
        %mul3A_1248 = arith.mulf %gather3A_1236, %get3A_103 : vector<16xf32>
        %add3A_1249 = arith.addf %add3A_1247, %mul3A_1248 : vector<16xf32>
        %mul3A_1250 = arith.constant 104 : i32
        %mul3A_1251 = arith.muli %rem3A_250, %mul3A_1250 : i32
        %add3A_1252 = arith.addi %mul3A_1251, %add3A_1187 : i32
        %get3A_1253 = arith.index_cast %add3A_1252 : i32 to index
        %get3A_1254 = arith.constant 0 : index
        %get3A_1255 = tpu.vector_load %arg9[%get3A_1253, %get3A_1254] {strides = array<i32>} : memref<208x128xf32, #tpu.memory_space<vmem>>, vector<16xf32>,
        %add3A_1256 = arith.addf %add3A_1249, %get3A_1255 : vector<16xf32>
        %mul3A_1257 = arith.constant 128 : i32
        %mul3A_1258 = arith.muli %rem3A_250, %mul3A_1257 : i32
        %add3A_1259 = arith.constant 96 : i32
        %add3A_1260 = arith.addi %mul3A_1258, %add3A_1259 : i32
        %add3A_1261 = arith.addi %add3A_1260, %scan3A_339 : i32
        %swap3A_1262 = arith.index_cast %add3A_1261 : i32 to index
        %swap3A_1263 = arith.constant 0 : index
        %swap3A_1264 = tpu.vector_load %arg10[%swap3A_1262, %swap3A_1263] {strides = array<i32>} : memref<256x128xf32, #tpu.memory_space<vmem>>, vector<16xf32>,
        tpu.vector_store %arg10[%swap3A_1262, %swap3A_1263], %add3A_1256 {strides = array<i32>} : memref<256x128xf32, #tpu.memory_space<vmem>>, vector<16xf32>,
        %add3A_1265 = arith.constant 16 : i32
        %add3A_1266 = vector.broadcast %add3A_1265 : i32 to vector<16xi32>
        %add3A_1267 = arith.addi %iota3A, %add3A_1266 : vector<16xi32>
        %gather3A_1268 = tpu.vector_load_idx %arg13[%gather3A_1192, %add3A_1267] : memref<50x128xf32, #tpu.memory_space<vmem>>[vector<16xi32>, vector<16xi32>], vector<16xf32>,
        %add3A_1269 = arith.addf %gather3A_1268, %get3A_345 : vector<16xf32>
        %mul3A_1270 = arith.mulf %gather3A_1203, %get3A_11 : vector<16xf32>
        %add3A_1271 = arith.addf %add3A_1269, %mul3A_1270 : vector<16xf32>
        %mul3A_1272 = arith.mulf %gather3A_1214, %get3A_43 : vector<16xf32>
        %add3A_1273 = arith.addf %add3A_1271, %mul3A_1272 : vector<16xf32>
        %mul3A_1274 = arith.mulf %gather3A_1225, %get3A_75 : vector<16xf32>
        %add3A_1275 = arith.addf %add3A_1273, %mul3A_1274 : vector<16xf32>
        %mul3A_1276 = arith.mulf %gather3A_1236, %get3A_107 : vector<16xf32>
        %add3A_1277 = arith.addf %add3A_1275, %mul3A_1276 : vector<16xf32>
        %mul3A_1278 = arith.constant 104 : i32
        %mul3A_1279 = arith.muli %rem3A_250, %mul3A_1278 : i32
        %add3A_1280 = arith.addi %mul3A_1279, %add3A_1187 : i32
        %get3A_1281 = arith.index_cast %add3A_1280 : i32 to index
        %get3A_1282 = arith.constant 16 : index
        %get3A_1283 = tpu.vector_load %arg9[%get3A_1281, %get3A_1282] {strides = array<i32>} : memref<208x128xf32, #tpu.memory_space<vmem>>, vector<16xf32>,
        %add3A_1284 = arith.addf %add3A_1277, %get3A_1283 : vector<16xf32>
        %mul3A_1285 = arith.constant 128 : i32
        %mul3A_1286 = arith.muli %rem3A_250, %mul3A_1285 : i32
        %add3A_1287 = arith.constant 96 : i32
        %add3A_1288 = arith.addi %mul3A_1286, %add3A_1287 : i32
        %add3A_1289 = arith.addi %add3A_1288, %scan3A_339 : i32
        %swap3A_1290 = arith.index_cast %add3A_1289 : i32 to index
        %swap3A_1291 = arith.constant 16 : index
        %swap3A_1292 = tpu.vector_load %arg10[%swap3A_1290, %swap3A_1291] {strides = array<i32>} : memref<256x128xf32, #tpu.memory_space<vmem>>, vector<16xf32>,
        tpu.vector_store %arg10[%swap3A_1290, %swap3A_1291], %add3A_1284 {strides = array<i32>} : memref<256x128xf32, #tpu.memory_space<vmem>>, vector<16xf32>,
        %add3A_1293 = arith.constant 32 : i32
        %add3A_1294 = vector.broadcast %add3A_1293 : i32 to vector<16xi32>
        %add3A_1295 = arith.addi %iota3A, %add3A_1294 : vector<16xi32>
        %gather3A_1296 = tpu.vector_load_idx %arg13[%gather3A_1192, %add3A_1295] : memref<50x128xf32, #tpu.memory_space<vmem>>[vector<16xi32>, vector<16xi32>], vector<16xf32>,
        %add3A_1297 = arith.addf %gather3A_1296, %get3A_348 : vector<16xf32>
        %mul3A_1298 = arith.mulf %gather3A_1203, %get3A_15 : vector<16xf32>
        %add3A_1299 = arith.addf %add3A_1297, %mul3A_1298 : vector<16xf32>
        %mul3A_1300 = arith.mulf %gather3A_1214, %get3A_47 : vector<16xf32>
        %add3A_1301 = arith.addf %add3A_1299, %mul3A_1300 : vector<16xf32>
        %mul3A_1302 = arith.mulf %gather3A_1225, %get3A_79 : vector<16xf32>
        %add3A_1303 = arith.addf %add3A_1301, %mul3A_1302 : vector<16xf32>
        %mul3A_1304 = arith.mulf %gather3A_1236, %get3A_111 : vector<16xf32>
        %add3A_1305 = arith.addf %add3A_1303, %mul3A_1304 : vector<16xf32>
        %mul3A_1306 = arith.constant 104 : i32
        %mul3A_1307 = arith.muli %rem3A_250, %mul3A_1306 : i32
        %add3A_1308 = arith.addi %mul3A_1307, %add3A_1187 : i32
        %get3A_1309 = arith.index_cast %add3A_1308 : i32 to index
        %get3A_1310 = arith.constant 32 : index
        %get3A_1311 = tpu.vector_load %arg9[%get3A_1309, %get3A_1310] {strides = array<i32>} : memref<208x128xf32, #tpu.memory_space<vmem>>, vector<16xf32>,
        %add3A_1312 = arith.addf %add3A_1305, %get3A_1311 : vector<16xf32>
        %mul3A_1313 = arith.constant 128 : i32
        %mul3A_1314 = arith.muli %rem3A_250, %mul3A_1313 : i32
        %add3A_1315 = arith.constant 96 : i32
        %add3A_1316 = arith.addi %mul3A_1314, %add3A_1315 : i32
        %add3A_1317 = arith.addi %add3A_1316, %scan3A_339 : i32
        %swap3A_1318 = arith.index_cast %add3A_1317 : i32 to index
        %swap3A_1319 = arith.constant 32 : index
        %swap3A_1320 = tpu.vector_load %arg10[%swap3A_1318, %swap3A_1319] {strides = array<i32>} : memref<256x128xf32, #tpu.memory_space<vmem>>, vector<16xf32>,
        tpu.vector_store %arg10[%swap3A_1318, %swap3A_1319], %add3A_1312 {strides = array<i32>} : memref<256x128xf32, #tpu.memory_space<vmem>>, vector<16xf32>,
        %add3A_1321 = arith.constant 48 : i32
        %add3A_1322 = vector.broadcast %add3A_1321 : i32 to vector<16xi32>
        %add3A_1323 = arith.addi %iota3A, %add3A_1322 : vector<16xi32>
        %gather3A_1324 = tpu.vector_load_idx %arg13[%gather3A_1192, %add3A_1323] : memref<50x128xf32, #tpu.memory_space<vmem>>[vector<16xi32>, vector<16xi32>], vector<16xf32>,
        %add3A_1325 = arith.addf %gather3A_1324, %get3A_351 : vector<16xf32>
        %mul3A_1326 = arith.mulf %gather3A_1203, %get3A_19 : vector<16xf32>
        %add3A_1327 = arith.addf %add3A_1325, %mul3A_1326 : vector<16xf32>
        %mul3A_1328 = arith.mulf %gather3A_1214, %get3A_51 : vector<16xf32>
        %add3A_1329 = arith.addf %add3A_1327, %mul3A_1328 : vector<16xf32>
        %mul3A_1330 = arith.mulf %gather3A_1225, %get3A_83 : vector<16xf32>
        %add3A_1331 = arith.addf %add3A_1329, %mul3A_1330 : vector<16xf32>
        %mul3A_1332 = arith.mulf %gather3A_1236, %get3A_115 : vector<16xf32>
        %add3A_1333 = arith.addf %add3A_1331, %mul3A_1332 : vector<16xf32>
        %mul3A_1334 = arith.constant 104 : i32
        %mul3A_1335 = arith.muli %rem3A_250, %mul3A_1334 : i32
        %add3A_1336 = arith.addi %mul3A_1335, %add3A_1187 : i32
        %get3A_1337 = arith.index_cast %add3A_1336 : i32 to index
        %get3A_1338 = arith.constant 48 : index
        %get3A_1339 = tpu.vector_load %arg9[%get3A_1337, %get3A_1338] {strides = array<i32>} : memref<208x128xf32, #tpu.memory_space<vmem>>, vector<16xf32>,
        %add3A_1340 = arith.addf %add3A_1333, %get3A_1339 : vector<16xf32>
        %mul3A_1341 = arith.constant 128 : i32
        %mul3A_1342 = arith.muli %rem3A_250, %mul3A_1341 : i32
        %add3A_1343 = arith.constant 96 : i32
        %add3A_1344 = arith.addi %mul3A_1342, %add3A_1343 : i32
        %add3A_1345 = arith.addi %add3A_1344, %scan3A_339 : i32
        %swap3A_1346 = arith.index_cast %add3A_1345 : i32 to index
        %swap3A_1347 = arith.constant 48 : index
        %swap3A_1348 = tpu.vector_load %arg10[%swap3A_1346, %swap3A_1347] {strides = array<i32>} : memref<256x128xf32, #tpu.memory_space<vmem>>, vector<16xf32>,
        tpu.vector_store %arg10[%swap3A_1346, %swap3A_1347], %add3A_1340 {strides = array<i32>} : memref<256x128xf32, #tpu.memory_space<vmem>>, vector<16xf32>,
        %add3A_1349 = arith.constant 64 : i32
        %add3A_1350 = vector.broadcast %add3A_1349 : i32 to vector<16xi32>
        %add3A_1351 = arith.addi %iota3A, %add3A_1350 : vector<16xi32>
        %gather3A_1352 = tpu.vector_load_idx %arg13[%gather3A_1192, %add3A_1351] : memref<50x128xf32, #tpu.memory_space<vmem>>[vector<16xi32>, vector<16xi32>], vector<16xf32>,
        %add3A_1353 = arith.addf %gather3A_1352, %get3A_354 : vector<16xf32>
        %mul3A_1354 = arith.mulf %gather3A_1203, %get3A_23 : vector<16xf32>
        %add3A_1355 = arith.addf %add3A_1353, %mul3A_1354 : vector<16xf32>
        %mul3A_1356 = arith.mulf %gather3A_1214, %get3A_55 : vector<16xf32>
        %add3A_1357 = arith.addf %add3A_1355, %mul3A_1356 : vector<16xf32>
        %mul3A_1358 = arith.mulf %gather3A_1225, %get3A_87 : vector<16xf32>
        %add3A_1359 = arith.addf %add3A_1357, %mul3A_1358 : vector<16xf32>
        %mul3A_1360 = arith.mulf %gather3A_1236, %get3A_119 : vector<16xf32>
        %add3A_1361 = arith.addf %add3A_1359, %mul3A_1360 : vector<16xf32>
        %mul3A_1362 = arith.constant 104 : i32
        %mul3A_1363 = arith.muli %rem3A_250, %mul3A_1362 : i32
        %add3A_1364 = arith.addi %mul3A_1363, %add3A_1187 : i32
        %get3A_1365 = arith.index_cast %add3A_1364 : i32 to index
        %get3A_1366 = arith.constant 64 : index
        %get3A_1367 = tpu.vector_load %arg9[%get3A_1365, %get3A_1366] {strides = array<i32>} : memref<208x128xf32, #tpu.memory_space<vmem>>, vector<16xf32>,
        %add3A_1368 = arith.addf %add3A_1361, %get3A_1367 : vector<16xf32>
        %mul3A_1369 = arith.constant 128 : i32
        %mul3A_1370 = arith.muli %rem3A_250, %mul3A_1369 : i32
        %add3A_1371 = arith.constant 96 : i32
        %add3A_1372 = arith.addi %mul3A_1370, %add3A_1371 : i32
        %add3A_1373 = arith.addi %add3A_1372, %scan3A_339 : i32
        %swap3A_1374 = arith.index_cast %add3A_1373 : i32 to index
        %swap3A_1375 = arith.constant 64 : index
        %swap3A_1376 = tpu.vector_load %arg10[%swap3A_1374, %swap3A_1375] {strides = array<i32>} : memref<256x128xf32, #tpu.memory_space<vmem>>, vector<16xf32>,
        tpu.vector_store %arg10[%swap3A_1374, %swap3A_1375], %add3A_1368 {strides = array<i32>} : memref<256x128xf32, #tpu.memory_space<vmem>>, vector<16xf32>,
        %add3A_1377 = arith.constant 80 : i32
        %add3A_1378 = vector.broadcast %add3A_1377 : i32 to vector<16xi32>
        %add3A_1379 = arith.addi %iota3A, %add3A_1378 : vector<16xi32>
        %gather3A_1380 = tpu.vector_load_idx %arg13[%gather3A_1192, %add3A_1379] : memref<50x128xf32, #tpu.memory_space<vmem>>[vector<16xi32>, vector<16xi32>], vector<16xf32>,
        %add3A_1381 = arith.addf %gather3A_1380, %get3A_357 : vector<16xf32>
        %mul3A_1382 = arith.mulf %gather3A_1203, %get3A_27 : vector<16xf32>
        %add3A_1383 = arith.addf %add3A_1381, %mul3A_1382 : vector<16xf32>
        %mul3A_1384 = arith.mulf %gather3A_1214, %get3A_59 : vector<16xf32>
        %add3A_1385 = arith.addf %add3A_1383, %mul3A_1384 : vector<16xf32>
        %mul3A_1386 = arith.mulf %gather3A_1225, %get3A_91 : vector<16xf32>
        %add3A_1387 = arith.addf %add3A_1385, %mul3A_1386 : vector<16xf32>
        %mul3A_1388 = arith.mulf %gather3A_1236, %get3A_123 : vector<16xf32>
        %add3A_1389 = arith.addf %add3A_1387, %mul3A_1388 : vector<16xf32>
        %mul3A_1390 = arith.constant 104 : i32
        %mul3A_1391 = arith.muli %rem3A_250, %mul3A_1390 : i32
        %add3A_1392 = arith.addi %mul3A_1391, %add3A_1187 : i32
        %get3A_1393 = arith.index_cast %add3A_1392 : i32 to index
        %get3A_1394 = arith.constant 80 : index
        %get3A_1395 = tpu.vector_load %arg9[%get3A_1393, %get3A_1394] {strides = array<i32>} : memref<208x128xf32, #tpu.memory_space<vmem>>, vector<16xf32>,
        %add3A_1396 = arith.addf %add3A_1389, %get3A_1395 : vector<16xf32>
        %mul3A_1397 = arith.constant 128 : i32
        %mul3A_1398 = arith.muli %rem3A_250, %mul3A_1397 : i32
        %add3A_1399 = arith.constant 96 : i32
        %add3A_1400 = arith.addi %mul3A_1398, %add3A_1399 : i32
        %add3A_1401 = arith.addi %add3A_1400, %scan3A_339 : i32
        %swap3A_1402 = arith.index_cast %add3A_1401 : i32 to index
        %swap3A_1403 = arith.constant 80 : index
        %swap3A_1404 = tpu.vector_load %arg10[%swap3A_1402, %swap3A_1403] {strides = array<i32>} : memref<256x128xf32, #tpu.memory_space<vmem>>, vector<16xf32>,
        tpu.vector_store %arg10[%swap3A_1402, %swap3A_1403], %add3A_1396 {strides = array<i32>} : memref<256x128xf32, #tpu.memory_space<vmem>>, vector<16xf32>,
        %add3A_1405 = arith.constant 96 : i32
        %add3A_1406 = vector.broadcast %add3A_1405 : i32 to vector<16xi32>
        %add3A_1407 = arith.addi %iota3A, %add3A_1406 : vector<16xi32>
        %gather3A_1408 = tpu.vector_load_idx %arg13[%gather3A_1192, %add3A_1407] : memref<50x128xf32, #tpu.memory_space<vmem>>[vector<16xi32>, vector<16xi32>], vector<16xf32>,
        %add3A_1409 = arith.addf %gather3A_1408, %get3A_360 : vector<16xf32>
        %mul3A_1410 = arith.mulf %gather3A_1203, %get3A_31 : vector<16xf32>
        %add3A_1411 = arith.addf %add3A_1409, %mul3A_1410 : vector<16xf32>
        %mul3A_1412 = arith.mulf %gather3A_1214, %get3A_63 : vector<16xf32>
        %add3A_1413 = arith.addf %add3A_1411, %mul3A_1412 : vector<16xf32>
        %mul3A_1414 = arith.mulf %gather3A_1225, %get3A_95 : vector<16xf32>
        %add3A_1415 = arith.addf %add3A_1413, %mul3A_1414 : vector<16xf32>
        %mul3A_1416 = arith.mulf %gather3A_1236, %get3A_127 : vector<16xf32>
        %add3A_1417 = arith.addf %add3A_1415, %mul3A_1416 : vector<16xf32>
        %mul3A_1418 = arith.constant 104 : i32
        %mul3A_1419 = arith.muli %rem3A_250, %mul3A_1418 : i32
        %add3A_1420 = arith.addi %mul3A_1419, %add3A_1187 : i32
        %get3A_1421 = arith.index_cast %add3A_1420 : i32 to index
        %get3A_1422 = arith.constant 96 : index
        %get3A_1423 = tpu.vector_load %arg9[%get3A_1421, %get3A_1422] {strides = array<i32>} : memref<208x128xf32, #tpu.memory_space<vmem>>, vector<16xf32>,
        %add3A_1424 = arith.addf %add3A_1417, %get3A_1423 : vector<16xf32>
        %mul3A_1425 = arith.constant 128 : i32
        %mul3A_1426 = arith.muli %rem3A_250, %mul3A_1425 : i32
        %add3A_1427 = arith.constant 96 : i32
        %add3A_1428 = arith.addi %mul3A_1426, %add3A_1427 : i32
        %add3A_1429 = arith.addi %add3A_1428, %scan3A_339 : i32
        %swap3A_1430 = arith.index_cast %add3A_1429 : i32 to index
        %swap3A_1431 = arith.constant 96 : index
        %swap3A_1432 = tpu.vector_load %arg10[%swap3A_1430, %swap3A_1431] {strides = array<i32>} : memref<256x128xf32, #tpu.memory_space<vmem>>, vector<16xf32>,
        tpu.vector_store %arg10[%swap3A_1430, %swap3A_1431], %add3A_1424 {strides = array<i32>} : memref<256x128xf32, #tpu.memory_space<vmem>>, vector<16xf32>,
        %add3A_1433 = arith.constant 112 : i32
        %add3A_1434 = vector.broadcast %add3A_1433 : i32 to vector<16xi32>
        %add3A_1435 = arith.addi %iota3A, %add3A_1434 : vector<16xi32>
        %gather3A_1436 = tpu.vector_load_idx %arg13[%gather3A_1192, %add3A_1435] : memref<50x128xf32, #tpu.memory_space<vmem>>[vector<16xi32>, vector<16xi32>], vector<16xf32>,
        %add3A_1437 = arith.addf %gather3A_1436, %get3A_363 : vector<16xf32>
        %mul3A_1438 = arith.mulf %gather3A_1203, %get3A_35 : vector<16xf32>
        %add3A_1439 = arith.addf %add3A_1437, %mul3A_1438 : vector<16xf32>
        %mul3A_1440 = arith.mulf %gather3A_1214, %get3A_67 : vector<16xf32>
        %add3A_1441 = arith.addf %add3A_1439, %mul3A_1440 : vector<16xf32>
        %mul3A_1442 = arith.mulf %gather3A_1225, %get3A_99 : vector<16xf32>
        %add3A_1443 = arith.addf %add3A_1441, %mul3A_1442 : vector<16xf32>
        %mul3A_1444 = arith.mulf %gather3A_1236, %get3A_131 : vector<16xf32>
        %add3A_1445 = arith.addf %add3A_1443, %mul3A_1444 : vector<16xf32>
        %mul3A_1446 = arith.constant 104 : i32
        %mul3A_1447 = arith.muli %rem3A_250, %mul3A_1446 : i32
        %add3A_1448 = arith.addi %mul3A_1447, %add3A_1187 : i32
        %get3A_1449 = arith.index_cast %add3A_1448 : i32 to index
        %get3A_1450 = arith.constant 112 : index
        %get3A_1451 = tpu.vector_load %arg9[%get3A_1449, %get3A_1450] {strides = array<i32>} : memref<208x128xf32, #tpu.memory_space<vmem>>, vector<16xf32>,
        %add3A_1452 = arith.addf %add3A_1445, %get3A_1451 : vector<16xf32>
        %mul3A_1453 = arith.constant 128 : i32
        %mul3A_1454 = arith.muli %rem3A_250, %mul3A_1453 : i32
        %add3A_1455 = arith.constant 96 : i32
        %add3A_1456 = arith.addi %mul3A_1454, %add3A_1455 : i32
        %add3A_1457 = arith.addi %add3A_1456, %scan3A_339 : i32
        %swap3A_1458 = arith.index_cast %add3A_1457 : i32 to index
        %swap3A_1459 = arith.constant 112 : index
        %swap3A_1460 = tpu.vector_load %arg10[%swap3A_1458, %swap3A_1459] {strides = array<i32>} : memref<256x128xf32, #tpu.memory_space<vmem>>, vector<16xf32>,
        tpu.vector_store %arg10[%swap3A_1458, %swap3A_1459], %add3A_1452 {strides = array<i32>} : memref<256x128xf32, #tpu.memory_space<vmem>>, vector<16xf32>,
      }
      %scan3A_297 = arith.constant 26 : i32
      %mul3A_298 = arith.constant 104 : i32
      %mul3A_299 = arith.muli %scan3A_248, %mul3A_298 : i32
      %add3A_300 = arith.addi %mul3A_4, %mul3A_299 : i32
      %jit3A_301 = arith.constant 26 : i32
      %div3A_302 = arith.divsi %add3A_300, %jit3A_301 : i32
      %sign3A_303 = arith.constant 0 : i32
      %sign3A_304 = arith.cmpi sgt, %add3A_300, %sign3A_303 : i32
      %sign3A_305 = arith.extui %sign3A_304 : i1 to i32
      %sign3A_306 = arith.constant 0 : i32
      %sign3A_307 = arith.cmpi slt, %add3A_300, %sign3A_306 : i32
      %sign3A_308 = arith.extui %sign3A_307 : i1 to i32
      %sign3A_309 = arith.subi %sign3A_305, %sign3A_308 : i32
      %sign3A_310 = arith.constant 0 : i32
      %sign3A_311 = arith.cmpi sgt, %jit3A_301, %sign3A_310 : i32
      %sign3A_312 = arith.extui %sign3A_311 : i1 to i32
      %sign3A_313 = arith.constant 0 : i32
      %sign3A_314 = arith.cmpi slt, %jit3A_301, %sign3A_313 : i32
      %sign3A_315 = arith.extui %sign3A_314 : i1 to i32
      %sign3A_316 = arith.subi %sign3A_312, %sign3A_315 : i32
      %ne3A_317 = arith.cmpi ne, %sign3A_309, %sign3A_316 : i32
      %rem3A_318 = arith.remsi %add3A_300, %jit3A_301 : i32
      %ne3A_319 = arith.constant 0 : i32
      %ne3A_320 = arith.cmpi ne, %rem3A_318, %ne3A_319 : i32
      %and3A_321 = arith.andi %ne3A_317, %ne3A_320 : i1
      %sub3A_322 = arith.constant 1 : i32
      %sub3A_323 = arith.subi %div3A_302, %sub3A_322 : i32
      %select_n3A_324 = arith.select %and3A_321, %sub3A_323, %div3A_302 : i32
      %mul3A_325 = arith.constant 128 : i32
      %mul3A_326 = arith.muli %rem3A_250, %mul3A_325 : i32
      %mul3A_327 = arith.constant 32 : i32
      %mul3A_328 = arith.muli %select_n3A_324, %mul3A_327 : i32
      %dma_start3A_329 = arith.constant 0 : i32
      %dma_start3A_330 = tpu.memref_slice %arg10[%mul3A_326, %dma_start3A_329] : memref<256x128xf32, #tpu.memory_space<vmem>> -> memref<128x128xf32, #tpu.memory_space<vmem>>
      %dma_start3A_331 = arith.constant 0 : i32
      %dma_start3A_332 = tpu.memref_slice %arg8[%mul3A_328, %dma_start3A_331] : memref<32768x128xf32, #tpu.memory_space<hbm>> -> memref<128x128xf32, #tpu.memory_space<hbm>>
      %dma_start3A_333 = tpu.memref_slice %arg17[%rem3A_250] : memref<2x!tpu.dma_semaphore, #tpu.memory_space<semaphore_mem>> -> memref<1x!tpu.dma_semaphore, #tpu.memory_space<semaphore_mem>>
      %dma_start3A_334 = tpu.memref_squeeze %dma_start3A_333 : memref<1x!tpu.dma_semaphore, #tpu.memory_space<semaphore_mem>> -> memref<!tpu.dma_semaphore, #tpu.memory_space<semaphore_mem>>
      %dma_start3A_335 = arith.constant 0 : i32
      %dma_start3A_336 = tpu.memref_slice %arg8[%mul3A_328, %dma_start3A_335] : memref<32768x128xf32, #tpu.memory_space<hbm>> -> memref<128x128xf32, #tpu.memory_space<hbm>>
      %dma_start3A_337 = arith.constant 0 : i32
      %dma_start3A_338 = tpu.memref_slice %arg10[%mul3A_326, %dma_start3A_337] : memref<256x128xf32, #tpu.memory_space<vmem>> -> memref<128x128xf32, #tpu.memory_space<vmem>>
      tpu.enqueue_dma source(%dma_start3A_338 : memref<128x128xf32, #tpu.memory_space<vmem>>) target(%dma_start3A_336 : memref<128x128xf32, #tpu.memory_space<hbm>>) target_semaphore(%dma_start3A_334 : memref<!tpu.dma_semaphore, #tpu.memory_space<semaphore_mem>>)
    }
    %scan3A_170 = arith.constant 8 : i32
    %rem3A = arith.constant 6 : i32
    %rem3A_171 = arith.constant 2 : i32
    %rem3A_172 = arith.remsi %rem3A, %rem3A_171 : i32
    %add3A_173 = arith.constant 624 : i32
    %add3A_174 = arith.addi %mul3A_4, %add3A_173 : i32
    %jit3A = arith.constant 26 : i32
    %div3A = arith.divsi %add3A_174, %jit3A : i32
    %sign3A = arith.constant 0 : i32
    %sign3A_175 = arith.cmpi sgt, %add3A_174, %sign3A : i32
    %sign3A_176 = arith.extui %sign3A_175 : i1 to i32
    %sign3A_177 = arith.constant 0 : i32
    %sign3A_178 = arith.cmpi slt, %add3A_174, %sign3A_177 : i32
    %sign3A_179 = arith.extui %sign3A_178 : i1 to i32
    %sign3A_180 = arith.subi %sign3A_176, %sign3A_179 : i32
    %sign3A_181 = arith.constant 0 : i32
    %sign3A_182 = arith.cmpi sgt, %jit3A, %sign3A_181 : i32
    %sign3A_183 = arith.extui %sign3A_182 : i1 to i32
    %sign3A_184 = arith.constant 0 : i32
    %sign3A_185 = arith.cmpi slt, %jit3A, %sign3A_184 : i32
    %sign3A_186 = arith.extui %sign3A_185 : i1 to i32
    %sign3A_187 = arith.subi %sign3A_183, %sign3A_186 : i32
    %ne3A = arith.cmpi ne, %sign3A_180, %sign3A_187 : i32
    %rem3A_188 = arith.remsi %add3A_174, %jit3A : i32
    %ne3A_189 = arith.constant 0 : i32
    %ne3A_190 = arith.cmpi ne, %rem3A_188, %ne3A_189 : i32
    %and3A = arith.andi %ne3A, %ne3A_190 : i1
    %sub3A = arith.constant 1 : i32
    %sub3A_191 = arith.subi %div3A, %sub3A : i32
    %select_n3A = arith.select %and3A, %sub3A_191, %div3A : i32
    %mul3A_192 = arith.constant 128 : i32
    %mul3A_193 = arith.muli %rem3A_172, %mul3A_192 : i32
    %mul3A_194 = arith.constant 32 : i32
    %mul3A_195 = arith.muli %select_n3A, %mul3A_194 : i32
    %dma_wait3A = arith.constant 0 : i32
    %dma_wait3A_196 = tpu.memref_slice %arg10[%mul3A_193, %dma_wait3A] : memref<256x128xf32, #tpu.memory_space<vmem>> -> memref<128x128xf32, #tpu.memory_space<vmem>>
    %dma_wait3A_197 = arith.constant 0 : i32
    %dma_wait3A_198 = tpu.memref_slice %arg8[%mul3A_195, %dma_wait3A_197] : memref<32768x128xf32, #tpu.memory_space<hbm>> -> memref<128x128xf32, #tpu.memory_space<hbm>>
    %dma_wait3A_199 = tpu.memref_slice %arg17[%rem3A_172] : memref<2x!tpu.dma_semaphore, #tpu.memory_space<semaphore_mem>> -> memref<1x!tpu.dma_semaphore, #tpu.memory_space<semaphore_mem>>
    %dma_wait3A_200 = tpu.memref_squeeze %dma_wait3A_199 : memref<1x!tpu.dma_semaphore, #tpu.memory_space<semaphore_mem>> -> memref<!tpu.dma_semaphore, #tpu.memory_space<semaphore_mem>>
    %dma_wait3A_201 = arith.constant 0 : i32
    %dma_wait3A_202 = tpu.memref_slice %arg8[%mul3A_195, %dma_wait3A_201] : memref<32768x128xf32, #tpu.memory_space<hbm>> -> memref<128x128xf32, #tpu.memory_space<hbm>>
    %dma_wait3A_203 = arith.constant 0 : i32
    %dma_wait3A_204 = tpu.memref_slice %arg10[%mul3A_193, %dma_wait3A_203] : memref<256x128xf32, #tpu.memory_space<vmem>> -> memref<128x128xf32, #tpu.memory_space<vmem>>
    tpu.wait_dma2 semaphore(%dma_wait3A_200 : memref<!tpu.dma_semaphore, #tpu.memory_space<semaphore_mem>>) src(%dma_wait3A_204 : memref<128x128xf32, #tpu.memory_space<vmem>>) dst(%dma_wait3A_202 : memref<128x128xf32, #tpu.memory_space<hbm>>)
    %rem3A_205 = arith.constant 7 : i32
    %rem3A_206 = arith.constant 2 : i32
    %rem3A_207 = arith.remsi %rem3A_205, %rem3A_206 : i32
    %add3A_208 = arith.constant 728 : i32
    %add3A_209 = arith.addi %mul3A_4, %add3A_208 : i32
    %jit3A_210 = arith.constant 26 : i32
    %div3A_211 = arith.divsi %add3A_209, %jit3A_210 : i32
    %sign3A_212 = arith.constant 0 : i32
    %sign3A_213 = arith.cmpi sgt, %add3A_209, %sign3A_212 : i32
    %sign3A_214 = arith.extui %sign3A_213 : i1 to i32
    %sign3A_215 = arith.constant 0 : i32
    %sign3A_216 = arith.cmpi slt, %add3A_209, %sign3A_215 : i32
    %sign3A_217 = arith.extui %sign3A_216 : i1 to i32
    %sign3A_218 = arith.subi %sign3A_214, %sign3A_217 : i32
    %sign3A_219 = arith.constant 0 : i32
    %sign3A_220 = arith.cmpi sgt, %jit3A_210, %sign3A_219 : i32
    %sign3A_221 = arith.extui %sign3A_220 : i1 to i32
    %sign3A_222 = arith.constant 0 : i32
    %sign3A_223 = arith.cmpi slt, %jit3A_210, %sign3A_222 : i32
    %sign3A_224 = arith.extui %sign3A_223 : i1 to i32
    %sign3A_225 = arith.subi %sign3A_221, %sign3A_224 : i32
    %ne3A_226 = arith.cmpi ne, %sign3A_218, %sign3A_225 : i32
    %rem3A_227 = arith.remsi %add3A_209, %jit3A_210 : i32
    %ne3A_228 = arith.constant 0 : i32
    %ne3A_229 = arith.cmpi ne, %rem3A_227, %ne3A_228 : i32
    %and3A_230 = arith.andi %ne3A_226, %ne3A_229 : i1
    %sub3A_231 = arith.constant 1 : i32
    %sub3A_232 = arith.subi %div3A_211, %sub3A_231 : i32
    %select_n3A_233 = arith.select %and3A_230, %sub3A_232, %div3A_211 : i32
    %mul3A_234 = arith.constant 128 : i32
    %mul3A_235 = arith.muli %rem3A_207, %mul3A_234 : i32
    %mul3A_236 = arith.constant 32 : i32
    %mul3A_237 = arith.muli %select_n3A_233, %mul3A_236 : i32
    %dma_wait3A_238 = arith.constant 0 : i32
    %dma_wait3A_239 = tpu.memref_slice %arg10[%mul3A_235, %dma_wait3A_238] : memref<256x128xf32, #tpu.memory_space<vmem>> -> memref<128x128xf32, #tpu.memory_space<vmem>>
    %dma_wait3A_240 = arith.constant 0 : i32
    %dma_wait3A_241 = tpu.memref_slice %arg8[%mul3A_237, %dma_wait3A_240] : memref<32768x128xf32, #tpu.memory_space<hbm>> -> memref<128x128xf32, #tpu.memory_space<hbm>>
    %dma_wait3A_242 = tpu.memref_slice %arg17[%rem3A_207] : memref<2x!tpu.dma_semaphore, #tpu.memory_space<semaphore_mem>> -> memref<1x!tpu.dma_semaphore, #tpu.memory_space<semaphore_mem>>
    %dma_wait3A_243 = tpu.memref_squeeze %dma_wait3A_242 : memref<1x!tpu.dma_semaphore, #tpu.memory_space<semaphore_mem>> -> memref<!tpu.dma_semaphore, #tpu.memory_space<semaphore_mem>>
    %dma_wait3A_244 = arith.constant 0 : i32
    %dma_wait3A_245 = tpu.memref_slice %arg8[%mul3A_237, %dma_wait3A_244] : memref<32768x128xf32, #tpu.memory_space<hbm>> -> memref<128x128xf32, #tpu.memory_space<hbm>>
    %dma_wait3A_246 = arith.constant 0 : i32
    %dma_wait3A_247 = tpu.memref_slice %arg10[%mul3A_235, %dma_wait3A_246] : memref<256x128xf32, #tpu.memory_space<vmem>> -> memref<128x128xf32, #tpu.memory_space<vmem>>
    tpu.wait_dma2 semaphore(%dma_wait3A_243 : memref<!tpu.dma_semaphore, #tpu.memory_space<semaphore_mem>>) src(%dma_wait3A_247 : memref<128x128xf32, #tpu.memory_space<vmem>>) dst(%dma_wait3A_245 : memref<128x128xf32, #tpu.memory_space<hbm>>)
    return
  }
}

module attributes {stable_mosaic.version = 14 : i64} {
  func.func @_tc_body(%arg0: i32, %arg1: memref<256x26x128xf32, #tpu.memory_space<vmem>>, %arg2: memref<8192xi32, #tpu.memory_space<vmem>>, %arg3: memref<8x8192xf32, #tpu.memory_space<vmem>>, %arg4: memref<32x8192xf32, #tpu.memory_space<vmem>>, %arg5: memref<96x128xf32, #tpu.memory_space<vmem>>, %arg6: memref<8192x128xf32, #tpu.memory_space<vmem>>, %arg7: memref<256x26x128xf32, #tpu.memory_space<vmem>>) attributes {dimension_semantics = [#tpu.dimension_semantics<arbitrary>], iteration_bounds = array<i64: 64>, scalar_prefetch = 0 : i64, scratch_operands = 0 : i64, tpu.core_type = #tpu.core_type<tc>, window_params = [{transform_indices = @transform_0, window_bounds = array<i64: 256, 26, 128>}, {transform_indices = @transform_1, window_bounds = array<i64: 8192>}, {transform_indices = @transform_2, window_bounds = array<i64: 8, 8192>}, {pipeline_mode = #tpu.pipeline_mode<synchronous>, transform_indices = @transform_3, window_bounds = array<i64: 32, 8192>}, {pipeline_mode = #tpu.pipeline_mode<synchronous>, transform_indices = @transform_4, window_bounds = array<i64: 96, 128>}, {transform_indices = @transform_5, window_bounds = array<i64: 8192, 128>}, {transform_indices = @transform_6, window_bounds = array<i64: 256, 26, 128>}]} {
    %lt3A = arith.constant 4 : i32
    %lt3A_0 = arith.cmpi slt, %arg0, %lt3A : i32
    %convert_element_type3A = arith.extui %lt3A_0 : i1 to i32
    %cond3A = arith.constant 0 : i32
    %cond3A_1 = arith.cmpi ne, %convert_element_type3A, %cond3A : i32
    scf.if %cond3A_1 {
      %get3A = arith.constant 0 : index
      %get3A_6 = arith.constant 0 : index
      %get3A_7 = vector.load %arg6[%get3A, %get3A_6] : memref<8192x128xf32, #tpu.memory_space<vmem>>, vector<8192x128xf32>
      %reshape3A = vector.shape_cast %get3A_7 : vector<8192x128xf32> to vector<256x32x128xf32>
      %slice3A = vector.extract_strided_slice %reshape3A {offsets = [0, 0, 0], sizes = [256, 24, 128], strides = [1, 1, 1]} : vector<256x32x128xf32> to vector<256x24x128xf32>
      %swap3A = arith.constant 0 : index
      %swap3A_8 = arith.constant 0 : index
      %swap3A_9 = arith.constant 0 : index
      %swap3A_10 = vector.load %arg7[%swap3A, %swap3A_8, %swap3A_9] : memref<256x26x128xf32, #tpu.memory_space<vmem>>, vector<256x24x128xf32>
      tpu.vector_store %arg7[%swap3A, %swap3A_8, %swap3A_9], %slice3A {strides = array<i32>} : memref<256x26x128xf32, #tpu.memory_space<vmem>>, vector<256x24x128xf32>,
      %slice3A_11 = vector.extract_strided_slice %reshape3A {offsets = [0, 24, 0], sizes = [256, 1, 128], strides = [1, 1, 1]} : vector<256x32x128xf32> to vector<256x1x128xf32>
      %squeeze3A = vector.shape_cast %slice3A_11 : vector<256x1x128xf32> to vector<256x128xf32>
      %swap3A_12 = arith.constant 0 : index
      %swap3A_13 = arith.constant 24 : index
      %swap3A_14 = arith.constant 0 : index
      %swap3A_15 = vector.load %arg7[%swap3A_12, %swap3A_13, %swap3A_14] : memref<256x26x128xf32, #tpu.memory_space<vmem>>, vector<256x1x128xf32>
      %swap3A_16 = vector.shape_cast %swap3A_15 : vector<256x1x128xf32> to vector<256x128xf32>
      %swap3A_17 = vector.shape_cast %squeeze3A : vector<256x128xf32> to vector<256x1x128xf32>
      tpu.vector_store %arg7[%swap3A_12, %swap3A_13, %swap3A_14], %swap3A_17 {strides = array<i32>} : memref<256x26x128xf32, #tpu.memory_space<vmem>>, vector<256x1x128xf32>,
      %slice3A_18 = vector.extract_strided_slice %reshape3A {offsets = [0, 25, 0], sizes = [256, 1, 128], strides = [1, 1, 1]} : vector<256x32x128xf32> to vector<256x1x128xf32>
      %squeeze3A_19 = vector.shape_cast %slice3A_18 : vector<256x1x128xf32> to vector<256x128xf32>
      %swap3A_20 = arith.constant 0 : index
      %swap3A_21 = arith.constant 25 : index
      %swap3A_22 = arith.constant 0 : index
      %swap3A_23 = vector.load %arg7[%swap3A_20, %swap3A_21, %swap3A_22] : memref<256x26x128xf32, #tpu.memory_space<vmem>>, vector<256x1x128xf32>
      %swap3A_24 = vector.shape_cast %swap3A_23 : vector<256x1x128xf32> to vector<256x128xf32>
      %swap3A_25 = vector.shape_cast %squeeze3A_19 : vector<256x128xf32> to vector<256x1x128xf32>
      tpu.vector_store %arg7[%swap3A_20, %swap3A_21, %swap3A_22], %swap3A_25 {strides = array<i32>} : memref<256x26x128xf32, #tpu.memory_space<vmem>>, vector<256x1x128xf32>,
    } else {
    }
    %ge3A = arith.constant 4 : i32
    %ge3A_2 = arith.cmpi sge, %arg0, %ge3A : i32
    %convert_element_type3A_3 = arith.extui %ge3A_2 : i1 to i32
    %cond3A_4 = arith.constant 0 : i32
    %cond3A_5 = arith.cmpi ne, %convert_element_type3A_3, %cond3A_4 : i32
    scf.if %cond3A_5 {
      %get3A = arith.constant 0 : index
      %get3A_6 = vector.load %arg2[%get3A] : memref<8192xi32, #tpu.memory_space<vmem>>, vector<8192xi32>
      %reshape3A = vector.shape_cast %get3A_6 : vector<8192xi32> to vector<32x256xi32>
      %slice3A = vector.extract_strided_slice %reshape3A {offsets = [0, 0], sizes = [1, 256], strides = [1, 1]} : vector<32x256xi32> to vector<1x256xi32>
      %squeeze3A = vector.shape_cast %slice3A : vector<1x256xi32> to vector<256xi32>
      %broadcast_in_dim3A = vector.shape_cast %squeeze3A : vector<256xi32> to vector<1x256xi32>
      %broadcast_in_dim3A_7 = vector.shape_cast %broadcast_in_dim3A : vector<1x256xi32> to vector<1x256xi32>
      %broadcast_in_dim3A_8 = vector.broadcast %broadcast_in_dim3A_7 : vector<1x256xi32> to vector<56x256xi32>
      %iota3A = tpu.iota {dimensions = array<i32: 0>} : vector<56x256xi32>
      %eq3A = arith.cmpi eq, %broadcast_in_dim3A_8, %iota3A : vector<56x256xi32>
      %convert_element_type3A_9 = arith.extui %eq3A : vector<56x256xi1> to vector<56x256xi32>
      %convert_element_type3A_10 = arith.sitofp %convert_element_type3A_9 : vector<56x256xi32> to vector<56x256xf32>
      %slice3A_11 = vector.extract_strided_slice %reshape3A {offsets = [1, 0], sizes = [1, 256], strides = [1, 1]} : vector<32x256xi32> to vector<1x256xi32>
      %squeeze3A_12 = vector.shape_cast %slice3A_11 : vector<1x256xi32> to vector<256xi32>
      %broadcast_in_dim3A_13 = vector.shape_cast %squeeze3A_12 : vector<256xi32> to vector<1x256xi32>
      %broadcast_in_dim3A_14 = vector.shape_cast %broadcast_in_dim3A_13 : vector<1x256xi32> to vector<1x256xi32>
      %broadcast_in_dim3A_15 = vector.broadcast %broadcast_in_dim3A_14 : vector<1x256xi32> to vector<56x256xi32>
      %iota3A_16 = tpu.iota {dimensions = array<i32: 0>} : vector<56x256xi32>
      %eq3A_17 = arith.cmpi eq, %broadcast_in_dim3A_15, %iota3A_16 : vector<56x256xi32>
      %convert_element_type3A_18 = arith.extui %eq3A_17 : vector<56x256xi1> to vector<56x256xi32>
      %convert_element_type3A_19 = arith.sitofp %convert_element_type3A_18 : vector<56x256xi32> to vector<56x256xf32>
      %slice3A_20 = vector.extract_strided_slice %reshape3A {offsets = [2, 0], sizes = [1, 256], strides = [1, 1]} : vector<32x256xi32> to vector<1x256xi32>
      %squeeze3A_21 = vector.shape_cast %slice3A_20 : vector<1x256xi32> to vector<256xi32>
      %broadcast_in_dim3A_22 = vector.shape_cast %squeeze3A_21 : vector<256xi32> to vector<1x256xi32>
      %broadcast_in_dim3A_23 = vector.shape_cast %broadcast_in_dim3A_22 : vector<1x256xi32> to vector<1x256xi32>
      %broadcast_in_dim3A_24 = vector.broadcast %broadcast_in_dim3A_23 : vector<1x256xi32> to vector<56x256xi32>
      %iota3A_25 = tpu.iota {dimensions = array<i32: 0>} : vector<56x256xi32>
      %eq3A_26 = arith.cmpi eq, %broadcast_in_dim3A_24, %iota3A_25 : vector<56x256xi32>
      %convert_element_type3A_27 = arith.extui %eq3A_26 : vector<56x256xi1> to vector<56x256xi32>
      %convert_element_type3A_28 = arith.sitofp %convert_element_type3A_27 : vector<56x256xi32> to vector<56x256xf32>
      %slice3A_29 = vector.extract_strided_slice %reshape3A {offsets = [3, 0], sizes = [1, 256], strides = [1, 1]} : vector<32x256xi32> to vector<1x256xi32>
      %squeeze3A_30 = vector.shape_cast %slice3A_29 : vector<1x256xi32> to vector<256xi32>
      %broadcast_in_dim3A_31 = vector.shape_cast %squeeze3A_30 : vector<256xi32> to vector<1x256xi32>
      %broadcast_in_dim3A_32 = vector.shape_cast %broadcast_in_dim3A_31 : vector<1x256xi32> to vector<1x256xi32>
      %broadcast_in_dim3A_33 = vector.broadcast %broadcast_in_dim3A_32 : vector<1x256xi32> to vector<56x256xi32>
      %iota3A_34 = tpu.iota {dimensions = array<i32: 0>} : vector<56x256xi32>
      %eq3A_35 = arith.cmpi eq, %broadcast_in_dim3A_33, %iota3A_34 : vector<56x256xi32>
      %convert_element_type3A_36 = arith.extui %eq3A_35 : vector<56x256xi1> to vector<56x256xi32>
      %convert_element_type3A_37 = arith.sitofp %convert_element_type3A_36 : vector<56x256xi32> to vector<56x256xf32>
      %slice3A_38 = vector.extract_strided_slice %reshape3A {offsets = [4, 0], sizes = [1, 256], strides = [1, 1]} : vector<32x256xi32> to vector<1x256xi32>
      %squeeze3A_39 = vector.shape_cast %slice3A_38 : vector<1x256xi32> to vector<256xi32>
      %broadcast_in_dim3A_40 = vector.shape_cast %squeeze3A_39 : vector<256xi32> to vector<1x256xi32>
      %broadcast_in_dim3A_41 = vector.shape_cast %broadcast_in_dim3A_40 : vector<1x256xi32> to vector<1x256xi32>
      %broadcast_in_dim3A_42 = vector.broadcast %broadcast_in_dim3A_41 : vector<1x256xi32> to vector<56x256xi32>
      %iota3A_43 = tpu.iota {dimensions = array<i32: 0>} : vector<56x256xi32>
      %eq3A_44 = arith.cmpi eq, %broadcast_in_dim3A_42, %iota3A_43 : vector<56x256xi32>
      %convert_element_type3A_45 = arith.extui %eq3A_44 : vector<56x256xi1> to vector<56x256xi32>
      %convert_element_type3A_46 = arith.sitofp %convert_element_type3A_45 : vector<56x256xi32> to vector<56x256xf32>
      %slice3A_47 = vector.extract_strided_slice %reshape3A {offsets = [5, 0], sizes = [1, 256], strides = [1, 1]} : vector<32x256xi32> to vector<1x256xi32>
      %squeeze3A_48 = vector.shape_cast %slice3A_47 : vector<1x256xi32> to vector<256xi32>
      %broadcast_in_dim3A_49 = vector.shape_cast %squeeze3A_48 : vector<256xi32> to vector<1x256xi32>
      %broadcast_in_dim3A_50 = vector.shape_cast %broadcast_in_dim3A_49 : vector<1x256xi32> to vector<1x256xi32>
      %broadcast_in_dim3A_51 = vector.broadcast %broadcast_in_dim3A_50 : vector<1x256xi32> to vector<56x256xi32>
      %iota3A_52 = tpu.iota {dimensions = array<i32: 0>} : vector<56x256xi32>
      %eq3A_53 = arith.cmpi eq, %broadcast_in_dim3A_51, %iota3A_52 : vector<56x256xi32>
      %convert_element_type3A_54 = arith.extui %eq3A_53 : vector<56x256xi1> to vector<56x256xi32>
      %convert_element_type3A_55 = arith.sitofp %convert_element_type3A_54 : vector<56x256xi32> to vector<56x256xf32>
      %slice3A_56 = vector.extract_strided_slice %reshape3A {offsets = [6, 0], sizes = [1, 256], strides = [1, 1]} : vector<32x256xi32> to vector<1x256xi32>
      %squeeze3A_57 = vector.shape_cast %slice3A_56 : vector<1x256xi32> to vector<256xi32>
      %broadcast_in_dim3A_58 = vector.shape_cast %squeeze3A_57 : vector<256xi32> to vector<1x256xi32>
      %broadcast_in_dim3A_59 = vector.shape_cast %broadcast_in_dim3A_58 : vector<1x256xi32> to vector<1x256xi32>
      %broadcast_in_dim3A_60 = vector.broadcast %broadcast_in_dim3A_59 : vector<1x256xi32> to vector<56x256xi32>
      %iota3A_61 = tpu.iota {dimensions = array<i32: 0>} : vector<56x256xi32>
      %eq3A_62 = arith.cmpi eq, %broadcast_in_dim3A_60, %iota3A_61 : vector<56x256xi32>
      %convert_element_type3A_63 = arith.extui %eq3A_62 : vector<56x256xi1> to vector<56x256xi32>
      %convert_element_type3A_64 = arith.sitofp %convert_element_type3A_63 : vector<56x256xi32> to vector<56x256xf32>
      %slice3A_65 = vector.extract_strided_slice %reshape3A {offsets = [7, 0], sizes = [1, 256], strides = [1, 1]} : vector<32x256xi32> to vector<1x256xi32>
      %squeeze3A_66 = vector.shape_cast %slice3A_65 : vector<1x256xi32> to vector<256xi32>
      %broadcast_in_dim3A_67 = vector.shape_cast %squeeze3A_66 : vector<256xi32> to vector<1x256xi32>
      %broadcast_in_dim3A_68 = vector.shape_cast %broadcast_in_dim3A_67 : vector<1x256xi32> to vector<1x256xi32>
      %broadcast_in_dim3A_69 = vector.broadcast %broadcast_in_dim3A_68 : vector<1x256xi32> to vector<56x256xi32>
      %iota3A_70 = tpu.iota {dimensions = array<i32: 0>} : vector<56x256xi32>
      %eq3A_71 = arith.cmpi eq, %broadcast_in_dim3A_69, %iota3A_70 : vector<56x256xi32>
      %convert_element_type3A_72 = arith.extui %eq3A_71 : vector<56x256xi1> to vector<56x256xi32>
      %convert_element_type3A_73 = arith.sitofp %convert_element_type3A_72 : vector<56x256xi32> to vector<56x256xf32>
      %slice3A_74 = vector.extract_strided_slice %reshape3A {offsets = [8, 0], sizes = [1, 256], strides = [1, 1]} : vector<32x256xi32> to vector<1x256xi32>
      %squeeze3A_75 = vector.shape_cast %slice3A_74 : vector<1x256xi32> to vector<256xi32>
      %broadcast_in_dim3A_76 = vector.shape_cast %squeeze3A_75 : vector<256xi32> to vector<1x256xi32>
      %broadcast_in_dim3A_77 = vector.shape_cast %broadcast_in_dim3A_76 : vector<1x256xi32> to vector<1x256xi32>
      %broadcast_in_dim3A_78 = vector.broadcast %broadcast_in_dim3A_77 : vector<1x256xi32> to vector<56x256xi32>
      %iota3A_79 = tpu.iota {dimensions = array<i32: 0>} : vector<56x256xi32>
      %eq3A_80 = arith.cmpi eq, %broadcast_in_dim3A_78, %iota3A_79 : vector<56x256xi32>
      %convert_element_type3A_81 = arith.extui %eq3A_80 : vector<56x256xi1> to vector<56x256xi32>
      %convert_element_type3A_82 = arith.sitofp %convert_element_type3A_81 : vector<56x256xi32> to vector<56x256xf32>
      %slice3A_83 = vector.extract_strided_slice %reshape3A {offsets = [9, 0], sizes = [1, 256], strides = [1, 1]} : vector<32x256xi32> to vector<1x256xi32>
      %squeeze3A_84 = vector.shape_cast %slice3A_83 : vector<1x256xi32> to vector<256xi32>
      %broadcast_in_dim3A_85 = vector.shape_cast %squeeze3A_84 : vector<256xi32> to vector<1x256xi32>
      %broadcast_in_dim3A_86 = vector.shape_cast %broadcast_in_dim3A_85 : vector<1x256xi32> to vector<1x256xi32>
      %broadcast_in_dim3A_87 = vector.broadcast %broadcast_in_dim3A_86 : vector<1x256xi32> to vector<56x256xi32>
      %iota3A_88 = tpu.iota {dimensions = array<i32: 0>} : vector<56x256xi32>
      %eq3A_89 = arith.cmpi eq, %broadcast_in_dim3A_87, %iota3A_88 : vector<56x256xi32>
      %convert_element_type3A_90 = arith.extui %eq3A_89 : vector<56x256xi1> to vector<56x256xi32>
      %convert_element_type3A_91 = arith.sitofp %convert_element_type3A_90 : vector<56x256xi32> to vector<56x256xf32>
      %slice3A_92 = vector.extract_strided_slice %reshape3A {offsets = [10, 0], sizes = [1, 256], strides = [1, 1]} : vector<32x256xi32> to vector<1x256xi32>
      %squeeze3A_93 = vector.shape_cast %slice3A_92 : vector<1x256xi32> to vector<256xi32>
      %broadcast_in_dim3A_94 = vector.shape_cast %squeeze3A_93 : vector<256xi32> to vector<1x256xi32>
      %broadcast_in_dim3A_95 = vector.shape_cast %broadcast_in_dim3A_94 : vector<1x256xi32> to vector<1x256xi32>
      %broadcast_in_dim3A_96 = vector.broadcast %broadcast_in_dim3A_95 : vector<1x256xi32> to vector<56x256xi32>
      %iota3A_97 = tpu.iota {dimensions = array<i32: 0>} : vector<56x256xi32>
      %eq3A_98 = arith.cmpi eq, %broadcast_in_dim3A_96, %iota3A_97 : vector<56x256xi32>
      %convert_element_type3A_99 = arith.extui %eq3A_98 : vector<56x256xi1> to vector<56x256xi32>
      %convert_element_type3A_100 = arith.sitofp %convert_element_type3A_99 : vector<56x256xi32> to vector<56x256xf32>
      %slice3A_101 = vector.extract_strided_slice %reshape3A {offsets = [11, 0], sizes = [1, 256], strides = [1, 1]} : vector<32x256xi32> to vector<1x256xi32>
      %squeeze3A_102 = vector.shape_cast %slice3A_101 : vector<1x256xi32> to vector<256xi32>
      %broadcast_in_dim3A_103 = vector.shape_cast %squeeze3A_102 : vector<256xi32> to vector<1x256xi32>
      %broadcast_in_dim3A_104 = vector.shape_cast %broadcast_in_dim3A_103 : vector<1x256xi32> to vector<1x256xi32>
      %broadcast_in_dim3A_105 = vector.broadcast %broadcast_in_dim3A_104 : vector<1x256xi32> to vector<56x256xi32>
      %iota3A_106 = tpu.iota {dimensions = array<i32: 0>} : vector<56x256xi32>
      %eq3A_107 = arith.cmpi eq, %broadcast_in_dim3A_105, %iota3A_106 : vector<56x256xi32>
      %convert_element_type3A_108 = arith.extui %eq3A_107 : vector<56x256xi1> to vector<56x256xi32>
      %convert_element_type3A_109 = arith.sitofp %convert_element_type3A_108 : vector<56x256xi32> to vector<56x256xf32>
      %slice3A_110 = vector.extract_strided_slice %reshape3A {offsets = [12, 0], sizes = [1, 256], strides = [1, 1]} : vector<32x256xi32> to vector<1x256xi32>
      %squeeze3A_111 = vector.shape_cast %slice3A_110 : vector<1x256xi32> to vector<256xi32>
      %broadcast_in_dim3A_112 = vector.shape_cast %squeeze3A_111 : vector<256xi32> to vector<1x256xi32>
      %broadcast_in_dim3A_113 = vector.shape_cast %broadcast_in_dim3A_112 : vector<1x256xi32> to vector<1x256xi32>
      %broadcast_in_dim3A_114 = vector.broadcast %broadcast_in_dim3A_113 : vector<1x256xi32> to vector<56x256xi32>
      %iota3A_115 = tpu.iota {dimensions = array<i32: 0>} : vector<56x256xi32>
      %eq3A_116 = arith.cmpi eq, %broadcast_in_dim3A_114, %iota3A_115 : vector<56x256xi32>
      %convert_element_type3A_117 = arith.extui %eq3A_116 : vector<56x256xi1> to vector<56x256xi32>
      %convert_element_type3A_118 = arith.sitofp %convert_element_type3A_117 : vector<56x256xi32> to vector<56x256xf32>
      %slice3A_119 = vector.extract_strided_slice %reshape3A {offsets = [13, 0], sizes = [1, 256], strides = [1, 1]} : vector<32x256xi32> to vector<1x256xi32>
      %squeeze3A_120 = vector.shape_cast %slice3A_119 : vector<1x256xi32> to vector<256xi32>
      %broadcast_in_dim3A_121 = vector.shape_cast %squeeze3A_120 : vector<256xi32> to vector<1x256xi32>
      %broadcast_in_dim3A_122 = vector.shape_cast %broadcast_in_dim3A_121 : vector<1x256xi32> to vector<1x256xi32>
      %broadcast_in_dim3A_123 = vector.broadcast %broadcast_in_dim3A_122 : vector<1x256xi32> to vector<56x256xi32>
      %iota3A_124 = tpu.iota {dimensions = array<i32: 0>} : vector<56x256xi32>
      %eq3A_125 = arith.cmpi eq, %broadcast_in_dim3A_123, %iota3A_124 : vector<56x256xi32>
      %convert_element_type3A_126 = arith.extui %eq3A_125 : vector<56x256xi1> to vector<56x256xi32>
      %convert_element_type3A_127 = arith.sitofp %convert_element_type3A_126 : vector<56x256xi32> to vector<56x256xf32>
      %slice3A_128 = vector.extract_strided_slice %reshape3A {offsets = [14, 0], sizes = [1, 256], strides = [1, 1]} : vector<32x256xi32> to vector<1x256xi32>
      %squeeze3A_129 = vector.shape_cast %slice3A_128 : vector<1x256xi32> to vector<256xi32>
      %broadcast_in_dim3A_130 = vector.shape_cast %squeeze3A_129 : vector<256xi32> to vector<1x256xi32>
      %broadcast_in_dim3A_131 = vector.shape_cast %broadcast_in_dim3A_130 : vector<1x256xi32> to vector<1x256xi32>
      %broadcast_in_dim3A_132 = vector.broadcast %broadcast_in_dim3A_131 : vector<1x256xi32> to vector<56x256xi32>
      %iota3A_133 = tpu.iota {dimensions = array<i32: 0>} : vector<56x256xi32>
      %eq3A_134 = arith.cmpi eq, %broadcast_in_dim3A_132, %iota3A_133 : vector<56x256xi32>
      %convert_element_type3A_135 = arith.extui %eq3A_134 : vector<56x256xi1> to vector<56x256xi32>
      %convert_element_type3A_136 = arith.sitofp %convert_element_type3A_135 : vector<56x256xi32> to vector<56x256xf32>
      %slice3A_137 = vector.extract_strided_slice %reshape3A {offsets = [15, 0], sizes = [1, 256], strides = [1, 1]} : vector<32x256xi32> to vector<1x256xi32>
      %squeeze3A_138 = vector.shape_cast %slice3A_137 : vector<1x256xi32> to vector<256xi32>
      %broadcast_in_dim3A_139 = vector.shape_cast %squeeze3A_138 : vector<256xi32> to vector<1x256xi32>
      %broadcast_in_dim3A_140 = vector.shape_cast %broadcast_in_dim3A_139 : vector<1x256xi32> to vector<1x256xi32>
      %broadcast_in_dim3A_141 = vector.broadcast %broadcast_in_dim3A_140 : vector<1x256xi32> to vector<56x256xi32>
      %iota3A_142 = tpu.iota {dimensions = array<i32: 0>} : vector<56x256xi32>
      %eq3A_143 = arith.cmpi eq, %broadcast_in_dim3A_141, %iota3A_142 : vector<56x256xi32>
      %convert_element_type3A_144 = arith.extui %eq3A_143 : vector<56x256xi1> to vector<56x256xi32>
      %convert_element_type3A_145 = arith.sitofp %convert_element_type3A_144 : vector<56x256xi32> to vector<56x256xf32>
      %slice3A_146 = vector.extract_strided_slice %reshape3A {offsets = [16, 0], sizes = [1, 256], strides = [1, 1]} : vector<32x256xi32> to vector<1x256xi32>
      %squeeze3A_147 = vector.shape_cast %slice3A_146 : vector<1x256xi32> to vector<256xi32>
      %broadcast_in_dim3A_148 = vector.shape_cast %squeeze3A_147 : vector<256xi32> to vector<1x256xi32>
      %broadcast_in_dim3A_149 = vector.shape_cast %broadcast_in_dim3A_148 : vector<1x256xi32> to vector<1x256xi32>
      %broadcast_in_dim3A_150 = vector.broadcast %broadcast_in_dim3A_149 : vector<1x256xi32> to vector<56x256xi32>
      %iota3A_151 = tpu.iota {dimensions = array<i32: 0>} : vector<56x256xi32>
      %eq3A_152 = arith.cmpi eq, %broadcast_in_dim3A_150, %iota3A_151 : vector<56x256xi32>
      %convert_element_type3A_153 = arith.extui %eq3A_152 : vector<56x256xi1> to vector<56x256xi32>
      %convert_element_type3A_154 = arith.sitofp %convert_element_type3A_153 : vector<56x256xi32> to vector<56x256xf32>
      %slice3A_155 = vector.extract_strided_slice %reshape3A {offsets = [17, 0], sizes = [1, 256], strides = [1, 1]} : vector<32x256xi32> to vector<1x256xi32>
      %squeeze3A_156 = vector.shape_cast %slice3A_155 : vector<1x256xi32> to vector<256xi32>
      %broadcast_in_dim3A_157 = vector.shape_cast %squeeze3A_156 : vector<256xi32> to vector<1x256xi32>
      %broadcast_in_dim3A_158 = vector.shape_cast %broadcast_in_dim3A_157 : vector<1x256xi32> to vector<1x256xi32>
      %broadcast_in_dim3A_159 = vector.broadcast %broadcast_in_dim3A_158 : vector<1x256xi32> to vector<56x256xi32>
      %iota3A_160 = tpu.iota {dimensions = array<i32: 0>} : vector<56x256xi32>
      %eq3A_161 = arith.cmpi eq, %broadcast_in_dim3A_159, %iota3A_160 : vector<56x256xi32>
      %convert_element_type3A_162 = arith.extui %eq3A_161 : vector<56x256xi1> to vector<56x256xi32>
      %convert_element_type3A_163 = arith.sitofp %convert_element_type3A_162 : vector<56x256xi32> to vector<56x256xf32>
      %slice3A_164 = vector.extract_strided_slice %reshape3A {offsets = [18, 0], sizes = [1, 256], strides = [1, 1]} : vector<32x256xi32> to vector<1x256xi32>
      %squeeze3A_165 = vector.shape_cast %slice3A_164 : vector<1x256xi32> to vector<256xi32>
      %broadcast_in_dim3A_166 = vector.shape_cast %squeeze3A_165 : vector<256xi32> to vector<1x256xi32>
      %broadcast_in_dim3A_167 = vector.shape_cast %broadcast_in_dim3A_166 : vector<1x256xi32> to vector<1x256xi32>
      %broadcast_in_dim3A_168 = vector.broadcast %broadcast_in_dim3A_167 : vector<1x256xi32> to vector<56x256xi32>
      %iota3A_169 = tpu.iota {dimensions = array<i32: 0>} : vector<56x256xi32>
      %eq3A_170 = arith.cmpi eq, %broadcast_in_dim3A_168, %iota3A_169 : vector<56x256xi32>
      %convert_element_type3A_171 = arith.extui %eq3A_170 : vector<56x256xi1> to vector<56x256xi32>
      %convert_element_type3A_172 = arith.sitofp %convert_element_type3A_171 : vector<56x256xi32> to vector<56x256xf32>
      %slice3A_173 = vector.extract_strided_slice %reshape3A {offsets = [19, 0], sizes = [1, 256], strides = [1, 1]} : vector<32x256xi32> to vector<1x256xi32>
      %squeeze3A_174 = vector.shape_cast %slice3A_173 : vector<1x256xi32> to vector<256xi32>
      %broadcast_in_dim3A_175 = vector.shape_cast %squeeze3A_174 : vector<256xi32> to vector<1x256xi32>
      %broadcast_in_dim3A_176 = vector.shape_cast %broadcast_in_dim3A_175 : vector<1x256xi32> to vector<1x256xi32>
      %broadcast_in_dim3A_177 = vector.broadcast %broadcast_in_dim3A_176 : vector<1x256xi32> to vector<56x256xi32>
      %iota3A_178 = tpu.iota {dimensions = array<i32: 0>} : vector<56x256xi32>
      %eq3A_179 = arith.cmpi eq, %broadcast_in_dim3A_177, %iota3A_178 : vector<56x256xi32>
      %convert_element_type3A_180 = arith.extui %eq3A_179 : vector<56x256xi1> to vector<56x256xi32>
      %convert_element_type3A_181 = arith.sitofp %convert_element_type3A_180 : vector<56x256xi32> to vector<56x256xf32>
      %slice3A_182 = vector.extract_strided_slice %reshape3A {offsets = [20, 0], sizes = [1, 256], strides = [1, 1]} : vector<32x256xi32> to vector<1x256xi32>
      %squeeze3A_183 = vector.shape_cast %slice3A_182 : vector<1x256xi32> to vector<256xi32>
      %broadcast_in_dim3A_184 = vector.shape_cast %squeeze3A_183 : vector<256xi32> to vector<1x256xi32>
      %broadcast_in_dim3A_185 = vector.shape_cast %broadcast_in_dim3A_184 : vector<1x256xi32> to vector<1x256xi32>
      %broadcast_in_dim3A_186 = vector.broadcast %broadcast_in_dim3A_185 : vector<1x256xi32> to vector<56x256xi32>
      %iota3A_187 = tpu.iota {dimensions = array<i32: 0>} : vector<56x256xi32>
      %eq3A_188 = arith.cmpi eq, %broadcast_in_dim3A_186, %iota3A_187 : vector<56x256xi32>
      %convert_element_type3A_189 = arith.extui %eq3A_188 : vector<56x256xi1> to vector<56x256xi32>
      %convert_element_type3A_190 = arith.sitofp %convert_element_type3A_189 : vector<56x256xi32> to vector<56x256xf32>
      %slice3A_191 = vector.extract_strided_slice %reshape3A {offsets = [21, 0], sizes = [1, 256], strides = [1, 1]} : vector<32x256xi32> to vector<1x256xi32>
      %squeeze3A_192 = vector.shape_cast %slice3A_191 : vector<1x256xi32> to vector<256xi32>
      %broadcast_in_dim3A_193 = vector.shape_cast %squeeze3A_192 : vector<256xi32> to vector<1x256xi32>
      %broadcast_in_dim3A_194 = vector.shape_cast %broadcast_in_dim3A_193 : vector<1x256xi32> to vector<1x256xi32>
      %broadcast_in_dim3A_195 = vector.broadcast %broadcast_in_dim3A_194 : vector<1x256xi32> to vector<56x256xi32>
      %iota3A_196 = tpu.iota {dimensions = array<i32: 0>} : vector<56x256xi32>
      %eq3A_197 = arith.cmpi eq, %broadcast_in_dim3A_195, %iota3A_196 : vector<56x256xi32>
      %convert_element_type3A_198 = arith.extui %eq3A_197 : vector<56x256xi1> to vector<56x256xi32>
      %convert_element_type3A_199 = arith.sitofp %convert_element_type3A_198 : vector<56x256xi32> to vector<56x256xf32>
      %slice3A_200 = vector.extract_strided_slice %reshape3A {offsets = [22, 0], sizes = [1, 256], strides = [1, 1]} : vector<32x256xi32> to vector<1x256xi32>
      %squeeze3A_201 = vector.shape_cast %slice3A_200 : vector<1x256xi32> to vector<256xi32>
      %broadcast_in_dim3A_202 = vector.shape_cast %squeeze3A_201 : vector<256xi32> to vector<1x256xi32>
      %broadcast_in_dim3A_203 = vector.shape_cast %broadcast_in_dim3A_202 : vector<1x256xi32> to vector<1x256xi32>
      %broadcast_in_dim3A_204 = vector.broadcast %broadcast_in_dim3A_203 : vector<1x256xi32> to vector<56x256xi32>
      %iota3A_205 = tpu.iota {dimensions = array<i32: 0>} : vector<56x256xi32>
      %eq3A_206 = arith.cmpi eq, %broadcast_in_dim3A_204, %iota3A_205 : vector<56x256xi32>
      %convert_element_type3A_207 = arith.extui %eq3A_206 : vector<56x256xi1> to vector<56x256xi32>
      %convert_element_type3A_208 = arith.sitofp %convert_element_type3A_207 : vector<56x256xi32> to vector<56x256xf32>
      %slice3A_209 = vector.extract_strided_slice %reshape3A {offsets = [23, 0], sizes = [1, 256], strides = [1, 1]} : vector<32x256xi32> to vector<1x256xi32>
      %squeeze3A_210 = vector.shape_cast %slice3A_209 : vector<1x256xi32> to vector<256xi32>
      %broadcast_in_dim3A_211 = vector.shape_cast %squeeze3A_210 : vector<256xi32> to vector<1x256xi32>
      %broadcast_in_dim3A_212 = vector.shape_cast %broadcast_in_dim3A_211 : vector<1x256xi32> to vector<1x256xi32>
      %broadcast_in_dim3A_213 = vector.broadcast %broadcast_in_dim3A_212 : vector<1x256xi32> to vector<56x256xi32>
      %iota3A_214 = tpu.iota {dimensions = array<i32: 0>} : vector<56x256xi32>
      %eq3A_215 = arith.cmpi eq, %broadcast_in_dim3A_213, %iota3A_214 : vector<56x256xi32>
      %convert_element_type3A_216 = arith.extui %eq3A_215 : vector<56x256xi1> to vector<56x256xi32>
      %convert_element_type3A_217 = arith.sitofp %convert_element_type3A_216 : vector<56x256xi32> to vector<56x256xf32>
      %slice3A_218 = vector.extract_strided_slice %reshape3A {offsets = [24, 0], sizes = [1, 256], strides = [1, 1]} : vector<32x256xi32> to vector<1x256xi32>
      %squeeze3A_219 = vector.shape_cast %slice3A_218 : vector<1x256xi32> to vector<256xi32>
      %broadcast_in_dim3A_220 = vector.shape_cast %squeeze3A_219 : vector<256xi32> to vector<1x256xi32>
      %broadcast_in_dim3A_221 = vector.shape_cast %broadcast_in_dim3A_220 : vector<1x256xi32> to vector<1x256xi32>
      %broadcast_in_dim3A_222 = vector.broadcast %broadcast_in_dim3A_221 : vector<1x256xi32> to vector<56x256xi32>
      %iota3A_223 = tpu.iota {dimensions = array<i32: 0>} : vector<56x256xi32>
      %eq3A_224 = arith.cmpi eq, %broadcast_in_dim3A_222, %iota3A_223 : vector<56x256xi32>
      %convert_element_type3A_225 = arith.extui %eq3A_224 : vector<56x256xi1> to vector<56x256xi32>
      %convert_element_type3A_226 = arith.sitofp %convert_element_type3A_225 : vector<56x256xi32> to vector<56x256xf32>
      %slice3A_227 = vector.extract_strided_slice %reshape3A {offsets = [25, 0], sizes = [1, 256], strides = [1, 1]} : vector<32x256xi32> to vector<1x256xi32>
      %squeeze3A_228 = vector.shape_cast %slice3A_227 : vector<1x256xi32> to vector<256xi32>
      %broadcast_in_dim3A_229 = vector.shape_cast %squeeze3A_228 : vector<256xi32> to vector<1x256xi32>
      %broadcast_in_dim3A_230 = vector.shape_cast %broadcast_in_dim3A_229 : vector<1x256xi32> to vector<1x256xi32>
      %broadcast_in_dim3A_231 = vector.broadcast %broadcast_in_dim3A_230 : vector<1x256xi32> to vector<56x256xi32>
      %iota3A_232 = tpu.iota {dimensions = array<i32: 0>} : vector<56x256xi32>
      %eq3A_233 = arith.cmpi eq, %broadcast_in_dim3A_231, %iota3A_232 : vector<56x256xi32>
      %convert_element_type3A_234 = arith.extui %eq3A_233 : vector<56x256xi1> to vector<56x256xi32>
      %convert_element_type3A_235 = arith.sitofp %convert_element_type3A_234 : vector<56x256xi32> to vector<56x256xf32>
      %slice3A_236 = vector.extract_strided_slice %reshape3A {offsets = [26, 0], sizes = [1, 256], strides = [1, 1]} : vector<32x256xi32> to vector<1x256xi32>
      %squeeze3A_237 = vector.shape_cast %slice3A_236 : vector<1x256xi32> to vector<256xi32>
      %broadcast_in_dim3A_238 = vector.shape_cast %squeeze3A_237 : vector<256xi32> to vector<1x256xi32>
      %broadcast_in_dim3A_239 = vector.shape_cast %broadcast_in_dim3A_238 : vector<1x256xi32> to vector<1x256xi32>
      %broadcast_in_dim3A_240 = vector.broadcast %broadcast_in_dim3A_239 : vector<1x256xi32> to vector<56x256xi32>
      %iota3A_241 = tpu.iota {dimensions = array<i32: 0>} : vector<56x256xi32>
      %eq3A_242 = arith.cmpi eq, %broadcast_in_dim3A_240, %iota3A_241 : vector<56x256xi32>
      %convert_element_type3A_243 = arith.extui %eq3A_242 : vector<56x256xi1> to vector<56x256xi32>
      %convert_element_type3A_244 = arith.sitofp %convert_element_type3A_243 : vector<56x256xi32> to vector<56x256xf32>
      %slice3A_245 = vector.extract_strided_slice %reshape3A {offsets = [27, 0], sizes = [1, 256], strides = [1, 1]} : vector<32x256xi32> to vector<1x256xi32>
      %squeeze3A_246 = vector.shape_cast %slice3A_245 : vector<1x256xi32> to vector<256xi32>
      %broadcast_in_dim3A_247 = vector.shape_cast %squeeze3A_246 : vector<256xi32> to vector<1x256xi32>
      %broadcast_in_dim3A_248 = vector.shape_cast %broadcast_in_dim3A_247 : vector<1x256xi32> to vector<1x256xi32>
      %broadcast_in_dim3A_249 = vector.broadcast %broadcast_in_dim3A_248 : vector<1x256xi32> to vector<56x256xi32>
      %iota3A_250 = tpu.iota {dimensions = array<i32: 0>} : vector<56x256xi32>
      %eq3A_251 = arith.cmpi eq, %broadcast_in_dim3A_249, %iota3A_250 : vector<56x256xi32>
      %convert_element_type3A_252 = arith.extui %eq3A_251 : vector<56x256xi1> to vector<56x256xi32>
      %convert_element_type3A_253 = arith.sitofp %convert_element_type3A_252 : vector<56x256xi32> to vector<56x256xf32>
      %slice3A_254 = vector.extract_strided_slice %reshape3A {offsets = [28, 0], sizes = [1, 256], strides = [1, 1]} : vector<32x256xi32> to vector<1x256xi32>
      %squeeze3A_255 = vector.shape_cast %slice3A_254 : vector<1x256xi32> to vector<256xi32>
      %broadcast_in_dim3A_256 = vector.shape_cast %squeeze3A_255 : vector<256xi32> to vector<1x256xi32>
      %broadcast_in_dim3A_257 = vector.shape_cast %broadcast_in_dim3A_256 : vector<1x256xi32> to vector<1x256xi32>
      %broadcast_in_dim3A_258 = vector.broadcast %broadcast_in_dim3A_257 : vector<1x256xi32> to vector<56x256xi32>
      %iota3A_259 = tpu.iota {dimensions = array<i32: 0>} : vector<56x256xi32>
      %eq3A_260 = arith.cmpi eq, %broadcast_in_dim3A_258, %iota3A_259 : vector<56x256xi32>
      %convert_element_type3A_261 = arith.extui %eq3A_260 : vector<56x256xi1> to vector<56x256xi32>
      %convert_element_type3A_262 = arith.sitofp %convert_element_type3A_261 : vector<56x256xi32> to vector<56x256xf32>
      %slice3A_263 = vector.extract_strided_slice %reshape3A {offsets = [29, 0], sizes = [1, 256], strides = [1, 1]} : vector<32x256xi32> to vector<1x256xi32>
      %squeeze3A_264 = vector.shape_cast %slice3A_263 : vector<1x256xi32> to vector<256xi32>
      %broadcast_in_dim3A_265 = vector.shape_cast %squeeze3A_264 : vector<256xi32> to vector<1x256xi32>
      %broadcast_in_dim3A_266 = vector.shape_cast %broadcast_in_dim3A_265 : vector<1x256xi32> to vector<1x256xi32>
      %broadcast_in_dim3A_267 = vector.broadcast %broadcast_in_dim3A_266 : vector<1x256xi32> to vector<56x256xi32>
      %iota3A_268 = tpu.iota {dimensions = array<i32: 0>} : vector<56x256xi32>
      %eq3A_269 = arith.cmpi eq, %broadcast_in_dim3A_267, %iota3A_268 : vector<56x256xi32>
      %convert_element_type3A_270 = arith.extui %eq3A_269 : vector<56x256xi1> to vector<56x256xi32>
      %convert_element_type3A_271 = arith.sitofp %convert_element_type3A_270 : vector<56x256xi32> to vector<56x256xf32>
      %slice3A_272 = vector.extract_strided_slice %reshape3A {offsets = [30, 0], sizes = [1, 256], strides = [1, 1]} : vector<32x256xi32> to vector<1x256xi32>
      %squeeze3A_273 = vector.shape_cast %slice3A_272 : vector<1x256xi32> to vector<256xi32>
      %broadcast_in_dim3A_274 = vector.shape_cast %squeeze3A_273 : vector<256xi32> to vector<1x256xi32>
      %broadcast_in_dim3A_275 = vector.shape_cast %broadcast_in_dim3A_274 : vector<1x256xi32> to vector<1x256xi32>
      %broadcast_in_dim3A_276 = vector.broadcast %broadcast_in_dim3A_275 : vector<1x256xi32> to vector<56x256xi32>
      %iota3A_277 = tpu.iota {dimensions = array<i32: 0>} : vector<56x256xi32>
      %eq3A_278 = arith.cmpi eq, %broadcast_in_dim3A_276, %iota3A_277 : vector<56x256xi32>
      %convert_element_type3A_279 = arith.extui %eq3A_278 : vector<56x256xi1> to vector<56x256xi32>
      %convert_element_type3A_280 = arith.sitofp %convert_element_type3A_279 : vector<56x256xi32> to vector<56x256xf32>
      %slice3A_281 = vector.extract_strided_slice %reshape3A {offsets = [31, 0], sizes = [1, 256], strides = [1, 1]} : vector<32x256xi32> to vector<1x256xi32>
      %squeeze3A_282 = vector.shape_cast %slice3A_281 : vector<1x256xi32> to vector<256xi32>
      %broadcast_in_dim3A_283 = vector.shape_cast %squeeze3A_282 : vector<256xi32> to vector<1x256xi32>
      %broadcast_in_dim3A_284 = vector.shape_cast %broadcast_in_dim3A_283 : vector<1x256xi32> to vector<1x256xi32>
      %broadcast_in_dim3A_285 = vector.broadcast %broadcast_in_dim3A_284 : vector<1x256xi32> to vector<56x256xi32>
      %iota3A_286 = tpu.iota {dimensions = array<i32: 0>} : vector<56x256xi32>
      %eq3A_287 = arith.cmpi eq, %broadcast_in_dim3A_285, %iota3A_286 : vector<56x256xi32>
      %convert_element_type3A_288 = arith.extui %eq3A_287 : vector<56x256xi1> to vector<56x256xi32>
      %convert_element_type3A_289 = arith.sitofp %convert_element_type3A_288 : vector<56x256xi32> to vector<56x256xf32>
      %concatenate3A = tpu.concatenate %convert_element_type3A_10, %convert_element_type3A_19, %convert_element_type3A_28, %convert_element_type3A_37, %convert_element_type3A_46, %convert_element_type3A_55, %convert_element_type3A_64, %convert_element_type3A_73, %convert_element_type3A_82, %convert_element_type3A_91, %convert_element_type3A_100, %convert_element_type3A_109, %convert_element_type3A_118, %convert_element_type3A_127, %convert_element_type3A_136, %convert_element_type3A_145, %convert_element_type3A_154, %convert_element_type3A_163, %convert_element_type3A_172, %convert_element_type3A_181, %convert_element_type3A_190, %convert_element_type3A_199, %convert_element_type3A_208, %convert_element_type3A_217, %convert_element_type3A_226, %convert_element_type3A_235, %convert_element_type3A_244, %convert_element_type3A_253, %convert_element_type3A_262, %convert_element_type3A_271, %convert_element_type3A_280, %convert_element_type3A_289 in 1 : vector<56x256xf32>, vector<56x256xf32>, vector<56x256xf32>, vector<56x256xf32>, vector<56x256xf32>, vector<56x256xf32>, vector<56x256xf32>, vector<56x256xf32>, vector<56x256xf32>, vector<56x256xf32>, vector<56x256xf32>, vector<56x256xf32>, vector<56x256xf32>, vector<56x256xf32>, vector<56x256xf32>, vector<56x256xf32>, vector<56x256xf32>, vector<56x256xf32>, vector<56x256xf32>, vector<56x256xf32>, vector<56x256xf32>, vector<56x256xf32>, vector<56x256xf32>, vector<56x256xf32>, vector<56x256xf32>, vector<56x256xf32>, vector<56x256xf32>, vector<56x256xf32>, vector<56x256xf32>, vector<56x256xf32>, vector<56x256xf32>, vector<56x256xf32> -> vector<56x8192xf32>
      %get3A_290 = arith.constant 0 : index
      %get3A_291 = arith.constant 0 : index
      %get3A_292 = vector.load %arg4[%get3A_290, %get3A_291] : memref<32x8192xf32, #tpu.memory_space<vmem>>, vector<32x8192xf32>
      %get3A_293 = arith.constant 0 : index
      %get3A_294 = arith.constant 0 : index
      %get3A_295 = vector.load %arg3[%get3A_293, %get3A_294] : memref<8x8192xf32, #tpu.memory_space<vmem>>, vector<8x8192xf32>
      %concatenate3A_296 = tpu.concatenate %concatenate3A, %get3A_292, %get3A_295 in 0 : vector<56x8192xf32>, vector<32x8192xf32>, vector<8x8192xf32> -> vector<96x8192xf32>
      %get3A_297 = arith.constant 0 : index
      %get3A_298 = arith.constant 0 : index
      %get3A_299 = vector.load %arg5[%get3A_297, %get3A_298] : memref<96x128xf32, #tpu.memory_space<vmem>>, vector<96x128xf32>
      %dot_general3A = arith.constant dense<0.000000e+00> : vector<8192x128xf32>
      %dot_general3A_300 = tpu.matmul %concatenate3A_296, %get3A_299, %dot_general3A {dimension_numbers = #tpu.dot_dimension_numbers<[0], [0], [1], [1], [0, 1, 1, 1], [], []>, transpose_lhs_hint = false} : vector<96x8192xf32>, vector<96x128xf32>, vector<8192x128xf32> -> vector<8192x128xf32>
      %reshape3A_301 = vector.shape_cast %dot_general3A_300 : vector<8192x128xf32> to vector<256x32x128xf32>
      %get3A_302 = arith.constant 0 : index
      %get3A_303 = arith.constant 0 : index
      %get3A_304 = arith.constant 0 : index
      %get3A_305 = vector.load %arg1[%get3A_302, %get3A_303, %get3A_304] : memref<256x26x128xf32, #tpu.memory_space<vmem>>, vector<256x26x128xf32>
      %slice3A_306 = vector.extract_strided_slice %get3A_305 {offsets = [0, 0, 0], sizes = [256, 24, 128], strides = [1, 1, 1]} : vector<256x26x128xf32> to vector<256x24x128xf32>
      %slice3A_307 = vector.extract_strided_slice %reshape3A_301 {offsets = [0, 0, 0], sizes = [256, 24, 128], strides = [1, 1, 1]} : vector<256x32x128xf32> to vector<256x24x128xf32>
      %add3A = arith.addf %slice3A_306, %slice3A_307 : vector<256x24x128xf32>
      %swap3A = arith.constant 0 : index
      %swap3A_308 = arith.constant 0 : index
      %swap3A_309 = arith.constant 0 : index
      %swap3A_310 = vector.load %arg7[%swap3A, %swap3A_308, %swap3A_309] : memref<256x26x128xf32, #tpu.memory_space<vmem>>, vector<256x24x128xf32>
      tpu.vector_store %arg7[%swap3A, %swap3A_308, %swap3A_309], %add3A {strides = array<i32>} : memref<256x26x128xf32, #tpu.memory_space<vmem>>, vector<256x24x128xf32>,
      %slice3A_311 = vector.extract_strided_slice %get3A_305 {offsets = [0, 24, 0], sizes = [256, 1, 128], strides = [1, 1, 1]} : vector<256x26x128xf32> to vector<256x1x128xf32>
      %squeeze3A_312 = vector.shape_cast %slice3A_311 : vector<256x1x128xf32> to vector<256x128xf32>
      %slice3A_313 = vector.extract_strided_slice %reshape3A_301 {offsets = [0, 24, 0], sizes = [256, 1, 128], strides = [1, 1, 1]} : vector<256x32x128xf32> to vector<256x1x128xf32>
      %squeeze3A_314 = vector.shape_cast %slice3A_313 : vector<256x1x128xf32> to vector<256x128xf32>
      %add3A_315 = arith.addf %squeeze3A_312, %squeeze3A_314 : vector<256x128xf32>
      %swap3A_316 = arith.constant 0 : index
      %swap3A_317 = arith.constant 24 : index
      %swap3A_318 = arith.constant 0 : index
      %swap3A_319 = vector.load %arg7[%swap3A_316, %swap3A_317, %swap3A_318] : memref<256x26x128xf32, #tpu.memory_space<vmem>>, vector<256x1x128xf32>
      %swap3A_320 = vector.shape_cast %swap3A_319 : vector<256x1x128xf32> to vector<256x128xf32>
      %swap3A_321 = vector.shape_cast %add3A_315 : vector<256x128xf32> to vector<256x1x128xf32>
      tpu.vector_store %arg7[%swap3A_316, %swap3A_317, %swap3A_318], %swap3A_321 {strides = array<i32>} : memref<256x26x128xf32, #tpu.memory_space<vmem>>, vector<256x1x128xf32>,
      %slice3A_322 = vector.extract_strided_slice %get3A_305 {offsets = [0, 25, 0], sizes = [256, 1, 128], strides = [1, 1, 1]} : vector<256x26x128xf32> to vector<256x1x128xf32>
      %squeeze3A_323 = vector.shape_cast %slice3A_322 : vector<256x1x128xf32> to vector<256x128xf32>
      %slice3A_324 = vector.extract_strided_slice %reshape3A_301 {offsets = [0, 25, 0], sizes = [256, 1, 128], strides = [1, 1, 1]} : vector<256x32x128xf32> to vector<256x1x128xf32>
      %squeeze3A_325 = vector.shape_cast %slice3A_324 : vector<256x1x128xf32> to vector<256x128xf32>
      %add3A_326 = arith.addf %squeeze3A_323, %squeeze3A_325 : vector<256x128xf32>
      %swap3A_327 = arith.constant 0 : index
      %swap3A_328 = arith.constant 25 : index
      %swap3A_329 = arith.constant 0 : index
      %swap3A_330 = vector.load %arg7[%swap3A_327, %swap3A_328, %swap3A_329] : memref<256x26x128xf32, #tpu.memory_space<vmem>>, vector<256x1x128xf32>
      %swap3A_331 = vector.shape_cast %swap3A_330 : vector<256x1x128xf32> to vector<256x128xf32>
      %swap3A_332 = vector.shape_cast %add3A_326 : vector<256x128xf32> to vector<256x1x128xf32>
      tpu.vector_store %arg7[%swap3A_327, %swap3A_328, %swap3A_329], %swap3A_332 {strides = array<i32>} : memref<256x26x128xf32, #tpu.memory_space<vmem>>, vector<256x1x128xf32>,
    } else {
    }
    return
  }
  func.func @transform_0(%arg0: i32) -> (i32, i32, i32) {
    %max3A = arith.constant 4 : i32
    %max3A_0 = arith.maxsi %arg0, %max3A : i32
    %c0_i32 = arith.constant 0 : i32
    %c0_i32_1 = arith.constant 0 : i32
    %c0_i32_2 = arith.constant 0 : i32
    return %max3A_0, %c0_i32, %c0_i32_1 : i32, i32, i32
  }
  func.func @transform_1(%arg0: i32) -> i32 {
    %max3A = arith.constant 4 : i32
    %max3A_0 = arith.maxsi %arg0, %max3A : i32
    %c0_i32 = arith.constant 0 : i32
    return %max3A_0 : i32
  }
  func.func @transform_2(%arg0: i32) -> (i32, i32) {
    %max3A = arith.constant 4 : i32
    %max3A_0 = arith.maxsi %arg0, %max3A : i32
    %c0_i32 = arith.constant 0 : i32
    %c0_i32_1 = arith.constant 0 : i32
    return %c0_i32, %max3A_0 : i32, i32
  }
  func.func @transform_3(%arg0: i32) -> (i32, i32) {
    %c0_i32 = arith.constant 0 : i32
    %c0_i32_0 = arith.constant 0 : i32
    %c0_i32_1 = arith.constant 0 : i32
    return %c0_i32, %c0_i32_0 : i32, i32
  }
  func.func @transform_4(%arg0: i32) -> (i32, i32) {
    %c0_i32 = arith.constant 0 : i32
    %c0_i32_0 = arith.constant 0 : i32
    %c0_i32_1 = arith.constant 0 : i32
    return %c0_i32, %c0_i32_0 : i32, i32
  }
  func.func @transform_5(%arg0: i32) -> (i32, i32) {
    %min3A = arith.constant 3 : i32
    %min3A_0 = arith.minsi %arg0, %min3A : i32
    %c0_i32 = arith.constant 0 : i32
    %c0_i32_1 = arith.constant 0 : i32
    return %min3A_0, %c0_i32 : i32, i32
  }
  func.func @transform_6(%arg0: i32) -> (i32, i32, i32) {
    %c0_i32 = arith.constant 0 : i32
    %c0_i32_0 = arith.constant 0 : i32
    %c0_i32_1 = arith.constant 0 : i32
    return %arg0, %c0_i32, %c0_i32_0 : i32, i32, i32
  }
}

</mosaic_0001>

<sc_bundles>
// kernel: kernel.4.cloned.1.call-start
scs
__scs_entry_jumppad:
0x0: {  	(pc) =	sbr.rel $0x88, $3  }
0x1: {  	(tag) =	ssettag $0x0;
	lr =	simm.s32 $0x1  }
0x2: {  	[smem:$0x3F9B] =	sst lr;
	_ =	strace $0xD0000000  }
0x3: {  	_ = 	snop  }
0x4: {  	_ = 	snop  }
0x5: {  	_ = 	snop  }
0x6: {  	_ = 	snop  }
0x7: {  	_ = 	snop  }
__scs_overlays_trampoline_lowered:
0x8: {  	[smem:$0x3FAA] =	sst s0  }
0x9: {  	[smem:$0x3FAB] =	sst s1  }
0xa: {  	[smem:$0x3FAC] =	sst s2  }
0xb: {  	[smem:$0x3FAD] =	sst s3  }
0xc: {  	[smem:$0x3FAE] =	sst s4  }
0xd: {  	[smem:$0x3FAF] =	sst s5  }
0xe: {  	[smem:$0x3FB0] =	sst s6  }
0xf: {  	[smem:$0x3FB1] =	sst s7  }
0x10: {  	[smem:$0x3FB2] =	sst s8  }
0x11: {  	[smem:$0x3FB3] =	sst s9;
	s0 =	simm.s32 @!p0 $0x0  }
0x12: {  	s1 =	sld [smem:$0x3F99];
	s0 =	simm.s32 @p0 $0x1  }
0x13: {  	[smem:$0x3FB4] =	sst s0;
	s0 =	simm.s32 @!p1 $0x0  }
0x14: {  	s2 =	sld [smem:$0x3F98];
	s0 =	simm.s32 @p1 $0x1  }
0x15: {  	[smem:$0x3FB5] =	sst s0;
	s0 =	simm.s32 @!p2 $0x0  }
0x16: {  	s3 =	sld [smem:$0x3FDB];
	s0 =	simm.s32 @p2 $0x1  }
0x17: {  	s4 =	simm.s32 $0x1BF5;
	[smem:$0x3FB7] =	sst s0  }
0x18: {  	s0 =	sld [smem:$0x3F9A];
	_ =	swait.ge [sflag:s4], $0x0  }
0x19: {  	s7 =	sld [smem:$0x3F9B]  }
0x1a: {  	s8 =	sadd.s32 $0xFFFFE003, lr  }
0x1b: {  	s9 =	sadd.s32 $0xFFFFFEF7, lr;
	s5 =	simm.s32 $0xFFFFFFFF;
	p2 =	slt.u32 s8, $0xFFFFF086  }
0x1c: {  	p1 =	slt.u32 s9, $0xF7A;
	s5 =	simm.s32 @!p2 $0x0  }
0x1d: {  	s5 =	simm.s32 @p1 $0x1;
	p0 =	seq.s32 s7, s2  }
0x1e: {  	s7 =	smul.u32 @!p0 $0xF7A, s2;
	p2 =	seq.s32 @!p0 s5, $0x0  }
0x1f: {  	s9 =	smul.u32 $0xF7A, s1;
	s8 =	simm.s32 @!p0 $0x1BF5;
	p2 =	por !p2, p0  }
0x20: {  	[sflag:s8] =	ssyncset.s32 @!p0 $0xFFFFF086;
	s6 =	sadd.s32 @!p0 s3, s7;
	s7 =	simm.s32 @!p0 $0x108  }
0x21: {  	s3 =	sadd.s32 s3, s9;
	s6 =	sadd.s32 @!p0 $0x88, s6;
	s7 =	simm.s32 @p2 $0x1082  }
0x22: {  	[simem:s7], [sflag:s8] =	dma.local @!p0 [hbm:s6], $0xF7A  }
0x23: {  	s9 =	sor.u32 $0xD0000000, s2;
	s6 =	simm.s32 $0x108;
	_ =	swait.ge @!p0 [sflag:s8], $0x0  }
0x24: {  	s3 =	sadd.s32 $0x88, s3;
	s6 =	simm.s32 @!p1 $0x1082;
	[sflag:s4] =	ssyncset.s32 $0xFFFFF086  }
0x25: {  	[simem:s6], [sflag:s4] =	dma.local [hbm:s3], $0xF7A  }
0x26: {  	[smem:$0x3F9B] =	sst s1;
	(tag) =	ssettag s2;
	_ =	strace s9  }
0x27: {  	s1 =	sld [smem:$0x3FAB]  }
0x28: {  	s2 =	sld [smem:$0x3FAC]  }
0x29: {  	s4 =	sld [smem:$0x3FAE]  }
0x2a: {  	p0 =	seq.s32 s5, $0x0;
	s5 =	sld [smem:$0x3FAF]  }
0x2b: {  	s6 =	sld [smem:$0x3FB0]  }
0x2c: {  	s7 =	sld [smem:$0x3FB1]  }
0x2d: {  	s3 =	simm.s32 $0x108;
	s8 =	sld [smem:$0x3FB2]  }
0x2e: {  	s3 =	simm.s32 @!p0 $0x1082;
	s9 =	sld [smem:$0x3FB3]  }
0x2f: {  	lr =	sadd.s32 s0, s3;
	s0 =	sld [smem:$0x3FAA]  }
0x30: {  	s3 =	sld [smem:$0x3FAD]  }
0x31: {  	[smem:$0x3FB6] =	sst s10  }
0x32: {  	s10 =	sld [smem:$0x3FB4];
	_ =	sdelay $0x3  }
0x33: {  	p0 =	seq.s32 s10, $0x1;
	s10 =	sld [smem:$0x3FB6];
	_ =	sdelay $0x3  }
0x34: {  	[smem:$0x3FB6] =	sst s10  }
0x35: {  	s10 =	sld [smem:$0x3FB5];
	_ =	sdelay $0x3  }
0x36: {  	p1 =	seq.s32 s10, $0x1;
	s10 =	sld [smem:$0x3FB6];
	_ =	sdelay $0x3  }
0x37: {  	[smem:$0x3FB6] =	sst s10  }
0x38: {  	s10 =	sld [smem:$0x3FB7]  }
0x39: {  	_ = 	snop;
	(pc) =	sbr.ind lr, $3  }
0x3a: {  	_ = 	snop  }
0x3b: {  	_ = 	snop  }
0x3c: {  	p2 =	seq.s32 s10, $0x1;
	s10 =	sld [smem:$0x3FB6]  }
0x3d: {  	_ =	shalt  }
0x3e: {  	_ =	shalt  }
0x3f: {  	_ =	shalt  }
0x40: {  	_ =	shalt  }
0x41: {  	_ =	shalt  }
0x42: {  	_ =	shalt  }
0x43: {  	_ =	shalt  }
0x44: {  	_ =	shalt  }
0x45: {  	_ =	shalt  }
0x46: {  	_ =	shalt  }
0x47: {  	_ =	shalt  }
0x48: {  	_ =	shalt  }
0x49: {  	_ =	shalt  }
0x4a: {  	_ =	shalt  }
0x4b: {  	_ =	shalt  }
0x4c: {  	_ =	shalt  }
0x4d: {  	_ =	shalt  }
0x4e: {  	_ =	shalt  }
0x4f: {  	_ =	shalt  }
0x50: {  	_ =	shalt  }
0x51: {  	_ =	shalt  }
0x52: {  	_ =	shalt  }
0x53: {  	_ =	shalt  }
0x54: {  	_ =	shalt  }
0x55: {  	_ =	shalt  }
0x56: {  	_ =	shalt  }
0x57: {  	_ =	shalt  }
0x58: {  	_ =	shalt  }
0x59: {  	_ =	shalt  }
0x5a: {  	_ =	shalt  }
0x5b: {  	_ =	shalt  }
0x5c: {  	_ =	shalt  }
0x5d: {  	_ =	shalt  }
0x5e: {  	_ =	shalt  }
0x5f: {  	_ =	shalt  }
0x60: {  	_ =	shalt  }
0x61: {  	_ =	shalt  }
0x62: {  	_ =	shalt  }
0x63: {  	_ =	shalt  }
0x64: {  	_ =	shalt  }
0x65: {  	_ =	shalt  }
0x66: {  	_ =	shalt  }
0x67: {  	_ =	shalt  }
0x68: {  	_ =	shalt  }
0x69: {  	_ =	shalt  }
0x6a: {  	_ =	shalt  }
0x6b: {  	_ =	shalt  }
0x6c: {  	_ =	shalt  }
0x6d: {  	_ =	shalt  }
0x6e: {  	_ =	shalt  }
0x6f: {  	_ =	shalt  }
0x70: {  	_ =	shalt  }
0x71: {  	_ =	shalt  }
0x72: {  	_ =	shalt  }
0x73: {  	_ =	shalt  }
0x74: {  	_ =	shalt  }
0x75: {  	_ =	shalt  }
0x76: {  	_ =	shalt  }
0x77: {  	_ =	shalt  }
0x78: {  	_ =	shalt  }
0x79: {  	_ =	shalt  }
0x7a: {  	_ =	shalt  }
0x7b: {  	_ =	shalt  }
0x7c: {  	_ =	shalt  }
0x7d: {  	_ =	shalt  }
0x7e: {  	_ =	shalt  }
0x7f: {  	_ =	shalt  }
0x80: {  	_ =	shalt  }
0x81: {  	_ =	shalt  }
0x82: {  	_ =	shalt  }
0x83: {  	_ =	shalt  }
0x84: {  	_ =	shalt  }
0x85: {  	_ =	shalt  }
0x86: {  	_ =	shalt  }
0x87: {  	_ =	shalt  }
.Lfunc_end0:
.L_simem_size_0:
called_computation_lowered:
.L_overlay_start_0:
0x88: {  	s2 =	sld [smem:$0x3FD9]  }
0x89: {  	s3 =	sld [smem:$0x3FFE];
	_ =	sdelay $0x1  }
0x8a: {  	s1 =	srdreg.scid  }
0x8b: {  	s0 =	sand.u32 $0x1, s1  }
0x8c: {  	s17 =	sshll.u32 s0, $0xA;
	s2 =	sadd.s32 s3, s2  }
0x8d: {  	s2 =	sadd.s32 s2, s17  }
0x8e: {  	[smem:$0x3FC2] =	sst s2  }
0x8f: {  	_ = 	snop  }
0x90: {  	s2 =	sld [smem:$0x3FC6]  }
0x91: {  	s18 =	sld [smem:$0x3FC5];
	(tm) =	ssettm $0x1  }
0x92: {  	s4 =	sld [smem:$0x3FFB];
	_ =	sdelay $0x3  }
0x93: {  	_ =	strace s4  }
0x94: {  	s4 =	sld [smem:$0x3FFC];
	_ =	sdelay $0x3  }
0x95: {  	_ =	strace s4  }
0x96: {  	s4 =	sld [smem:$0x3FFD];
	_ =	sdelay $0x3  }
0x97: {  	_ =	strace s4  }
0x98: {  	_ =	strace $0x8FFFFFFF  }
0x99: {  	s19 =	sld [smem:$0x3FDB];
	_ =	sdelay $0x1  }
0x9a: {  	s5 =	simm.s32 $_scs_section_size  }
0x9b: {  	s6 =	simm.s32 $_size__tile_overlayer_lowered;
	s7 =	simm.s32 $_tile_overlayer_lowered  }
0x9c: {  	s22 =	simm.s32 $0x1BFF;
	s21 =	sshll.u32 s7, $0x1;
	s4 =	sadd.s32 s5, s19  }
0x9d: {  	s8 =	simm.s32 $0x0;
	s20 =	sshll.u32 s6, $0x1;
	s6 =	sadd.s32 s21, s4  }
0x9e: {  	[timem:s8], [sflag:s22] =	dma.local [hbm:s6], s20  }
0x9f: {  	_ =	swait.ge [sflag:s22], s20  }
0xa0: {  	s5 =	ssub.s32 $0x0, s20;
	[sflag:s22] =	ssyncset.done $0x0  }
0xa1: {  	[sflag:s22] =	ssyncadd.s32 s5;
	_ =	sdelay $0x1  }
0xa2: {  	s23 =	simm.s32 $0x1B8B  }
0xa3: {  	_ =	swait.ge [sflag:s23], $0x1  }
0xa4: {  	[sflag:s23] =	ssyncset.done $0x0  }
0xa5: {  	s25 =	simm.s32 $0x1B8E;
	s24 =	sld [smem:$0x3FFE];
	[sflag:s23] =	ssyncadd.s32 $0xFFFFFFFF  }
0xa6: {  	s26 =	simm.s32 $execute0_lowered;
	[smem:$0x3FD2] =	sst s25  }
0xa7: {  	s6 =	sshll.u32 s26, $0x1;
	_ =	strace $0x80000046;
	[dreg:$0x1] =	wrdreg $0xFFFFFFFF  }
0xa8: {  	s28 =	simm.s32 $_size_execute0_lowered;
	s4 =	sadd.s32 s4, s6;
	[dreg:$0x0] =	wrdreg $0x0  }
0xa9: {  	s6 =	sshll.u32 s28, $0x1;
	[dreg:$0x2] =	wrdreg s4  }
0xaa: {  	[dreg:$0x3] =	wrdreg s6  }
0xab: {  	[dreg:$0x4] =	wrdreg $0xC0  }
0xac: {  	_ =	task [dreg:s8], $0x5FFFF  }
0xad: {  	[dreg:$0x1] =	wrdreg $0xFFFFFFFF  }
0xae: {  	[dreg:$0x0] =	wrdreg $0x60  }
0xaf: {  	[dreg:$0x2] =	wrdreg s24  }
0xb0: {  	[dreg:$0x3] =	wrdreg s2  }
0xb1: {  	[dreg:$0x4] =	wrdreg s18  }
0xb2: {  	[dreg:$0x5] =	wrdreg $0x9  }
0xb3: {  	_ =	task.clear_ibuf [dreg:s8], $0x6FFFF;
	_ =	strace $0x90000046  }
0xb4: {  	s29 =	simm.s32 $0x9;
	_ =	strace $0x80000048  }
0xb5: {  	_ =	swait.ge [sflag:s29], $0x1  }
0xb6: {  	[sflag:s29] =	ssyncadd.s32 $0xFFFFFFFF  }
0xb7: {  	_ =	strace $0x90000048  }
0xb8: {  	_ =	sfence  }
0xb9: {  	s30 =	sld [smem:$0x0];
	_ =	sdelay $0x2  }
0xba: {  	s31 =	sshll.u32 s1, $0xD;
	s1 =	sshrl.u32 s1, $0x2  }
0xbb: {  	s3 =	sand.u32 $0x4000, s31;
	s1 =	sadd.s32 s1, s30  }
0xbc: {  	s0 =	sor.u32 s3, s0;
	s1 =	sshll.u32 s1, $0x11  }
0xbd: {  	s0 =	sor.u32 s1, s0  }
0xbe: {  	s0 =	sadd.s32 $0x8F2B, s0  }
0xbf: {  	[sflag:s0] =	ssyncadd.remote.s32 $0x1  }
0xc0: {  	_ =	sfence.sel $0xFFFF  }
0xc1: {  	[dreg:$0x0] =	wrdreg $0xFFFFFFFF;
	(pc) =	sbr.abs _section_cstart, $3  }
0xc2: {  	[dreg:$0x1] =	wrdreg $0xFFFFFFFF  }
0xc3: {  	_ =	task.clear_ibuf [dreg:s8], $0x2FFFF;
	_ =	strace $0x9FFFFFFF  }
0xc4: {  	(tm) =	ssettm $0x7FFFFFFF  }
0xc5: {  	_ =	shalt  }
tec
execute0_lowered:
.L_overlay_start_1:
0x0: {  	(tag) =	ssettag $0x1  }
0x1: {  	s0 =	rddreg [dreg:$0x0];
	s4 =	simm.s32 $0x0;
	s1 =	srdreg.scid  }
0x2: {  	s2 =	stileid.u32;
	s15 =	simm.s32 $0xEC80;
	s16 =	simm.s32 $0x5  }
0x3: {  	s18 =	simm.s32 $0x11880;
	s19 =	simm.s32 $0xE800;
	s20 =	simm.s32 $0xE900  }
0x4: {  	s21 =	simm.s32 $0x3;
	s22 =	simm.s32 $0x4;
	s23 =	simm.s32 $0x0  }
0x5: {  	[smem:$0x7FF] =	sst s4;
	s1 =	sand.u32 $0x1, s1;
	s2 =	sshll.u32 s2, $0x1  }
0x6: {  	s5 =	sadd.s32 $0x2800, s0;
	s6 =	sadd.s32 $0x1A00, s0;
	s2 =	sor.u32 s1, s2  }
0x7: {  	s7 =	sadd.s32 $0x6A800, s0;
	s9 =	sadd.s32 $0x6DC00, s0;
	s8 =	smul.u32 $0x340, s2  }
0x8: {  	v0 =	vlaneseq.u32;
	s10 =	sadd.s32 $0x6DE00, s0;
	s1 =	ssub.s32 $0x2, s1;
	s3 =	smul.u32 $0x3400, s2  }
0x9: {  	v1 =	vor.u32 $0x10, v0;
	_ =	strace $0x80000047;
	s30 =	sshrl.u32 s1, $0x1;
	s2 =	smul.u32 $0x1A0, s2  }
0xa: {  	v2 =	vor.u32 $0x20, v0;
	v3 =	vor.u32 $0x30, v0;
	v4 =	vor.u32 $0x40, v0;
	s0 =	ssub.s32 s1, s30;
	s11 =	sadd.s32 s5, s3;
	s31 =	sshrl.u32 s8, $0x3  }
0xb: {  	v5 =	vor.u32 $0x50, v0;
	v6 =	vor.u32 $0x60, v0;
	v7 =	vor.u32 $0x70, v0;
	s13 =	sadd.s32 s7, s2;
	s14 =	smax.u32 s0, $0x1;
	s12 =	sadd.s32 s6, s31  }
.LBB2_1:
0xc: {  	s0 =	rddreg [dreg:$0x1]  }
0xd: {  	[tilespmem:s15], [sflag:$0x5] =	stream.linear.gather [hbm4b:s0+s4], $0x1900, $0x38;
	[tilespmem:$0x11A80] =	vst v63  }
0xe: {  	_ =	swait.ge [sflag:s16], $0x1900  }
0xf: {  	[sflag:s16] =	ssyncset.done $0x0  }
0x10: {  	s30 =	simm.s32 $0x10880;
	[sflag:s16] =	ssyncadd.s32 $0xFFFFE700  }
0x11: {  	[tilespmem:s30], [sflag:$0x5] =	stream.linear.gather [hbm4b:s9+s4], $0xD00, $0x38;
	[tilespmem:$0x11A80] =	vst v63  }
0x12: {  	_ =	swait.ge [sflag:s16], $0xD00  }
0x13: {  	[sflag:s16] =	ssyncset.done $0x0  }
0x14: {  	[sflag:s16] =	ssyncadd.s32 $0xFFFFF300  }
0x15: {  	s31 =	rddreg [dreg:$0x2]  }
0x16: {  	[tilespmem:s18], [sflag:$0x5] =	stream.linear.gather [hbm4b:s31+s4], $0x200, $0x38;
	[tilespmem:$0x11A80] =	vst v63  }
0x17: {  	_ =	swait.ge [sflag:s16], $0x200  }
0x18: {  	[sflag:s16] =	ssyncset.done $0x0  }
0x19: {  	[sflag:s16] =	ssyncadd.s32 $0xFFFFFE00  }
0x1a: {  	v8 =	vld [tilespmem:$0x11880]  }
0x1b: {  	v9 =	vld [tilespmem:$0x11890]  }
0x1c: {  	v10 =	vld [tilespmem:$0x118A0]  }
0x1d: {  	v11 =	vld [tilespmem:$0x118B0]  }
0x1e: {  	v12 =	vld [tilespmem:$0x118C0]  }
0x1f: {  	v13 =	vld [tilespmem:$0x118D0]  }
0x20: {  	v14 =	vld [tilespmem:$0x118E0]  }
0x21: {  	v15 =	vld [tilespmem:$0x118F0]  }
0x22: {  	v16 =	vld [tilespmem:$0x11900]  }
0x23: {  	v17 =	vld [tilespmem:$0x11910]  }
0x24: {  	v18 =	vld [tilespmem:$0x11920]  }
0x25: {  	v19 =	vld [tilespmem:$0x11930]  }
0x26: {  	v20 =	vld [tilespmem:$0x11940]  }
0x27: {  	v21 =	vld [tilespmem:$0x11950]  }
0x28: {  	v22 =	vld [tilespmem:$0x11960]  }
0x29: {  	v23 =	vld [tilespmem:$0x11970]  }
0x2a: {  	v24 =	vld [tilespmem:$0x11980]  }
0x2b: {  	v25 =	vld [tilespmem:$0x11990]  }
0x2c: {  	v26 =	vld [tilespmem:$0x119A0]  }
0x2d: {  	v27 =	vld [tilespmem:$0x119B0]  }
0x2e: {  	v28 =	vld [tilespmem:$0x119C0]  }
0x2f: {  	v29 =	vld [tilespmem:$0x119D0]  }
0x30: {  	v30 =	vld [tilespmem:$0x119E0]  }
0x31: {  	v31 =	vld [tilespmem:$0x119F0]  }
0x32: {  	v32 =	vld [tilespmem:$0x11A00]  }
0x33: {  	v33 =	vld [tilespmem:$0x11A10]  }
0x34: {  	v34 =	vld [tilespmem:$0x11A20]  }
0x35: {  	v35 =	vld [tilespmem:$0x11A30]  }
0x36: {  	v36 =	vld [tilespmem:$0x11A40]  }
0x37: {  	v37 =	vld [tilespmem:$0x11A50]  }
0x38: {  	v38 =	vld [tilespmem:$0x11A60]  }
0x39: {  	v39 =	vld [tilespmem:$0x11A70];
	[tilespmem:s4], [sflag:$0x1] =	stream.linear.gather [hbm4b:s11+s4], $0x3400, $0x38  }
0x3a: {  	_ = 	snop  }
0x3b: {  	[tilespmem:s19], [sflag:$0x1] =	stream.linear.gather [hbm4b:s12+s4], $0x68, $0x38;
	[tilespmem:$0x11A80] =	vst v63  }
0x3c: {  	p0 =	por $0x0, $0x0;
	s26 =	simm.s32 $0x0  }
0x3d: {  	[tilespmem:s20], [sflag:$0x1] =	stream.linear.gather [hbm4b:s13+s4], $0x1A0, $0x38;
	[tilespmem:$0x11A80] =	vst v63  }
.LBB2_2:
0x3e: {  	p1 =	seq.s32 s26, $0x0  }
.Ltmp0:
0x3f: {  	_ = 	snop;
	(pc) =	sbr.rel @p1 .LBB2_5-.Ltmp0, $3  }
0x40: {  	_ =	sdelay $0x1  }
0x41: {  	s25 =	sand.u32 $0x1, s26  }
0x42: {  	s24 =	sadd.s32 $0x1, s26;
	s0 =	sxor.u32 $0x1, s25  }
0x43: {  	p1 =	seq.s32 s26, $0x7  }
.Ltmp1:
0x44: {  	_ = 	snop;
	(pc) =	sbr.rel @p1 .LBB2_6-.Ltmp1, $1  }
0x45: {  	_ =	sdelay $0x3  }
0x46: {  	s1 =	sadd.s32 $0x3, s0  }
0x47: {  	_ =	swait.ge [sflag:s1], $0x4000  }
0x48: {  	[sflag:s1] =	ssyncset.done $0x0  }
0x49: {  	[sflag:s1] =	ssyncadd.s32 $0xFFFFC000  }
.LBB2_5:
0x4a: {  	s1 =	smul.u32 $0x68, s24  }
0x4b: {  	s2 =	smul.u32 $0xD000, s0  }
0x4c: {  	s29 =	smul.u32 $0x1A0, s0  }
0x4d: {  	s31 =	smul.u32 $0x680, s0  }
0x4e: {  	s3 =	sadd.s32 $0x1, s0;
	s1 =	sadd.s32 s8, s1;
	s2 =	sshrl.u32 s2, $0x2  }
0x4f: {  	s29 =	sshrl.u32 s29, $0x2;
	s0 =	sshrl.u32 s31, $0x2;
	s28 =	sshll.u32 s1, $0x4  }
0x50: {  	s30 =	sshrl.u32 s1, $0x3;
	s1 =	sshrl.u32 s1, $0x1;
	s28 =	sadd.s32 s5, s28  }
0x51: {  	[tilespmem:s2], [sflag:s3] =	stream.linear.gather [hbm4b:s28+s4], $0x3400, $0x38;
	[tilespmem:$0x11A80] =	vst v63  }
0x52: {  	s1 =	sand.u32 $0x1FFFFFFC, s1;
	s2 =	sor.u32 $0xE800, s29;
	s28 =	sadd.s32 s6, s30  }
0x53: {  	[tilespmem:s2], [sflag:s3] =	stream.linear.gather [hbm4b:s28+s4], $0x68, $0x38;
	[tilespmem:$0x11A80] =	vst v63  }
0x54: {  	s0 =	sadd.s32 $0xE900, s0;
	s1 =	sadd.s32 s7, s1  }
0x55: {  	[tilespmem:s0], [sflag:s3] =	stream.linear.gather [hbm4b:s1+s4], $0x1A0, $0x38;
	[tilespmem:$0x11A80] =	vst v63  }
.LBB2_6:
0x56: {  	s1 =	sadd.s32 $0x1, s25  }
0x57: {  	_ =	swait.ge [sflag:s1], $0x3400  }
0x58: {  	s0 =	simm.s32 $0x1;
	[sflag:s1] =	ssyncset.done $0x0  }
0x59: {  	s0 =	simm.s32 @!p0 $0x0;
	[sflag:s1] =	ssyncadd.s32 $0xFFFFCC00  }
0x5a: {  	s17 =	sshll.u32 s25, $0xE;
	s2 =	smul.u32 $0x68, s0;
	_ =	swait.ge [sflag:s1], $0x68  }
0x5b: {  	s3 =	sshll.u32 s0, $0xE;
	s29 =	smul.u32 $0xD000, s0;
	[sflag:s1] =	ssyncset.done $0x0  }
0x5c: {  	s28 =	smul.u32 $0x1A0, s0;
	s30 =	sor.u32 $0x8800, s3;
	[sflag:s1] =	ssyncadd.s32 $0xFFFFFF98  }
0x5d: {  	s31 =	sadd.s32 $0x4E, s2;
	s3 =	sshrl.u32 s29, $0x2;
	_ =	swait.ge [sflag:s1], $0x1A0  }
0x5e: {  	s29 =	sadd.s32 $0x6800, s17;
	s2 =	simm.s32 $0x0;
	[sflag:s1] =	ssyncset.done $0x0  }
0x5f: {  	s0 =	sadd.s32 $0x1A00, s3;
	[sflag:s1] =	ssyncadd.s32 $0xFFFFFE60;
	s1 =	simm.s32 $0x108C0  }
.LBB2_7:
0x60: {  	s3 =	sadd.s32 $0xFFFFFFB2, s31  }
0x61: {  	v40 =	vmov s3;
	_ =	sdelay $0x4  }
0x62: {  	v40 =	vld.idx.msk [tilespmem:v40+s19+$0x0], $0xffff  }
0x63: {  	s3 =	sadd.s32 s2, s28  }
0x64: {  	v41 =	vmov s3  }
0x65: {  	v41 =	vand.u32 $0xFFFFFFFC, v41  }
0x66: {  	s17 =	sadd.s32 $0x1, s3;
	v41 =	vbroadcast v41, $0x0  }
0x67: {  	v42 =	vmov s17;
	v48 =	vshll.u32 v40, $0x7  }
0x68: {  	s17 =	sadd.s32 $0x2, s3;
	v60 =	vand.u32 $0xFFFFFFFD, v42;
	v61 =	vor.u32 v0, v48  }
0x69: {  	v43 =	vmov s17;
	v40 =	vbroadcast v60, $0x0  }
0x6a: {  	v43 =	vand.u32 $0xFFFFFFFE, v43  }
0x6b: {  	v47 =	vld [tilespmem:s1+$0xFFFFFFC0];
	v43 =	vbroadcast v43, $0x0  }
0x6c: {  	v49 =	vld.idx.msk [tilespmem:v41+s20+$0x0], $0xffff  }
0x6d: {  	s17 =	sadd.s32 $0x3, s3;
	v62 =	vld.idx.msk [tilespmem:v61+s15+$0x0], $0xffff  }
0x6e: {  	v63 =	vmov s17  }
0x6f: {  	v50 =	vld.idx.msk [tilespmem:v40+s20+$0x0], $0xffff;
	_ =	sdelay $0x1  }
0x70: {  	v51 =	vld.idx.msk [tilespmem:v43+s20+$0x0], $0xffff  }
0x71: {  	v46 =	vmul.f32 v49, v8;
	v45 =	vadd.f32 v62, v47  }
0x72: {  	v52 =	vld.idx.msk [tilespmem:v63+s20+$0x0], $0xffff  }
0x73: {  	v55 =	vmul.f32 v50, v16;
	v40 =	vadd.f32 v45, v46;
	_ =	sdelay $0x1  }
0x74: {  	v56 =	vmul.f32 v51, v24;
	v40 =	vadd.f32 v40, v55  }
0x75: {  	v53 =	vld [tilespmem:s0+$0xFFFFE600]  }
0x76: {  	v44 =	vld [tilespmem:s1+$0xFFFFFFF0];
	v57 =	vmul.f32 v52, v32;
	v40 =	vadd.f32 v40, v56  }
0x77: {  	v42 =	vld [tilespmem:s1+$0x10]  }
0x78: {  	v41 =	vld [tilespmem:s1+$0x20];
	v54 =	vor.u32 v1, v48;
	v40 =	vadd.f32 v40, v57  }
0x79: {  	v43 =	vld [tilespmem:s1+$0x0]  }
0x7a: {  	v46 =	vld [tilespmem:s1+$0xFFFFFFD0];
	v53 =	vadd.f32 v40, v53  }
0x7b: {  	v45 =	vld [tilespmem:s1+$0xFFFFFFE0]  }
0x7c: {  	v40 =	vld [tilespmem:s1+$0x30];
	[tilespmem:s30+$0xFFFFE000] =	vst v53  }
0x7d: {  	v53 =	vld.idx.msk [tilespmem:v54+s15+$0x0], $0xffff;
	_ =	sdelay $0x4  }
0x7e: {  	v58 =	vmul.f32 v49, v9;
	v53 =	vadd.f32 v53, v46;
	_ =	sdelay $0x1  }
0x7f: {  	v59 =	vmul.f32 v50, v17;
	v53 =	vadd.f32 v53, v58;
	_ =	sdelay $0x1  }
0x80: {  	v60 =	vmul.f32 v51, v25;
	v53 =	vadd.f32 v53, v59  }
0x81: {  	v55 =	vld [tilespmem:s0+$0xFFFFE610]  }
0x82: {  	v61 =	vmul.f32 v52, v33;
	v53 =	vadd.f32 v53, v60;
	_ =	sdelay $0x1  }
0x83: {  	v62 =	vor.u32 v2, v48;
	v53 =	vadd.f32 v53, v61;
	_ =	sdelay $0x1  }
0x84: {  	v53 =	vadd.f32 v53, v55;
	_ =	sdelay $0x1  }
0x85: {  	[tilespmem:s30+$0xFFFFE010] =	vst v53  }
0x86: {  	v53 =	vld.idx.msk [tilespmem:v62+s15+$0x0], $0xffff;
	_ =	sdelay $0x4  }
0x87: {  	v63 =	vmul.f32 v49, v10;
	v53 =	vadd.f32 v53, v45;
	_ =	sdelay $0x1  }
0x88: {  	v57 =	vmul.f32 v50, v18;
	v53 =	vadd.f32 v53, v63;
	_ =	sdelay $0x1  }
0x89: {  	v58 =	vmul.f32 v51, v26;
	v53 =	vadd.f32 v53, v57  }
0x8a: {  	v59 =	vld [tilespmem:s0+$0xFFFFE620]  }
0x8b: {  	v60 =	vmul.f32 v52, v34;
	v53 =	vadd.f32 v53, v58;
	_ =	sdelay $0x1  }
0x8c: {  	v61 =	vor.u32 v3, v48;
	v53 =	vadd.f32 v53, v60;
	_ =	sdelay $0x1  }
0x8d: {  	v53 =	vadd.f32 v53, v59;
	_ =	sdelay $0x1  }
0x8e: {  	[tilespmem:s30+$0xFFFFE020] =	vst v53  }
0x8f: {  	v53 =	vld.idx.msk [tilespmem:v61+s15+$0x0], $0xffff;
	_ =	sdelay $0x4  }
0x90: {  	v62 =	vmul.f32 v49, v11;
	v53 =	vadd.f32 v53, v44;
	_ =	sdelay $0x1  }
0x91: {  	v63 =	vmul.f32 v50, v19;
	v53 =	vadd.f32 v53, v62;
	_ =	sdelay $0x1  }
0x92: {  	v57 =	vmul.f32 v51, v27;
	v53 =	vadd.f32 v53, v63  }
0x93: {  	v58 =	vld [tilespmem:s0+$0xFFFFE630]  }
0x94: {  	v59 =	vmul.f32 v52, v35;
	v53 =	vadd.f32 v53, v57;
	_ =	sdelay $0x1  }
0x95: {  	v60 =	vor.u32 v4, v48;
	v53 =	vadd.f32 v53, v59;
	_ =	sdelay $0x1  }
0x96: {  	v53 =	vadd.f32 v53, v58;
	_ =	sdelay $0x1  }
0x97: {  	[tilespmem:s30+$0xFFFFE030] =	vst v53  }
0x98: {  	v53 =	vld.idx.msk [tilespmem:v60+s15+$0x0], $0xffff;
	_ =	sdelay $0x4  }
0x99: {  	v61 =	vmul.f32 v49, v12;
	v53 =	vadd.f32 v53, v43;
	_ =	sdelay $0x1  }
0x9a: {  	v62 =	vmul.f32 v50, v20;
	v53 =	vadd.f32 v53, v61;
	_ =	sdelay $0x1  }
0x9b: {  	v63 =	vmul.f32 v51, v28;
	v53 =	vadd.f32 v53, v62  }
0x9c: {  	v57 =	vld [tilespmem:s0+$0xFFFFE640]  }
0x9d: {  	v58 =	vmul.f32 v52, v36;
	v53 =	vadd.f32 v53, v63;
	_ =	sdelay $0x1  }
0x9e: {  	v59 =	vor.u32 v5, v48;
	v53 =	vadd.f32 v53, v58;
	_ =	sdelay $0x1  }
0x9f: {  	v53 =	vadd.f32 v53, v57;
	_ =	sdelay $0x1  }
0xa0: {  	[tilespmem:s30+$0xFFFFE040] =	vst v53  }
0xa1: {  	v53 =	vld.idx.msk [tilespmem:v59+s15+$0x0], $0xffff;
	_ =	sdelay $0x4  }
0xa2: {  	v60 =	vmul.f32 v49, v13;
	v53 =	vadd.f32 v53, v42;
	_ =	sdelay $0x1  }
0xa3: {  	v61 =	vmul.f32 v50, v21;
	v53 =	vadd.f32 v53, v60;
	_ =	sdelay $0x1  }
0xa4: {  	v62 =	vmul.f32 v51, v29;
	v53 =	vadd.f32 v53, v61  }
0xa5: {  	v63 =	vld [tilespmem:s0+$0xFFFFE650]  }
0xa6: {  	v57 =	vmul.f32 v52, v37;
	v53 =	vadd.f32 v53, v62;
	_ =	sdelay $0x1  }
0xa7: {  	v58 =	vor.u32 v6, v48;
	v53 =	vadd.f32 v53, v57;
	_ =	sdelay $0x1  }
0xa8: {  	v53 =	vadd.f32 v53, v63;
	_ =	sdelay $0x1  }
0xa9: {  	[tilespmem:s30+$0xFFFFE050] =	vst v53  }
0xaa: {  	v53 =	vld.idx.msk [tilespmem:v58+s15+$0x0], $0xffff;
	_ =	sdelay $0x4  }
0xab: {  	v59 =	vmul.f32 v49, v14;
	v53 =	vadd.f32 v53, v41;
	_ =	sdelay $0x1  }
0xac: {  	v60 =	vmul.f32 v50, v22;
	v53 =	vadd.f32 v53, v59;
	_ =	sdelay $0x1  }
0xad: {  	v61 =	vmul.f32 v51, v30;
	v53 =	vadd.f32 v53, v60  }
0xae: {  	v62 =	vld [tilespmem:s0+$0xFFFFE660]  }
0xaf: {  	v63 =	vmul.f32 v52, v38;
	v53 =	vadd.f32 v53, v61;
	_ =	sdelay $0x1  }
0xb0: {  	v48 =	vor.u32 v7, v48;
	v53 =	vadd.f32 v53, v63;
	_ =	sdelay $0x1  }
0xb1: {  	v53 =	vadd.f32 v53, v62;
	_ =	sdelay $0x1  }
0xb2: {  	[tilespmem:s30+$0xFFFFE060] =	vst v53  }
0xb3: {  	v48 =	vld.idx.msk [tilespmem:v48+s15+$0x0], $0xffff;
	_ =	sdelay $0x4  }
0xb4: {  	v49 =	vmul.f32 v49, v15;
	v48 =	vadd.f32 v48, v40;
	_ =	sdelay $0x1  }
0xb5: {  	v54 =	vmul.f32 v50, v23;
	v48 =	vadd.f32 v48, v49;
	_ =	sdelay $0x1  }
0xb6: {  	v55 =	vmul.f32 v51, v31;
	v48 =	vadd.f32 v48, v54  }
0xb7: {  	v56 =	vld [tilespmem:s0+$0xFFFFE670]  }
0xb8: {  	v57 =	vmul.f32 v52, v39;
	v48 =	vadd.f32 v48, v55  }
0xb9: {  	s17 =	sadd.s32 $0xFFFFFFCC, s31  }
0xba: {  	v58 =	vmov s17;
	v48 =	vadd.f32 v48, v57;
	_ =	sdelay $0x1  }
0xbb: {  	v48 =	vadd.f32 v48, v56;
	_ =	sdelay $0x1  }
0xbc: {  	[tilespmem:s30+$0xFFFFE070] =	vst v48  }
0xbd: {  	v48 =	vld.idx.msk [tilespmem:v58+s19+$0x0], $0xffff  }
0xbe: {  	s17 =	sadd.s32 $0x68, s3  }
0xbf: {  	v59 =	vmov s17  }
0xc0: {  	v49 =	vand.u32 $0xFFFFFFFC, v59  }
0xc1: {  	s17 =	sadd.s32 $0x69, s3;
	v49 =	vbroadcast v49, $0x0  }
0xc2: {  	v60 =	vmov s17;
	v48 =	vshll.u32 v48, $0x7  }
0xc3: {  	s17 =	sadd.s32 $0x6A, s3;
	v50 =	vand.u32 $0xFFFFFFFD, v60;
	v61 =	vor.u32 v0, v48  }
0xc4: {  	v50 =	vbroadcast v50, $0x0;
	v62 =	vmov s17  }
0xc5: {  	v52 =	vand.u32 $0xFFFFFFFE, v62  }
0xc6: {  	v52 =	vbroadcast v52, $0x0  }
0xc7: {  	v49 =	vld.idx.msk [tilespmem:v49+s20+$0x0], $0xffff  }
0xc8: {  	s17 =	sadd.s32 $0x6B, s3;
	v51 =	vld.idx.msk [tilespmem:v61+s15+$0x0], $0xffff  }
0xc9: {  	v63 =	vmov s17  }
0xca: {  	v50 =	vld.idx.msk [tilespmem:v50+s20+$0x0], $0xffff;
	_ =	sdelay $0x1  }
0xcb: {  	v52 =	vld.idx.msk [tilespmem:v52+s20+$0x0], $0xffff  }
0xcc: {  	v57 =	vmul.f32 v49, v8;
	v51 =	vadd.f32 v51, v47  }
0xcd: {  	v53 =	vld.idx.msk [tilespmem:v63+s20+$0x0], $0xffff  }
0xce: {  	v58 =	vmul.f32 v50, v16;
	v51 =	vadd.f32 v51, v57;
	_ =	sdelay $0x1  }
0xcf: {  	v59 =	vmul.f32 v52, v24;
	v51 =	vadd.f32 v51, v58  }
0xd0: {  	v60 =	vld [tilespmem:s0+$0xFFFFF300]  }
0xd1: {  	v61 =	vmul.f32 v53, v32;
	v51 =	vadd.f32 v51, v59;
	_ =	sdelay $0x1  }
0xd2: {  	v62 =	vor.u32 v1, v48;
	v51 =	vadd.f32 v51, v61;
	_ =	sdelay $0x1  }
0xd3: {  	v51 =	vadd.f32 v51, v60;
	_ =	sdelay $0x1  }
0xd4: {  	[tilespmem:s30+$0xFFFFF000] =	vst v51  }
0xd5: {  	v51 =	vld.idx.msk [tilespmem:v62+s15+$0x0], $0xffff;
	_ =	sdelay $0x4  }
0xd6: {  	v63 =	vmul.f32 v49, v9;
	v51 =	vadd.f32 v51, v46;
	_ =	sdelay $0x1  }
0xd7: {  	v57 =	vmul.f32 v50, v17;
	v51 =	vadd.f32 v51, v63;
	_ =	sdelay $0x1  }
0xd8: {  	v58 =	vmul.f32 v52, v25;
	v51 =	vadd.f32 v51, v57  }
0xd9: {  	v59 =	vld [tilespmem:s0+$0xFFFFF310]  }
0xda: {  	v60 =	vmul.f32 v53, v33;
	v51 =	vadd.f32 v51, v58;
	_ =	sdelay $0x1  }
0xdb: {  	v61 =	vor.u32 v2, v48;
	v51 =	vadd.f32 v51, v60;
	_ =	sdelay $0x1  }
0xdc: {  	v51 =	vadd.f32 v51, v59;
	_ =	sdelay $0x1  }
0xdd: {  	[tilespmem:s30+$0xFFFFF010] =	vst v51  }
0xde: {  	v51 =	vld.idx.msk [tilespmem:v61+s15+$0x0], $0xffff;
	_ =	sdelay $0x4  }
0xdf: {  	v62 =	vmul.f32 v49, v10;
	v51 =	vadd.f32 v51, v45;
	_ =	sdelay $0x1  }
0xe0: {  	v63 =	vmul.f32 v50, v18;
	v51 =	vadd.f32 v51, v62;
	_ =	sdelay $0x1  }
0xe1: {  	v57 =	vmul.f32 v52, v26;
	v51 =	vadd.f32 v51, v63  }
0xe2: {  	v58 =	vld [tilespmem:s0+$0xFFFFF320]  }
0xe3: {  	v59 =	vmul.f32 v53, v34;
	v51 =	vadd.f32 v51, v57;
	_ =	sdelay $0x1  }
0xe4: {  	v60 =	vor.u32 v3, v48;
	v51 =	vadd.f32 v51, v59;
	_ =	sdelay $0x1  }
0xe5: {  	v51 =	vadd.f32 v51, v58;
	_ =	sdelay $0x1  }
0xe6: {  	[tilespmem:s30+$0xFFFFF020] =	vst v51  }
0xe7: {  	v51 =	vld.idx.msk [tilespmem:v60+s15+$0x0], $0xffff;
	_ =	sdelay $0x4  }
0xe8: {  	v61 =	vmul.f32 v49, v11;
	v51 =	vadd.f32 v51, v44;
	_ =	sdelay $0x1  }
0xe9: {  	v62 =	vmul.f32 v50, v19;
	v51 =	vadd.f32 v51, v61;
	_ =	sdelay $0x1  }
0xea: {  	v63 =	vmul.f32 v52, v27;
	v51 =	vadd.f32 v51, v62  }
0xeb: {  	v57 =	vld [tilespmem:s0+$0xFFFFF330]  }
0xec: {  	v58 =	vmul.f32 v53, v35;
	v51 =	vadd.f32 v51, v63;
	_ =	sdelay $0x1  }
0xed: {  	v59 =	vor.u32 v4, v48;
	v51 =	vadd.f32 v51, v58;
	_ =	sdelay $0x1  }
0xee: {  	v51 =	vadd.f32 v51, v57;
	_ =	sdelay $0x1  }
0xef: {  	[tilespmem:s30+$0xFFFFF030] =	vst v51  }
0xf0: {  	v51 =	vld.idx.msk [tilespmem:v59+s15+$0x0], $0xffff;
	_ =	sdelay $0x4  }
0xf1: {  	v60 =	vmul.f32 v49, v12;
	v51 =	vadd.f32 v51, v43;
	_ =	sdelay $0x1  }
0xf2: {  	v61 =	vmul.f32 v50, v20;
	v51 =	vadd.f32 v51, v60;
	_ =	sdelay $0x1  }
0xf3: {  	v62 =	vmul.f32 v52, v28;
	v51 =	vadd.f32 v51, v61  }
0xf4: {  	v63 =	vld [tilespmem:s0+$0xFFFFF340]  }
0xf5: {  	v57 =	vmul.f32 v53, v36;
	v51 =	vadd.f32 v51, v62;
	_ =	sdelay $0x1  }
0xf6: {  	v58 =	vor.u32 v5, v48;
	v51 =	vadd.f32 v51, v57;
	_ =	sdelay $0x1  }
0xf7: {  	v51 =	vadd.f32 v51, v63;
	_ =	sdelay $0x1  }
0xf8: {  	[tilespmem:s30+$0xFFFFF040] =	vst v51  }
0xf9: {  	v51 =	vld.idx.msk [tilespmem:v58+s15+$0x0], $0xffff;
	_ =	sdelay $0x4  }
0xfa: {  	v59 =	vmul.f32 v49, v13;
	v51 =	vadd.f32 v51, v42;
	_ =	sdelay $0x1  }
0xfb: {  	v60 =	vmul.f32 v50, v21;
	v51 =	vadd.f32 v51, v59;
	_ =	sdelay $0x1  }
0xfc: {  	v61 =	vmul.f32 v52, v29;
	v51 =	vadd.f32 v51, v60  }
0xfd: {  	v62 =	vld [tilespmem:s0+$0xFFFFF350]  }
0xfe: {  	v63 =	vmul.f32 v53, v37;
	v51 =	vadd.f32 v51, v61;
	_ =	sdelay $0x1  }
0xff: {  	v57 =	vor.u32 v6, v48;
	v51 =	vadd.f32 v51, v63;
	_ =	sdelay $0x1  }
0x100: {  	v51 =	vadd.f32 v51, v62;
	_ =	sdelay $0x1  }
0x101: {  	[tilespmem:s30+$0xFFFFF050] =	vst v51  }
0x102: {  	v51 =	vld.idx.msk [tilespmem:v57+s15+$0x0], $0xffff;
	_ =	sdelay $0x4  }
0x103: {  	v58 =	vmul.f32 v49, v14;
	v51 =	vadd.f32 v51, v41;
	_ =	sdelay $0x1  }
0x104: {  	v59 =	vmul.f32 v50, v22;
	v51 =	vadd.f32 v51, v58;
	_ =	sdelay $0x1  }
0x105: {  	v60 =	vmul.f32 v52, v30;
	v51 =	vadd.f32 v51, v59  }
0x106: {  	v61 =	vld [tilespmem:s0+$0xFFFFF360]  }
0x107: {  	v62 =	vmul.f32 v53, v38;
	v51 =	vadd.f32 v51, v60;
	_ =	sdelay $0x1  }
0x108: {  	v48 =	vor.u32 v7, v48;
	v51 =	vadd.f32 v51, v62;
	_ =	sdelay $0x1  }
0x109: {  	v51 =	vadd.f32 v51, v61;
	_ =	sdelay $0x1  }
0x10a: {  	[tilespmem:s30+$0xFFFFF060] =	vst v51  }
0x10b: {  	v48 =	vld.idx.msk [tilespmem:v48+s15+$0x0], $0xffff;
	_ =	sdelay $0x4  }
0x10c: {  	v49 =	vmul.f32 v49, v15;
	v48 =	vadd.f32 v48, v40;
	_ =	sdelay $0x1  }
0x10d: {  	v63 =	vmul.f32 v50, v23;
	v48 =	vadd.f32 v48, v49;
	_ =	sdelay $0x1  }
0x10e: {  	v54 =	vmul.f32 v52, v31;
	v48 =	vadd.f32 v48, v63  }
0x10f: {  	v55 =	vld [tilespmem:s0+$0xFFFFF370]  }
0x110: {  	v56 =	vmul.f32 v53, v39;
	v48 =	vadd.f32 v48, v54  }
0x111: {  	s17 =	sadd.s32 $0xFFFFFFE6, s31  }
0x112: {  	v57 =	vmov s17;
	v48 =	vadd.f32 v48, v56;
	_ =	sdelay $0x1  }
0x113: {  	v48 =	vadd.f32 v48, v55;
	_ =	sdelay $0x1  }
0x114: {  	[tilespmem:s30+$0xFFFFF070] =	vst v48  }
0x115: {  	v48 =	vld.idx.msk [tilespmem:v57+s19+$0x0], $0xffff  }
0x116: {  	s17 =	sadd.s32 $0xD0, s3  }
0x117: {  	v58 =	vmov s17  }
0x118: {  	v49 =	vand.u32 $0xFFFFFFFC, v58  }
0x119: {  	s17 =	sadd.s32 $0xD1, s3;
	v49 =	vbroadcast v49, $0x0  }
0x11a: {  	v59 =	vmov s17;
	v48 =	vshll.u32 v48, $0x7  }
0x11b: {  	s17 =	sadd.s32 $0xD2, s3;
	v50 =	vand.u32 $0xFFFFFFFD, v59;
	v60 =	vor.u32 v0, v48  }
0x11c: {  	v50 =	vbroadcast v50, $0x0;
	v61 =	vmov s17  }
0x11d: {  	v52 =	vand.u32 $0xFFFFFFFE, v61  }
0x11e: {  	v52 =	vbroadcast v52, $0x0  }
0x11f: {  	v49 =	vld.idx.msk [tilespmem:v49+s20+$0x0], $0xffff  }
0x120: {  	s17 =	sadd.s32 $0xD3, s3;
	v51 =	vld.idx.msk [tilespmem:v60+s15+$0x0], $0xffff  }
0x121: {  	v62 =	vmov s17  }
0x122: {  	v50 =	vld.idx.msk [tilespmem:v50+s20+$0x0], $0xffff;
	_ =	sdelay $0x1  }
0x123: {  	v52 =	vld.idx.msk [tilespmem:v52+s20+$0x0], $0xffff  }
0x124: {  	v63 =	vmul.f32 v49, v8;
	v51 =	vadd.f32 v51, v47  }
0x125: {  	v53 =	vld.idx.msk [tilespmem:v62+s20+$0x0], $0xffff  }
0x126: {  	v57 =	vmul.f32 v50, v16;
	v51 =	vadd.f32 v51, v63;
	_ =	sdelay $0x1  }
0x127: {  	v58 =	vmul.f32 v52, v24;
	v51 =	vadd.f32 v51, v57  }
0x128: {  	v59 =	vld [tilespmem:s0+$0x0]  }
0x129: {  	v60 =	vmul.f32 v53, v32;
	v51 =	vadd.f32 v51, v58;
	_ =	sdelay $0x1  }
0x12a: {  	v61 =	vor.u32 v1, v48;
	v51 =	vadd.f32 v51, v60;
	_ =	sdelay $0x1  }
0x12b: {  	v51 =	vadd.f32 v51, v59;
	_ =	sdelay $0x1  }
0x12c: {  	[tilespmem:s30+$0x0] =	vst v51  }
0x12d: {  	v51 =	vld.idx.msk [tilespmem:v61+s15+$0x0], $0xffff;
	_ =	sdelay $0x4  }
0x12e: {  	v62 =	vmul.f32 v49, v9;
	v51 =	vadd.f32 v51, v46;
	_ =	sdelay $0x1  }
0x12f: {  	v63 =	vmul.f32 v50, v17;
	v51 =	vadd.f32 v51, v62;
	_ =	sdelay $0x1  }
0x130: {  	v57 =	vmul.f32 v52, v25;
	v51 =	vadd.f32 v51, v63  }
0x131: {  	v58 =	vld [tilespmem:s0+$0x10]  }
0x132: {  	v59 =	vmul.f32 v53, v33;
	v51 =	vadd.f32 v51, v57;
	_ =	sdelay $0x1  }
0x133: {  	v60 =	vor.u32 v2, v48;
	v51 =	vadd.f32 v51, v59;
	_ =	sdelay $0x1  }
0x134: {  	v51 =	vadd.f32 v51, v58;
	_ =	sdelay $0x1  }
0x135: {  	[tilespmem:s30+$0x10] =	vst v51  }
0x136: {  	v51 =	vld.idx.msk [tilespmem:v60+s15+$0x0], $0xffff;
	_ =	sdelay $0x4  }
0x137: {  	v61 =	vmul.f32 v49, v10;
	v51 =	vadd.f32 v51, v45;
	_ =	sdelay $0x1  }
0x138: {  	v62 =	vmul.f32 v50, v18;
	v51 =	vadd.f32 v51, v61;
	_ =	sdelay $0x1  }
0x139: {  	v63 =	vmul.f32 v52, v26;
	v51 =	vadd.f32 v51, v62  }
0x13a: {  	v57 =	vld [tilespmem:s0+$0x20]  }
0x13b: {  	v58 =	vmul.f32 v53, v34;
	v51 =	vadd.f32 v51, v63;
	_ =	sdelay $0x1  }
0x13c: {  	v59 =	vor.u32 v3, v48;
	v51 =	vadd.f32 v51, v58;
	_ =	sdelay $0x1  }
0x13d: {  	v51 =	vadd.f32 v51, v57;
	_ =	sdelay $0x1  }
0x13e: {  	[tilespmem:s30+$0x20] =	vst v51  }
0x13f: {  	v51 =	vld.idx.msk [tilespmem:v59+s15+$0x0], $0xffff;
	_ =	sdelay $0x4  }
0x140: {  	v60 =	vmul.f32 v49, v11;
	v51 =	vadd.f32 v51, v44;
	_ =	sdelay $0x1  }
0x141: {  	v61 =	vmul.f32 v50, v19;
	v51 =	vadd.f32 v51, v60;
	_ =	sdelay $0x1  }
0x142: {  	v62 =	vmul.f32 v52, v27;
	v51 =	vadd.f32 v51, v61  }
0x143: {  	v63 =	vld [tilespmem:s0+$0x30]  }
0x144: {  	v57 =	vmul.f32 v53, v35;
	v51 =	vadd.f32 v51, v62;
	_ =	sdelay $0x1  }
0x145: {  	v58 =	vor.u32 v4, v48;
	v51 =	vadd.f32 v51, v57;
	_ =	sdelay $0x1  }
0x146: {  	v51 =	vadd.f32 v51, v63;
	_ =	sdelay $0x1  }
0x147: {  	[tilespmem:s30+$0x30] =	vst v51  }
0x148: {  	v51 =	vld.idx.msk [tilespmem:v58+s15+$0x0], $0xffff;
	_ =	sdelay $0x4  }
0x149: {  	v59 =	vmul.f32 v49, v12;
	v51 =	vadd.f32 v51, v43;
	_ =	sdelay $0x1  }
0x14a: {  	v60 =	vmul.f32 v50, v20;
	v51 =	vadd.f32 v51, v59;
	_ =	sdelay $0x1  }
0x14b: {  	v61 =	vmul.f32 v52, v28;
	v51 =	vadd.f32 v51, v60  }
0x14c: {  	v62 =	vld [tilespmem:s0+$0x40]  }
0x14d: {  	v63 =	vmul.f32 v53, v36;
	v51 =	vadd.f32 v51, v61;
	_ =	sdelay $0x1  }
0x14e: {  	v57 =	vor.u32 v5, v48;
	v51 =	vadd.f32 v51, v63;
	_ =	sdelay $0x1  }
0x14f: {  	v51 =	vadd.f32 v51, v62;
	_ =	sdelay $0x1  }
0x150: {  	[tilespmem:s30+$0x40] =	vst v51  }
0x151: {  	v51 =	vld.idx.msk [tilespmem:v57+s15+$0x0], $0xffff;
	_ =	sdelay $0x4  }
0x152: {  	v58 =	vmul.f32 v49, v13;
	v51 =	vadd.f32 v51, v42;
	_ =	sdelay $0x1  }
0x153: {  	v59 =	vmul.f32 v50, v21;
	v51 =	vadd.f32 v51, v58;
	_ =	sdelay $0x1  }
0x154: {  	v60 =	vmul.f32 v52, v29;
	v51 =	vadd.f32 v51, v59  }
0x155: {  	v61 =	vld [tilespmem:s0+$0x50]  }
0x156: {  	v62 =	vmul.f32 v53, v37;
	v51 =	vadd.f32 v51, v60;
	_ =	sdelay $0x1  }
0x157: {  	v63 =	vor.u32 v6, v48;
	v51 =	vadd.f32 v51, v62;
	_ =	sdelay $0x1  }
0x158: {  	v51 =	vadd.f32 v51, v61;
	_ =	sdelay $0x1  }
0x159: {  	[tilespmem:s30+$0x50] =	vst v51  }
0x15a: {  	v51 =	vld.idx.msk [tilespmem:v63+s15+$0x0], $0xffff;
	_ =	sdelay $0x4  }
0x15b: {  	v57 =	vmul.f32 v49, v14;
	v51 =	vadd.f32 v51, v41;
	_ =	sdelay $0x1  }
0x15c: {  	v58 =	vmul.f32 v50, v22;
	v51 =	vadd.f32 v51, v57;
	_ =	sdelay $0x1  }
0x15d: {  	v59 =	vmul.f32 v52, v30;
	v51 =	vadd.f32 v51, v58  }
0x15e: {  	v60 =	vld [tilespmem:s0+$0x60]  }
0x15f: {  	v61 =	vmul.f32 v53, v38;
	v51 =	vadd.f32 v51, v59;
	_ =	sdelay $0x1  }
0x160: {  	v48 =	vor.u32 v7, v48;
	v51 =	vadd.f32 v51, v61;
	_ =	sdelay $0x1  }
0x161: {  	v51 =	vadd.f32 v51, v60;
	_ =	sdelay $0x1  }
0x162: {  	[tilespmem:s30+$0x60] =	vst v51  }
0x163: {  	v48 =	vld.idx.msk [tilespmem:v48+s15+$0x0], $0xffff;
	_ =	sdelay $0x4  }
0x164: {  	v49 =	vmul.f32 v49, v15;
	v48 =	vadd.f32 v48, v40;
	_ =	sdelay $0x1  }
0x165: {  	v62 =	vmul.f32 v50, v23;
	v48 =	vadd.f32 v48, v49;
	_ =	sdelay $0x1  }
0x166: {  	v63 =	vmul.f32 v52, v31;
	v48 =	vadd.f32 v48, v62  }
0x167: {  	v52 =	vld [tilespmem:s0+$0x70]  }
0x168: {  	v53 =	vmul.f32 v53, v39;
	v48 =	vadd.f32 v48, v63;
	_ =	sdelay $0x1  }
0x169: {  	v54 =	vmov s31;
	v48 =	vadd.f32 v48, v53;
	_ =	sdelay $0x1  }
0x16a: {  	v48 =	vadd.f32 v48, v52;
	_ =	sdelay $0x1  }
0x16b: {  	[tilespmem:s30+$0x70] =	vst v48  }
0x16c: {  	v48 =	vld.idx.msk [tilespmem:v54+s19+$0x0], $0xffff  }
0x16d: {  	s17 =	sadd.s32 $0x138, s3  }
0x16e: {  	v55 =	vmov s17  }
0x16f: {  	v49 =	vand.u32 $0xFFFFFFFC, v55  }
0x170: {  	s17 =	sadd.s32 $0x139, s3;
	v49 =	vbroadcast v49, $0x0  }
0x171: {  	v56 =	vmov s17;
	v48 =	vshll.u32 v48, $0x7  }
0x172: {  	s17 =	sadd.s32 $0x13A, s3;
	v50 =	vand.u32 $0xFFFFFFFD, v56;
	v57 =	vor.u32 v0, v48  }
0x173: {  	v50 =	vbroadcast v50, $0x0;
	v58 =	vmov s17  }
0x174: {  	v52 =	vand.u32 $0xFFFFFFFE, v58  }
0x175: {  	v52 =	vbroadcast v52, $0x0  }
0x176: {  	v49 =	vld.idx.msk [tilespmem:v49+s20+$0x0], $0xffff  }
0x177: {  	s3 =	sadd.s32 $0x13B, s3;
	v51 =	vld.idx.msk [tilespmem:v57+s15+$0x0], $0xffff  }
0x178: {  	v59 =	vmov s3  }
0x179: {  	v50 =	vld.idx.msk [tilespmem:v50+s20+$0x0], $0xffff;
	_ =	sdelay $0x1  }
0x17a: {  	v52 =	vld.idx.msk [tilespmem:v52+s20+$0x0], $0xffff  }
0x17b: {  	v60 =	vmul.f32 v49, v8;
	v47 =	vadd.f32 v51, v47  }
0x17c: {  	v53 =	vld.idx.msk [tilespmem:v59+s20+$0x0], $0xffff  }
0x17d: {  	v61 =	vmul.f32 v50, v16;
	v47 =	vadd.f32 v47, v60;
	_ =	sdelay $0x1  }
0x17e: {  	v62 =	vmul.f32 v52, v24;
	v47 =	vadd.f32 v47, v61  }
0x17f: {  	v63 =	vld [tilespmem:s0+$0xD00]  }
0x180: {  	v56 =	vmul.f32 v53, v32;
	v47 =	vadd.f32 v47, v62;
	_ =	sdelay $0x1  }
0x181: {  	v57 =	vor.u32 v1, v48;
	v47 =	vadd.f32 v47, v56;
	_ =	sdelay $0x1  }
0x182: {  	v47 =	vadd.f32 v47, v63;
	_ =	sdelay $0x1  }
0x183: {  	[tilespmem:s30+$0x1000] =	vst v47  }
0x184: {  	v47 =	vld.idx.msk [tilespmem:v57+s15+$0x0], $0xffff;
	_ =	sdelay $0x4  }
0x185: {  	v58 =	vmul.f32 v49, v9;
	v46 =	vadd.f32 v47, v46;
	_ =	sdelay $0x1  }
0x186: {  	v59 =	vmul.f32 v50, v17;
	v46 =	vadd.f32 v46, v58;
	_ =	sdelay $0x1  }
0x187: {  	v60 =	vmul.f32 v52, v25;
	v46 =	vadd.f32 v46, v59  }
0x188: {  	v61 =	vld [tilespmem:s0+$0xD10]  }
0x189: {  	v62 =	vmul.f32 v53, v33;
	v46 =	vadd.f32 v46, v60;
	_ =	sdelay $0x1  }
0x18a: {  	v63 =	vor.u32 v2, v48;
	v46 =	vadd.f32 v46, v62;
	_ =	sdelay $0x1  }
0x18b: {  	v46 =	vadd.f32 v46, v61;
	_ =	sdelay $0x1  }
0x18c: {  	[tilespmem:s30+$0x1010] =	vst v46  }
0x18d: {  	v46 =	vld.idx.msk [tilespmem:v63+s15+$0x0], $0xffff;
	_ =	sdelay $0x4  }
0x18e: {  	v51 =	vmul.f32 v49, v10;
	v45 =	vadd.f32 v46, v45;
	_ =	sdelay $0x1  }
0x18f: {  	v54 =	vmul.f32 v50, v18;
	v45 =	vadd.f32 v45, v51;
	_ =	sdelay $0x1  }
0x190: {  	v55 =	vmul.f32 v52, v26;
	v45 =	vadd.f32 v45, v54  }
0x191: {  	v56 =	vld [tilespmem:s0+$0xD20]  }
0x192: {  	v57 =	vmul.f32 v53, v34;
	v45 =	vadd.f32 v45, v55;
	_ =	sdelay $0x1  }
0x193: {  	v58 =	vor.u32 v3, v48;
	v45 =	vadd.f32 v45, v57;
	_ =	sdelay $0x1  }
0x194: {  	v45 =	vadd.f32 v45, v56;
	_ =	sdelay $0x1  }
0x195: {  	[tilespmem:s30+$0x1020] =	vst v45  }
0x196: {  	v45 =	vld.idx.msk [tilespmem:v58+s15+$0x0], $0xffff;
	_ =	sdelay $0x4  }
0x197: {  	v59 =	vmul.f32 v49, v11;
	v44 =	vadd.f32 v45, v44;
	_ =	sdelay $0x1  }
0x198: {  	v60 =	vmul.f32 v50, v19;
	v44 =	vadd.f32 v44, v59;
	_ =	sdelay $0x1  }
0x199: {  	v61 =	vmul.f32 v52, v27;
	v44 =	vadd.f32 v44, v60  }
0x19a: {  	v62 =	vld [tilespmem:s0+$0xD30]  }
0x19b: {  	v63 =	vmul.f32 v53, v35;
	v44 =	vadd.f32 v44, v61;
	_ =	sdelay $0x1  }
0x19c: {  	v51 =	vor.u32 v4, v48;
	v44 =	vadd.f32 v44, v63;
	_ =	sdelay $0x1  }
0x19d: {  	v44 =	vadd.f32 v44, v62;
	_ =	sdelay $0x1  }
0x19e: {  	[tilespmem:s30+$0x1030] =	vst v44  }
0x19f: {  	v44 =	vld.idx.msk [tilespmem:v51+s15+$0x0], $0xffff;
	_ =	sdelay $0x4  }
0x1a0: {  	v54 =	vmul.f32 v49, v12;
	v43 =	vadd.f32 v44, v43;
	_ =	sdelay $0x1  }
0x1a1: {  	v55 =	vmul.f32 v50, v20;
	v43 =	vadd.f32 v43, v54;
	_ =	sdelay $0x1  }
0x1a2: {  	v56 =	vmul.f32 v52, v28;
	v43 =	vadd.f32 v43, v55  }
0x1a3: {  	v57 =	vld [tilespmem:s0+$0xD40]  }
0x1a4: {  	v58 =	vmul.f32 v53, v36;
	v43 =	vadd.f32 v43, v56;
	_ =	sdelay $0x1  }
0x1a5: {  	v59 =	vor.u32 v5, v48;
	v43 =	vadd.f32 v43, v58;
	_ =	sdelay $0x1  }
0x1a6: {  	v43 =	vadd.f32 v43, v57;
	_ =	sdelay $0x1  }
0x1a7: {  	[tilespmem:s30+$0x1040] =	vst v43  }
0x1a8: {  	v43 =	vld.idx.msk [tilespmem:v59+s15+$0x0], $0xffff;
	_ =	sdelay $0x4  }
0x1a9: {  	v60 =	vmul.f32 v49, v13;
	v42 =	vadd.f32 v43, v42;
	_ =	sdelay $0x1  }
0x1aa: {  	v61 =	vmul.f32 v50, v21;
	v42 =	vadd.f32 v42, v60;
	_ =	sdelay $0x1  }
0x1ab: {  	v62 =	vmul.f32 v52, v29;
	v42 =	vadd.f32 v42, v61  }
0x1ac: {  	v63 =	vld [tilespmem:s0+$0xD50]  }
0x1ad: {  	v46 =	vmul.f32 v53, v37;
	v42 =	vadd.f32 v42, v62;
	_ =	sdelay $0x1  }
0x1ae: {  	v47 =	vor.u32 v6, v48;
	v42 =	vadd.f32 v42, v46;
	_ =	sdelay $0x1  }
0x1af: {  	v42 =	vadd.f32 v42, v63;
	_ =	sdelay $0x1  }
0x1b0: {  	[tilespmem:s30+$0x1050] =	vst v42  }
0x1b1: {  	v42 =	vld.idx.msk [tilespmem:v47+s15+$0x0], $0xffff;
	_ =	sdelay $0x4  }
0x1b2: {  	v51 =	vmul.f32 v49, v14;
	v41 =	vadd.f32 v42, v41;
	_ =	sdelay $0x1  }
0x1b3: {  	v54 =	vmul.f32 v50, v22;
	v41 =	vadd.f32 v41, v51;
	_ =	sdelay $0x1  }
0x1b4: {  	v55 =	vmul.f32 v52, v30;
	v41 =	vadd.f32 v41, v54  }
0x1b5: {  	v56 =	vld [tilespmem:s0+$0xD60]  }
0x1b6: {  	v57 =	vmul.f32 v53, v38;
	v41 =	vadd.f32 v41, v55;
	_ =	sdelay $0x1  }
0x1b7: {  	v58 =	vor.u32 v7, v48;
	v41 =	vadd.f32 v41, v57;
	_ =	sdelay $0x1  }
0x1b8: {  	v41 =	vadd.f32 v41, v56;
	_ =	sdelay $0x1  }
0x1b9: {  	[tilespmem:s30+$0x1060] =	vst v41  }
0x1ba: {  	v41 =	vld.idx.msk [tilespmem:v58+s15+$0x0], $0xffff;
	_ =	sdelay $0x4  }
0x1bb: {  	v59 =	vmul.f32 v49, v15;
	v40 =	vadd.f32 v41, v40;
	_ =	sdelay $0x1  }
0x1bc: {  	v60 =	vmul.f32 v50, v23;
	v40 =	vadd.f32 v40, v59;
	_ =	sdelay $0x1  }
0x1bd: {  	v61 =	vmul.f32 v52, v31;
	v40 =	vadd.f32 v40, v60  }
0x1be: {  	v62 =	vld [tilespmem:s0+$0xD70]  }
0x1bf: {  	v63 =	vmul.f32 v53, v39;
	v40 =	vadd.f32 v40, v61  }
0x1c0: {  	p1 =	sne.s32 s2, $0x64  }
.Ltmp2:
0x1c1: {  	v40 =	vadd.f32 v40, v63;
	(pc) =	sbr.rel @p1 .LBB2_7-.Ltmp2, $4  }
0x1c2: {  	_ = 	snop  }
0x1c3: {  	v40 =	vadd.f32 v40, v62  }
0x1c4: {  	s2 =	sadd.s32 $0x4, s2;
	s1 =	sadd.s32 $0x80, s1  }
0x1c5: {  	s31 =	sadd.s32 $0x1, s31;
	s0 =	sadd.s32 $0x80, s0;
	[tilespmem:s30+$0x1070] =	vst v40;
	s30 =	sadd.s32 $0x80, s30  }
0x1c6: {  	s0 =	smul.u32 $0x68, s26;
	_ =	sdelay $0x1  }
0x1c7: {  	s0 =	sadd.s32 s8, s0  }
0x1c8: {  	p1 =	sne.s32 s24, $0x8;
	s0 =	smulhi.u32 $0x4EC4EC4F, s0  }
.Ltmp3:
0x1c9: {  	_ = 	snop;
	(pc) =	sbr.rel @p1 .LBB2_2-.Ltmp3, $4  }
0x1ca: {  	s0 =	sshll.u32 s0, $0x6  }
0x1cb: {  	s1 =	sadd.s32 $0x3, s25;
	s0 =	sand.u32 $0xFFFFFE00, s0  }
0x1cc: {  	p0 =	por !p0, !p0;
	s26 =	smov.u32 s24;
	s0 =	sadd.s32 s10, s0  }
0x1cd: {  	[hbm4b:s0+s4] =	stream.linear.scatter [tilespmem:s29], [sflag:s1], $0x4000, $0x38;
	[tilespmem:$0x11A80] =	vst v63  }
0x1ce: {  	s23 =	sadd.s32 $0x1, s23  }
0x1cf: {  	_ =	swait.ge [sflag:s21], $0x4000;
	p0 =	sne.s32 s23, s14  }
.Ltmp4:
0x1d0: {  	[sflag:s21] =	ssyncset.done $0x0;
	(pc) =	sbr.rel @p0 .LBB2_1-.Ltmp4, $4  }
0x1d1: {  	[sflag:s21] =	ssyncadd.s32 $0xFFFFC000  }
0x1d2: {  	_ =	swait.ge [sflag:s22], $0x4000  }
0x1d3: {  	[sflag:s22] =	ssyncset.done $0x0  }
0x1d4: {  	[sflag:s22] =	ssyncadd.s32 $0xFFFFC000  }
0x1d5: {  	_ =	sfence.sel $0x180000  }
0x1d6: {  	[bflag:$0x0] =	sbarrier.arrive $0xFFFF  }
0x1d7: {  	_ =	strace $0x90000047  }
0x1d8: {  	s0 =	stileid.u32;
	[bflag:$0x2] =	sbarrier.arrive $0xFFFF  }
0x1d9: {  	p0 =	sne.s32 s0, $0x0;
	s0 =	rddreg [dreg:$0x3]  }
0x1da: {  	s0 =	sadd.s32 @!p0 $0x100000, s0  }
0x1db: {  	[sflag:s0] =	ssyncadd.tile.s32 @!p0 $0x1;
	_ =	shalt  }
.Lfunc_end2:
_tile_overlayer_lowered:
.L_overlay_start_2:
0x1dc: {  	(tag) =	ssettag $0x2  }
0x1dd: {  	s0 =	rddreg [dreg:$0x0];
	s2 =	stileid.u32  }
0x1de: {  	s1 =	rddreg [dreg:$0x1];
	p0 =	sne.s32 s2, $0x0  }
0x1df: {  	s3 =	rddreg [dreg:$0x2];
	[bflag:$0x3] =	sbarrier.arrive $0xFFFF;
	s2 =	simm.s32 @!p0 $0x1C05  }
0x1e0: {  	[timem:s3], [sflag:s2] =	dma.local @!p0 [hbm:s0], s1  }
0x1e1: {  	s0 =	simm.s32 @!p0 $0x5  }
0x1e2: {  	_ =	swait.ge @!p0 [sflag:s0], s1  }
0x1e3: {  	s1 =	ssub.s32 @!p0 $0x0, s1;
	[sflag:s0] =	ssyncset.done @!p0 $0x0  }
0x1e4: {  	[sflag:s0] =	ssyncadd.s32 @!p0 s1  }
0x1e5: {  	[bflag:$0x3] =	sbarrier.arrive $0xFFFF  }
0x1e6: {  	_ =	shalt  }

</sc_bundles>
